<compile_context>
chip_gen: v7x
topology: tpu7x:2x2x1
jax: 0.10.2.dev20260603
libtpu: 0.0.44.dev20260713+nightly
codegen_flags: <defaults>
</compile_context>

<pallas_src>
import functools

import jax
import jax.numpy as jnp
from jax import lax
from jax.experimental import pallas as pl
from jax.experimental.pallas import tpu as pltpu
from jax.experimental.pallas import tpu_sc as plsc

MAX_DEG = 64
VOCAB = MAX_DEG + 1
D = 128
N_ROWS = 100000
NUM_CORES = 2
NUM_SUBCORES = 16
NW = NUM_CORES * NUM_SUBCORES
CH = 128
NFULL = N_ROWS // CH
TAIL = N_ROWS - NFULL * CH
NCH = NFULL + 1
PAD_N = NCH * CH
CPW = (NCH + NW - 1) // NW


def _prep_body(win_ref, wout_ref, ind_ref, outd_ref, wsum_ref, idx_ref):
    win = win_ref[...]
    wout = wout_ref[...]
    wsum_ref[...] = win[:, None, :] + wout[None, :, :]
    a = jnp.clip(ind_ref[...], 0, MAX_DEG)
    b = jnp.clip(outd_ref[...], 0, MAX_DEG)
    idx_ref[...] = a * VOCAB + b


_mesh = plsc.VectorSubcoreMesh(core_axis_name="c", subcore_axis_name="s")


@functools.partial(
    pl.kernel,
    mesh=_mesh,
    out_type=jax.ShapeDtypeStruct((N_ROWS, D), jnp.float32),
    scratch_types=[
        pltpu.VMEM((CH,), jnp.int32),
        pltpu.VMEM((CH,), jnp.int32),
        pltpu.VMEM((CH,), jnp.int32),
        pltpu.VMEM((CH,), jnp.int32),
        pltpu.VMEM((CH, D), jnp.float32),
        pltpu.VMEM((CH, D), jnp.float32),
        pltpu.VMEM((CH, D), jnp.float32),
        pltpu.VMEM((CH, D), jnp.float32),
        pltpu.SemaphoreType.DMA,
        pltpu.SemaphoreType.DMA,
        pltpu.SemaphoreType.DMA,
        pltpu.SemaphoreType.DMA,
        pltpu.SemaphoreType.DMA,
        pltpu.SemaphoreType.DMA,
        pltpu.SemaphoreType.DMA,
        pltpu.SemaphoreType.DMA,
        pltpu.SemaphoreType.DMA,
    ],
)
def _sc_gather(wsum_hbm, idx_hbm, out_hbm, idx_a, idx_b, idx_c, idx_d,
               rows_a, rows_b, rows_c, rows_d, sem_i, sem_g0, sem_g1, sem_g2,
               sem_g3, sem_w0, sem_w1, sem_w2, sem_w3):
    wid = lax.axis_index("s") * NUM_CORES + lax.axis_index("c")
    idx = (idx_a, idx_b, idx_c, idx_d)
    rows = (rows_a, rows_b, rows_c, rows_d)
    sem_g = (sem_g0, sem_g1, sem_g2, sem_g3)
    sem_w = (sem_w0, sem_w1, sem_w2, sem_w3)
    M = 4

    def wait_gather(c):
        pltpu.make_async_copy(wsum_hbm.at[pl.ds(0, CH)], rows[c % M],
                              sem_g[c % M]).wait()

    def wait_write(c, g):
        pltpu.make_async_copy(rows[c % M], out_hbm.at[pl.ds(g * CH, CH)],
                              sem_w[c % M]).wait()

    pltpu.sync_copy(idx_hbm.at[pl.ds(wid * CH, CH)], idx[0])
    pltpu.async_copy(wsum_hbm.at[idx[0]], rows[0], sem_g[0])
    pltpu.async_copy(idx_hbm.at[pl.ds((NW + wid) * CH, CH)], idx[1], sem_i)
    pltpu.make_async_copy(idx_hbm.at[pl.ds((NW + wid) * CH, CH)], idx[1],
                          sem_i).wait()
    pltpu.async_copy(wsum_hbm.at[idx[1]], rows[1], sem_g[1])
    pltpu.async_copy(idx_hbm.at[pl.ds((2 * NW + wid) * CH, CH)], idx[2],
                     sem_i)

    for c in range(CPW):
        g = c * NW + wid
        b = c % M
        g2 = g + 2 * NW

        if c + 2 < CPW:
            @pl.when(g2 < NCH)
            def _(c=c, g2=g2):
                s = (c + 2) % M
                pltpu.make_async_copy(idx_hbm.at[pl.ds(g2 * CH, CH)],
                                      idx[s], sem_i).wait()
                if c >= 2:
                    wait_write(c - 2, g2 - 4 * NW)
                pltpu.async_copy(wsum_hbm.at[idx[s]], rows[s], sem_g[s])
                if c + 3 < CPW:
                    @pl.when(g2 + NW < NCH)
                    def _():
                        pltpu.async_copy(
                            idx_hbm.at[pl.ds((g2 + NW) * CH, CH)],
                            idx[(c + 3) % M], sem_i)

        if c < CPW - 1:
            wait_gather(c)
            pltpu.async_copy(rows[b], out_hbm.at[pl.ds(g * CH, CH)],
                             sem_w[b])
        else:
            @pl.when(g < NCH)
            def _(c=c):
                wait_gather(c)

            @pl.when(g < NFULL)
            def _(g=g, b=b):
                pltpu.async_copy(rows[b], out_hbm.at[pl.ds(g * CH, CH)],
                                 sem_w[b])

            @pl.when(g == NFULL)
            def _(g=g, b=b):
                pltpu.sync_copy(rows[b].at[pl.ds(0, TAIL)],
                                out_hbm.at[pl.ds(g * CH, TAIL)])

    wait_write(CPW - 4, (CPW - 4) * NW + wid)
    wait_write(CPW - 3, (CPW - 3) * NW + wid)
    wait_write(CPW - 2, (CPW - 2) * NW + wid)
    g24 = (CPW - 1) * NW + wid

    @pl.when(g24 < NFULL)
    def _():
        wait_write(CPW - 1, g24)

    @pl.when(g24 >= NCH)
    def _():
        wait_write(CPW - 5, (CPW - 5) * NW + wid)


def kernel(in_degree, out_degree, W_in, W_out):
    pad = PAD_N - N_ROWS
    ind = jnp.pad(in_degree.astype(jnp.int32), (0, pad)).reshape(NCH, CH)
    outd = jnp.pad(out_degree.astype(jnp.int32), (0, pad)).reshape(NCH, CH)
    wsum, idxc = pl.pallas_call(
        _prep_body,
        out_shape=[
            jax.ShapeDtypeStruct((VOCAB, VOCAB, D), jnp.float32),
            jax.ShapeDtypeStruct((NCH, CH), jnp.int32),
        ],
    )(W_in, W_out, ind, outd)
    return _sc_gather(wsum.reshape(VOCAB * VOCAB, D), idxc.reshape(PAD_N))

# --- scband reference (transcript-rebuilt; emitter-appended) ---
"""Pipeline reference for scband-degree-encoding-21492016349936 (READ-ONLY COPY).

The authoritative reference and input builder live on the scoring server;
editing this copy changes nothing except your own understanding.
"""

import jax, jax.numpy as jnp
import numpy as np

MAX_DEGREE = 64
EMBED_DIM = 128
N = 100000

def setup_inputs(seed: int = 0) -> dict:
    key = jax.random.key(seed)
    k1, k2, k3, k4 = jax.random.split(key, 4)
    in_degree = jax.random.randint(k1, (N,), 0, MAX_DEGREE + 1, dtype=jnp.int64 if jax.config.jax_enable_x64 else jnp.int32)
    out_degree = jax.random.randint(k2, (N,), 0, MAX_DEGREE + 1, dtype=jnp.int64 if jax.config.jax_enable_x64 else jnp.int32)
    # learnable embedding tables (initialized zeros in the torch module; use small random values
    # so the computation is non-degenerate for testing)
    W_in = jax.random.normal(k3, (MAX_DEGREE + 1, EMBED_DIM), dtype=jnp.float32) * 0.02
    W_out = jax.random.normal(k4, (MAX_DEGREE + 1, EMBED_DIM), dtype=jnp.float32) * 0.02
    return {"in_degree": in_degree, "out_degree": out_degree, "W_in": W_in, "W_out": W_out}

def reference(in_degree, out_degree, W_in, W_out):
    in_d = jnp.clip(in_degree, 0, MAX_DEGREE)
    out_d = jnp.clip(out_degree, 0, MAX_DEGREE)
    return jnp.take(W_in, in_d, axis=0) + jnp.take(W_out, out_d, axis=0)

if __name__ == "__main__":
    import jax
    _d = setup_inputs()
    print(jax.jit(kernel)(*tuple(_d.values())))

</pallas_src>

<mosaic_0001>
#map = affine_map<(d0, d1) -> (0, 0)>
#map1 = affine_map<(d0, d1) -> (0)>
module attributes {stable_mosaic.version = 14 : i64} {
  func.func @_sc_gather(%arg0: i32, %arg1: i32, %arg2: memref<4225x128xf32, #tpu.memory_space<hbm>>, %arg3: memref<100096xi32, #tpu.memory_space<hbm>>, %arg4: memref<100000x128xf32, #tpu.memory_space<hbm>>, %arg5: memref<128xi32, #tpu.memory_space<vmem>>, %arg6: memref<128xi32, #tpu.memory_space<vmem>>, %arg7: memref<128xi32, #tpu.memory_space<vmem>>, %arg8: memref<128xi32, #tpu.memory_space<vmem>>, %arg9: memref<128x128xf32, #tpu.memory_space<vmem>>, %arg10: memref<128x128xf32, #tpu.memory_space<vmem>>, %arg11: memref<128x128xf32, #tpu.memory_space<vmem>>, %arg12: memref<128x128xf32, #tpu.memory_space<vmem>>, %arg13: memref<!tpu.dma_semaphore, #tpu.memory_space<semaphore_mem>>, %arg14: memref<!tpu.dma_semaphore, #tpu.memory_space<semaphore_mem>>, %arg15: memref<!tpu.dma_semaphore, #tpu.memory_space<semaphore_mem>>, %arg16: memref<!tpu.dma_semaphore, #tpu.memory_space<semaphore_mem>>, %arg17: memref<!tpu.dma_semaphore, #tpu.memory_space<semaphore_mem>>, %arg18: memref<!tpu.dma_semaphore, #tpu.memory_space<semaphore_mem>>, %arg19: memref<!tpu.dma_semaphore, #tpu.memory_space<semaphore_mem>>, %arg20: memref<!tpu.dma_semaphore, #tpu.memory_space<semaphore_mem>>, %arg21: memref<!tpu.dma_semaphore, #tpu.memory_space<semaphore_mem>>) attributes {dimension_semantics = [#tpu.dimension_semantics<core_parallel>, #tpu.dimension_semantics<subcore_parallel>], iteration_bounds = array<i64: 2, 16>, scalar_prefetch = 0 : i64, scratch_operands = 17 : i64, tpu.core_type = #tpu.core_type<sc_vector_subcore>, window_params = [{transform_indices = #map}, {transform_indices = #map1}, {transform_indices = #map}]} {
    %mul3A = arith.constant 2 : i32
    %mul3A_0 = arith.muli %arg1, %mul3A : i32
    %add3A = arith.addi %mul3A_0, %arg0 : i32
    %mul3A_1 = arith.constant 128 : i32
    %mul3A_2 = arith.muli %add3A, %mul3A_1 : i32
    "tpu.region"() ({
      %run_scoped3A = tpu.sem_alloc : memref<!tpu.dma_semaphore, #tpu.memory_space<semaphore_mem>>
      %dma_start3A_574 = tpu.memref_slice %arg3[%mul3A_2] : memref<100096xi32, #tpu.memory_space<hbm>> -> memref<128xi32, #tpu.memory_space<hbm>>
      %dma_start3A_575 = tpu.memref_slice %arg3[%mul3A_2] : memref<100096xi32, #tpu.memory_space<hbm>> -> memref<128xi32, #tpu.memory_space<hbm>>
      tpu.enqueue_dma source(%dma_start3A_575 : memref<128xi32, #tpu.memory_space<hbm>>) target(%arg5 : memref<128xi32, #tpu.memory_space<vmem>>) target_semaphore(%run_scoped3A : memref<!tpu.dma_semaphore, #tpu.memory_space<semaphore_mem>>)
      %dma_wait3A_576 = tpu.memref_slice %arg3[%mul3A_2] : memref<100096xi32, #tpu.memory_space<hbm>> -> memref<128xi32, #tpu.memory_space<hbm>>
      %dma_wait3A_577 = tpu.memref_slice %arg3[%mul3A_2] : memref<100096xi32, #tpu.memory_space<hbm>> -> memref<128xi32, #tpu.memory_space<hbm>>
      tpu.wait_dma2 semaphore(%run_scoped3A : memref<!tpu.dma_semaphore, #tpu.memory_space<semaphore_mem>>) src(%dma_wait3A_577 : memref<128xi32, #tpu.memory_space<hbm>>) dst(%arg5 : memref<128xi32, #tpu.memory_space<vmem>>)
      tpu.yield
    }) : () -> ()
    %dma_start3A = arith.constant 0 : i32
    %dma_start3A_3 = arith.constant 0 : i32
    %dma_start3A_4 = tpu.memref_slice %arg2[%dma_start3A, %dma_start3A_3] : memref<4225x128xf32, #tpu.memory_space<hbm>> -> memref<4225x128xf32, #tpu.memory_space<hbm>>
    tpu.enqueue_indirect_dma source(%dma_start3A_4 : memref<4225x128xf32, #tpu.memory_space<hbm>>) target(%arg9 : memref<128x128xf32, #tpu.memory_space<vmem>>) offsets(%arg5 : memref<128xi32, #tpu.memory_space<vmem>>) semaphore(%arg14 : memref<!tpu.dma_semaphore, #tpu.memory_space<semaphore_mem>>)
    %add3A_5 = arith.constant 32 : i32
    %add3A_6 = arith.addi %add3A_5, %add3A : i32
    %mul3A_7 = arith.constant 128 : i32
    %mul3A_8 = arith.muli %add3A_6, %mul3A_7 : i32
    %dma_start3A_9 = tpu.memref_slice %arg3[%mul3A_8] : memref<100096xi32, #tpu.memory_space<hbm>> -> memref<128xi32, #tpu.memory_space<hbm>>
    %dma_start3A_10 = tpu.memref_slice %arg3[%mul3A_8] : memref<100096xi32, #tpu.memory_space<hbm>> -> memref<128xi32, #tpu.memory_space<hbm>>
    tpu.enqueue_dma source(%dma_start3A_10 : memref<128xi32, #tpu.memory_space<hbm>>) target(%arg6 : memref<128xi32, #tpu.memory_space<vmem>>) target_semaphore(%arg13 : memref<!tpu.dma_semaphore, #tpu.memory_space<semaphore_mem>>)
    %add3A_11 = arith.constant 32 : i32
    %add3A_12 = arith.addi %add3A_11, %add3A : i32
    %mul3A_13 = arith.constant 128 : i32
    %mul3A_14 = arith.muli %add3A_12, %mul3A_13 : i32
    %dma_wait3A = tpu.memref_slice %arg3[%mul3A_14] : memref<100096xi32, #tpu.memory_space<hbm>> -> memref<128xi32, #tpu.memory_space<hbm>>
    %dma_wait3A_15 = tpu.memref_slice %arg3[%mul3A_14] : memref<100096xi32, #tpu.memory_space<hbm>> -> memref<128xi32, #tpu.memory_space<hbm>>
    tpu.wait_dma2 semaphore(%arg13 : memref<!tpu.dma_semaphore, #tpu.memory_space<semaphore_mem>>) src(%dma_wait3A_15 : memref<128xi32, #tpu.memory_space<hbm>>) dst(%arg6 : memref<128xi32, #tpu.memory_space<vmem>>)
    %dma_start3A_16 = arith.constant 0 : i32
    %dma_start3A_17 = arith.constant 0 : i32
    %dma_start3A_18 = tpu.memref_slice %arg2[%dma_start3A_16, %dma_start3A_17] : memref<4225x128xf32, #tpu.memory_space<hbm>> -> memref<4225x128xf32, #tpu.memory_space<hbm>>
    tpu.enqueue_indirect_dma source(%dma_start3A_18 : memref<4225x128xf32, #tpu.memory_space<hbm>>) target(%arg10 : memref<128x128xf32, #tpu.memory_space<vmem>>) offsets(%arg6 : memref<128xi32, #tpu.memory_space<vmem>>) semaphore(%arg15 : memref<!tpu.dma_semaphore, #tpu.memory_space<semaphore_mem>>)
    %add3A_19 = arith.constant 64 : i32
    %add3A_20 = arith.addi %add3A_19, %add3A : i32
    %mul3A_21 = arith.constant 128 : i32
    %mul3A_22 = arith.muli %add3A_20, %mul3A_21 : i32
    %dma_start3A_23 = tpu.memref_slice %arg3[%mul3A_22] : memref<100096xi32, #tpu.memory_space<hbm>> -> memref<128xi32, #tpu.memory_space<hbm>>
    %dma_start3A_24 = tpu.memref_slice %arg3[%mul3A_22] : memref<100096xi32, #tpu.memory_space<hbm>> -> memref<128xi32, #tpu.memory_space<hbm>>
    tpu.enqueue_dma source(%dma_start3A_24 : memref<128xi32, #tpu.memory_space<hbm>>) target(%arg7 : memref<128xi32, #tpu.memory_space<vmem>>) target_semaphore(%arg13 : memref<!tpu.dma_semaphore, #tpu.memory_space<semaphore_mem>>)
    %add3A_25 = arith.constant 0 : i32
    %add3A_26 = arith.addi %add3A_25, %add3A : i32
    %add3A_27 = arith.constant 64 : i32
    %add3A_28 = arith.addi %add3A_26, %add3A_27 : i32
    %lt3A = arith.constant 782 : i32
    %lt3A_29 = arith.cmpi slt, %add3A_28, %lt3A : i32
    %convert_element_type3A = arith.extui %lt3A_29 : i1 to i32
    %cond3A = arith.constant 0 : i32
    %cond3A_30 = arith.cmpi ne, %convert_element_type3A, %cond3A : i32
    scf.if %cond3A_30 {
      %mul3A_574 = arith.constant 128 : i32
      %mul3A_575 = arith.muli %add3A_28, %mul3A_574 : i32
      %dma_wait3A_576 = tpu.memref_slice %arg3[%mul3A_575] : memref<100096xi32, #tpu.memory_space<hbm>> -> memref<128xi32, #tpu.memory_space<hbm>>
      %dma_wait3A_577 = tpu.memref_slice %arg3[%mul3A_575] : memref<100096xi32, #tpu.memory_space<hbm>> -> memref<128xi32, #tpu.memory_space<hbm>>
      tpu.wait_dma2 semaphore(%arg13 : memref<!tpu.dma_semaphore, #tpu.memory_space<semaphore_mem>>) src(%dma_wait3A_577 : memref<128xi32, #tpu.memory_space<hbm>>) dst(%arg7 : memref<128xi32, #tpu.memory_space<vmem>>)
      %dma_start3A_578 = arith.constant 0 : i32
      %dma_start3A_579 = arith.constant 0 : i32
      %dma_start3A_580 = tpu.memref_slice %arg2[%dma_start3A_578, %dma_start3A_579] : memref<4225x128xf32, #tpu.memory_space<hbm>> -> memref<4225x128xf32, #tpu.memory_space<hbm>>
      tpu.enqueue_indirect_dma source(%dma_start3A_580 : memref<4225x128xf32, #tpu.memory_space<hbm>>) target(%arg11 : memref<128x128xf32, #tpu.memory_space<vmem>>) offsets(%arg7 : memref<128xi32, #tpu.memory_space<vmem>>) semaphore(%arg16 : memref<!tpu.dma_semaphore, #tpu.memory_space<semaphore_mem>>)
      %add3A_581 = arith.constant 32 : i32
      %add3A_582 = arith.addi %add3A_28, %add3A_581 : i32
      %lt3A_583 = arith.constant 782 : i32
      %lt3A_584 = arith.cmpi slt, %add3A_582, %lt3A_583 : i32
      %convert_element_type3A_585 = arith.extui %lt3A_584 : i1 to i32
      %cond3A_586 = arith.constant 0 : i32
      %cond3A_587 = arith.cmpi ne, %convert_element_type3A_585, %cond3A_586 : i32
      scf.if %cond3A_587 {
        %add3A_588 = arith.constant 32 : i32
        %add3A_589 = arith.addi %add3A_28, %add3A_588 : i32
        %mul3A_590 = arith.constant 128 : i32
        %mul3A_591 = arith.muli %add3A_589, %mul3A_590 : i32
        %dma_start3A_592 = tpu.memref_slice %arg3[%mul3A_591] : memref<100096xi32, #tpu.memory_space<hbm>> -> memref<128xi32, #tpu.memory_space<hbm>>
        %dma_start3A_593 = tpu.memref_slice %arg3[%mul3A_591] : memref<100096xi32, #tpu.memory_space<hbm>> -> memref<128xi32, #tpu.memory_space<hbm>>
        tpu.enqueue_dma source(%dma_start3A_593 : memref<128xi32, #tpu.memory_space<hbm>>) target(%arg8 : memref<128xi32, #tpu.memory_space<vmem>>) target_semaphore(%arg13 : memref<!tpu.dma_semaphore, #tpu.memory_space<semaphore_mem>>)
      } else {
      }
    } else {
    }
    %dma_wait3A_31 = arith.constant 0 : i32
    %dma_wait3A_32 = arith.constant 0 : i32
    %dma_wait3A_33 = tpu.memref_slice %arg2[%dma_wait3A_31, %dma_wait3A_32] : memref<4225x128xf32, #tpu.memory_space<hbm>> -> memref<128x128xf32, #tpu.memory_space<hbm>>
    %dma_wait3A_34 = arith.constant 0 : i32
    %dma_wait3A_35 = arith.constant 0 : i32
    %dma_wait3A_36 = tpu.memref_slice %arg2[%dma_wait3A_34, %dma_wait3A_35] : memref<4225x128xf32, #tpu.memory_space<hbm>> -> memref<128x128xf32, #tpu.memory_space<hbm>>
    tpu.wait_dma2 semaphore(%arg14 : memref<!tpu.dma_semaphore, #tpu.memory_space<semaphore_mem>>) src(%dma_wait3A_36 : memref<128x128xf32, #tpu.memory_space<hbm>>) dst(%arg9 : memref<128x128xf32, #tpu.memory_space<vmem>>)
    %mul3A_37 = arith.constant 128 : i32
    %mul3A_38 = arith.muli %add3A_26, %mul3A_37 : i32
    %dma_start3A_39 = arith.constant 0 : i32
    %dma_start3A_40 = tpu.memref_slice %arg4[%mul3A_38, %dma_start3A_39] : memref<100000x128xf32, #tpu.memory_space<hbm>> -> memref<128x128xf32, #tpu.memory_space<hbm>>
    %dma_start3A_41 = arith.constant 0 : i32
    %dma_start3A_42 = tpu.memref_slice %arg4[%mul3A_38, %dma_start3A_41] : memref<100000x128xf32, #tpu.memory_space<hbm>> -> memref<128x128xf32, #tpu.memory_space<hbm>>
    tpu.enqueue_dma source(%arg9 : memref<128x128xf32, #tpu.memory_space<vmem>>) target(%dma_start3A_42 : memref<128x128xf32, #tpu.memory_space<hbm>>) target_semaphore(%arg18 : memref<!tpu.dma_semaphore, #tpu.memory_space<semaphore_mem>>)
    %add3A_43 = arith.constant 32 : i32
    %add3A_44 = arith.addi %add3A_43, %add3A : i32
    %add3A_45 = arith.constant 64 : i32
    %add3A_46 = arith.addi %add3A_44, %add3A_45 : i32
    %lt3A_47 = arith.constant 782 : i32
    %lt3A_48 = arith.cmpi slt, %add3A_46, %lt3A_47 : i32
    %convert_element_type3A_49 = arith.extui %lt3A_48 : i1 to i32
    %cond3A_50 = arith.constant 0 : i32
    %cond3A_51 = arith.cmpi ne, %convert_element_type3A_49, %cond3A_50 : i32
    scf.if %cond3A_51 {
      %mul3A_574 = arith.constant 128 : i32
      %mul3A_575 = arith.muli %add3A_46, %mul3A_574 : i32
      %dma_wait3A_576 = tpu.memref_slice %arg3[%mul3A_575] : memref<100096xi32, #tpu.memory_space<hbm>> -> memref<128xi32, #tpu.memory_space<hbm>>
      %dma_wait3A_577 = tpu.memref_slice %arg3[%mul3A_575] : memref<100096xi32, #tpu.memory_space<hbm>> -> memref<128xi32, #tpu.memory_space<hbm>>
      tpu.wait_dma2 semaphore(%arg13 : memref<!tpu.dma_semaphore, #tpu.memory_space<semaphore_mem>>) src(%dma_wait3A_577 : memref<128xi32, #tpu.memory_space<hbm>>) dst(%arg8 : memref<128xi32, #tpu.memory_space<vmem>>)
      %dma_start3A_578 = arith.constant 0 : i32
      %dma_start3A_579 = arith.constant 0 : i32
      %dma_start3A_580 = tpu.memref_slice %arg2[%dma_start3A_578, %dma_start3A_579] : memref<4225x128xf32, #tpu.memory_space<hbm>> -> memref<4225x128xf32, #tpu.memory_space<hbm>>
      tpu.enqueue_indirect_dma source(%dma_start3A_580 : memref<4225x128xf32, #tpu.memory_space<hbm>>) target(%arg12 : memref<128x128xf32, #tpu.memory_space<vmem>>) offsets(%arg8 : memref<128xi32, #tpu.memory_space<vmem>>) semaphore(%arg17 : memref<!tpu.dma_semaphore, #tpu.memory_space<semaphore_mem>>)
      %add3A_581 = arith.constant 32 : i32
      %add3A_582 = arith.addi %add3A_46, %add3A_581 : i32
      %lt3A_583 = arith.constant 782 : i32
      %lt3A_584 = arith.cmpi slt, %add3A_582, %lt3A_583 : i32
      %convert_element_type3A_585 = arith.extui %lt3A_584 : i1 to i32
      %cond3A_586 = arith.constant 0 : i32
      %cond3A_587 = arith.cmpi ne, %convert_element_type3A_585, %cond3A_586 : i32
      scf.if %cond3A_587 {
        %add3A_588 = arith.constant 32 : i32
        %add3A_589 = arith.addi %add3A_46, %add3A_588 : i32
        %mul3A_590 = arith.constant 128 : i32
        %mul3A_591 = arith.muli %add3A_589, %mul3A_590 : i32
        %dma_start3A_592 = tpu.memref_slice %arg3[%mul3A_591] : memref<100096xi32, #tpu.memory_space<hbm>> -> memref<128xi32, #tpu.memory_space<hbm>>
        %dma_start3A_593 = tpu.memref_slice %arg3[%mul3A_591] : memref<100096xi32, #tpu.memory_space<hbm>> -> memref<128xi32, #tpu.memory_space<hbm>>
        tpu.enqueue_dma source(%dma_start3A_593 : memref<128xi32, #tpu.memory_space<hbm>>) target(%arg5 : memref<128xi32, #tpu.memory_space<vmem>>) target_semaphore(%arg13 : memref<!tpu.dma_semaphore, #tpu.memory_space<semaphore_mem>>)
      } else {
      }
    } else {
    }
    %dma_wait3A_52 = arith.constant 0 : i32
    %dma_wait3A_53 = arith.constant 0 : i32
    %dma_wait3A_54 = tpu.memref_slice %arg2[%dma_wait3A_52, %dma_wait3A_53] : memref<4225x128xf32, #tpu.memory_space<hbm>> -> memref<128x128xf32, #tpu.memory_space<hbm>>
    %dma_wait3A_55 = arith.constant 0 : i32
    %dma_wait3A_56 = arith.constant 0 : i32
    %dma_wait3A_57 = tpu.memref_slice %arg2[%dma_wait3A_55, %dma_wait3A_56] : memref<4225x128xf32, #tpu.memory_space<hbm>> -> memref<128x128xf32, #tpu.memory_space<hbm>>
    tpu.wait_dma2 semaphore(%arg15 : memref<!tpu.dma_semaphore, #tpu.memory_space<semaphore_mem>>) src(%dma_wait3A_57 : memref<128x128xf32, #tpu.memory_space<hbm>>) dst(%arg10 : memref<128x128xf32, #tpu.memory_space<vmem>>)
    %mul3A_58 = arith.constant 128 : i32
    %mul3A_59 = arith.muli %add3A_44, %mul3A_58 : i32
    %dma_start3A_60 = arith.constant 0 : i32
    %dma_start3A_61 = tpu.memref_slice %arg4[%mul3A_59, %dma_start3A_60] : memref<100000x128xf32, #tpu.memory_space<hbm>> -> memref<128x128xf32, #tpu.memory_space<hbm>>
    %dma_start3A_62 = arith.constant 0 : i32
    %dma_start3A_63 = tpu.memref_slice %arg4[%mul3A_59, %dma_start3A_62] : memref<100000x128xf32, #tpu.memory_space<hbm>> -> memref<128x128xf32, #tpu.memory_space<hbm>>
    tpu.enqueue_dma source(%arg10 : memref<128x128xf32, #tpu.memory_space<vmem>>) target(%dma_start3A_63 : memref<128x128xf32, #tpu.memory_space<hbm>>) target_semaphore(%arg19 : memref<!tpu.dma_semaphore, #tpu.memory_space<semaphore_mem>>)
    %add3A_64 = arith.constant 64 : i32
    %add3A_65 = arith.addi %add3A_64, %add3A : i32
    %add3A_66 = arith.constant 64 : i32
    %add3A_67 = arith.addi %add3A_65, %add3A_66 : i32
    %lt3A_68 = arith.constant 782 : i32
    %lt3A_69 = arith.cmpi slt, %add3A_67, %lt3A_68 : i32
    %convert_element_type3A_70 = arith.extui %lt3A_69 : i1 to i32
    %cond3A_71 = arith.constant 0 : i32
    %cond3A_72 = arith.cmpi ne, %convert_element_type3A_70, %cond3A_71 : i32
    scf.if %cond3A_72 {
      %mul3A_574 = arith.constant 128 : i32
      %mul3A_575 = arith.muli %add3A_67, %mul3A_574 : i32
      %dma_wait3A_576 = tpu.memref_slice %arg3[%mul3A_575] : memref<100096xi32, #tpu.memory_space<hbm>> -> memref<128xi32, #tpu.memory_space<hbm>>
      %dma_wait3A_577 = tpu.memref_slice %arg3[%mul3A_575] : memref<100096xi32, #tpu.memory_space<hbm>> -> memref<128xi32, #tpu.memory_space<hbm>>
      tpu.wait_dma2 semaphore(%arg13 : memref<!tpu.dma_semaphore, #tpu.memory_space<semaphore_mem>>) src(%dma_wait3A_577 : memref<128xi32, #tpu.memory_space<hbm>>) dst(%arg5 : memref<128xi32, #tpu.memory_space<vmem>>)
      %sub3A = arith.constant 128 : i32
      %sub3A_578 = arith.subi %add3A_67, %sub3A : i32
      %mul3A_579 = arith.constant 128 : i32
      %mul3A_580 = arith.muli %sub3A_578, %mul3A_579 : i32
      %dma_wait3A_581 = arith.constant 0 : i32
      %dma_wait3A_582 = tpu.memref_slice %arg4[%mul3A_580, %dma_wait3A_581] : memref<100000x128xf32, #tpu.memory_space<hbm>> -> memref<128x128xf32, #tpu.memory_space<hbm>>
      %dma_wait3A_583 = arith.constant 0 : i32
      %dma_wait3A_584 = tpu.memref_slice %arg4[%mul3A_580, %dma_wait3A_583] : memref<100000x128xf32, #tpu.memory_space<hbm>> -> memref<128x128xf32, #tpu.memory_space<hbm>>
      tpu.wait_dma2 semaphore(%arg18 : memref<!tpu.dma_semaphore, #tpu.memory_space<semaphore_mem>>) src(%arg9 : memref<128x128xf32, #tpu.memory_space<vmem>>) dst(%dma_wait3A_584 : memref<128x128xf32, #tpu.memory_space<hbm>>)
      %dma_start3A_585 = arith.constant 0 : i32
      %dma_start3A_586 = arith.constant 0 : i32
      %dma_start3A_587 = tpu.memref_slice %arg2[%dma_start3A_585, %dma_start3A_586] : memref<4225x128xf32, #tpu.memory_space<hbm>> -> memref<4225x128xf32, #tpu.memory_space<hbm>>
      tpu.enqueue_indirect_dma source(%dma_start3A_587 : memref<4225x128xf32, #tpu.memory_space<hbm>>) target(%arg9 : memref<128x128xf32, #tpu.memory_space<vmem>>) offsets(%arg5 : memref<128xi32, #tpu.memory_space<vmem>>) semaphore(%arg14 : memref<!tpu.dma_semaphore, #tpu.memory_space<semaphore_mem>>)
      %add3A_588 = arith.constant 32 : i32
      %add3A_589 = arith.addi %add3A_67, %add3A_588 : i32
      %lt3A_590 = arith.constant 782 : i32
      %lt3A_591 = arith.cmpi slt, %add3A_589, %lt3A_590 : i32
      %convert_element_type3A_592 = arith.extui %lt3A_591 : i1 to i32
      %cond3A_593 = arith.constant 0 : i32
      %cond3A_594 = arith.cmpi ne, %convert_element_type3A_592, %cond3A_593 : i32
      scf.if %cond3A_594 {
        %add3A_595 = arith.constant 32 : i32
        %add3A_596 = arith.addi %add3A_67, %add3A_595 : i32
        %mul3A_597 = arith.constant 128 : i32
        %mul3A_598 = arith.muli %add3A_596, %mul3A_597 : i32
        %dma_start3A_599 = tpu.memref_slice %arg3[%mul3A_598] : memref<100096xi32, #tpu.memory_space<hbm>> -> memref<128xi32, #tpu.memory_space<hbm>>
        %dma_start3A_600 = tpu.memref_slice %arg3[%mul3A_598] : memref<100096xi32, #tpu.memory_space<hbm>> -> memref<128xi32, #tpu.memory_space<hbm>>
        tpu.enqueue_dma source(%dma_start3A_600 : memref<128xi32, #tpu.memory_space<hbm>>) target(%arg6 : memref<128xi32, #tpu.memory_space<vmem>>) target_semaphore(%arg13 : memref<!tpu.dma_semaphore, #tpu.memory_space<semaphore_mem>>)
      } else {
      }
    } else {
    }
    %dma_wait3A_73 = arith.constant 0 : i32
    %dma_wait3A_74 = arith.constant 0 : i32
    %dma_wait3A_75 = tpu.memref_slice %arg2[%dma_wait3A_73, %dma_wait3A_74] : memref<4225x128xf32, #tpu.memory_space<hbm>> -> memref<128x128xf32, #tpu.memory_space<hbm>>
    %dma_wait3A_76 = arith.constant 0 : i32
    %dma_wait3A_77 = arith.constant 0 : i32
    %dma_wait3A_78 = tpu.memref_slice %arg2[%dma_wait3A_76, %dma_wait3A_77] : memref<4225x128xf32, #tpu.memory_space<hbm>> -> memref<128x128xf32, #tpu.memory_space<hbm>>
    tpu.wait_dma2 semaphore(%arg16 : memref<!tpu.dma_semaphore, #tpu.memory_space<semaphore_mem>>) src(%dma_wait3A_78 : memref<128x128xf32, #tpu.memory_space<hbm>>) dst(%arg11 : memref<128x128xf32, #tpu.memory_space<vmem>>)
    %mul3A_79 = arith.constant 128 : i32
    %mul3A_80 = arith.muli %add3A_65, %mul3A_79 : i32
    %dma_start3A_81 = arith.constant 0 : i32
    %dma_start3A_82 = tpu.memref_slice %arg4[%mul3A_80, %dma_start3A_81] : memref<100000x128xf32, #tpu.memory_space<hbm>> -> memref<128x128xf32, #tpu.memory_space<hbm>>
    %dma_start3A_83 = arith.constant 0 : i32
    %dma_start3A_84 = tpu.memref_slice %arg4[%mul3A_80, %dma_start3A_83] : memref<100000x128xf32, #tpu.memory_space<hbm>> -> memref<128x128xf32, #tpu.memory_space<hbm>>
    tpu.enqueue_dma source(%arg11 : memref<128x128xf32, #tpu.memory_space<vmem>>) target(%dma_start3A_84 : memref<128x128xf32, #tpu.memory_space<hbm>>) target_semaphore(%arg20 : memref<!tpu.dma_semaphore, #tpu.memory_space<semaphore_mem>>)
    %add3A_85 = arith.constant 96 : i32
    %add3A_86 = arith.addi %add3A_85, %add3A : i32
    %add3A_87 = arith.constant 64 : i32
    %add3A_88 = arith.addi %add3A_86, %add3A_87 : i32
    %lt3A_89 = arith.constant 782 : i32
    %lt3A_90 = arith.cmpi slt, %add3A_88, %lt3A_89 : i32
    %convert_element_type3A_91 = arith.extui %lt3A_90 : i1 to i32
    %cond3A_92 = arith.constant 0 : i32
    %cond3A_93 = arith.cmpi ne, %convert_element_type3A_91, %cond3A_92 : i32
    scf.if %cond3A_93 {
      %mul3A_574 = arith.constant 128 : i32
      %mul3A_575 = arith.muli %add3A_88, %mul3A_574 : i32
      %dma_wait3A_576 = tpu.memref_slice %arg3[%mul3A_575] : memref<100096xi32, #tpu.memory_space<hbm>> -> memref<128xi32, #tpu.memory_space<hbm>>
      %dma_wait3A_577 = tpu.memref_slice %arg3[%mul3A_575] : memref<100096xi32, #tpu.memory_space<hbm>> -> memref<128xi32, #tpu.memory_space<hbm>>
      tpu.wait_dma2 semaphore(%arg13 : memref<!tpu.dma_semaphore, #tpu.memory_space<semaphore_mem>>) src(%dma_wait3A_577 : memref<128xi32, #tpu.memory_space<hbm>>) dst(%arg6 : memref<128xi32, #tpu.memory_space<vmem>>)
      %sub3A = arith.constant 128 : i32
      %sub3A_578 = arith.subi %add3A_88, %sub3A : i32
      %mul3A_579 = arith.constant 128 : i32
      %mul3A_580 = arith.muli %sub3A_578, %mul3A_579 : i32
      %dma_wait3A_581 = arith.constant 0 : i32
      %dma_wait3A_582 = tpu.memref_slice %arg4[%mul3A_580, %dma_wait3A_581] : memref<100000x128xf32, #tpu.memory_space<hbm>> -> memref<128x128xf32, #tpu.memory_space<hbm>>
      %dma_wait3A_583 = arith.constant 0 : i32
      %dma_wait3A_584 = tpu.memref_slice %arg4[%mul3A_580, %dma_wait3A_583] : memref<100000x128xf32, #tpu.memory_space<hbm>> -> memref<128x128xf32, #tpu.memory_space<hbm>>
      tpu.wait_dma2 semaphore(%arg19 : memref<!tpu.dma_semaphore, #tpu.memory_space<semaphore_mem>>) src(%arg10 : memref<128x128xf32, #tpu.memory_space<vmem>>) dst(%dma_wait3A_584 : memref<128x128xf32, #tpu.memory_space<hbm>>)
      %dma_start3A_585 = arith.constant 0 : i32
      %dma_start3A_586 = arith.constant 0 : i32
      %dma_start3A_587 = tpu.memref_slice %arg2[%dma_start3A_585, %dma_start3A_586] : memref<4225x128xf32, #tpu.memory_space<hbm>> -> memref<4225x128xf32, #tpu.memory_space<hbm>>
      tpu.enqueue_indirect_dma source(%dma_start3A_587 : memref<4225x128xf32, #tpu.memory_space<hbm>>) target(%arg10 : memref<128x128xf32, #tpu.memory_space<vmem>>) offsets(%arg6 : memref<128xi32, #tpu.memory_space<vmem>>) semaphore(%arg15 : memref<!tpu.dma_semaphore, #tpu.memory_space<semaphore_mem>>)
      %add3A_588 = arith.constant 32 : i32
      %add3A_589 = arith.addi %add3A_88, %add3A_588 : i32
      %lt3A_590 = arith.constant 782 : i32
      %lt3A_591 = arith.cmpi slt, %add3A_589, %lt3A_590 : i32
      %convert_element_type3A_592 = arith.extui %lt3A_591 : i1 to i32
      %cond3A_593 = arith.constant 0 : i32
      %cond3A_594 = arith.cmpi ne, %convert_element_type3A_592, %cond3A_593 : i32
      scf.if %cond3A_594 {
        %add3A_595 = arith.constant 32 : i32
        %add3A_596 = arith.addi %add3A_88, %add3A_595 : i32
        %mul3A_597 = arith.constant 128 : i32
        %mul3A_598 = arith.muli %add3A_596, %mul3A_597 : i32
        %dma_start3A_599 = tpu.memref_slice %arg3[%mul3A_598] : memref<100096xi32, #tpu.memory_space<hbm>> -> memref<128xi32, #tpu.memory_space<hbm>>
        %dma_start3A_600 = tpu.memref_slice %arg3[%mul3A_598] : memref<100096xi32, #tpu.memory_space<hbm>> -> memref<128xi32, #tpu.memory_space<hbm>>
        tpu.enqueue_dma source(%dma_start3A_600 : memref<128xi32, #tpu.memory_space<hbm>>) target(%arg7 : memref<128xi32, #tpu.memory_space<vmem>>) target_semaphore(%arg13 : memref<!tpu.dma_semaphore, #tpu.memory_space<semaphore_mem>>)
      } else {
      }
    } else {
    }
    %dma_wait3A_94 = arith.constant 0 : i32
    %dma_wait3A_95 = arith.constant 0 : i32
    %dma_wait3A_96 = tpu.memref_slice %arg2[%dma_wait3A_94, %dma_wait3A_95] : memref<4225x128xf32, #tpu.memory_space<hbm>> -> memref<128x128xf32, #tpu.memory_space<hbm>>
    %dma_wait3A_97 = arith.constant 0 : i32
    %dma_wait3A_98 = arith.constant 0 : i32
    %dma_wait3A_99 = tpu.memref_slice %arg2[%dma_wait3A_97, %dma_wait3A_98] : memref<4225x128xf32, #tpu.memory_space<hbm>> -> memref<128x128xf32, #tpu.memory_space<hbm>>
    tpu.wait_dma2 semaphore(%arg17 : memref<!tpu.dma_semaphore, #tpu.memory_space<semaphore_mem>>) src(%dma_wait3A_99 : memref<128x128xf32, #tpu.memory_space<hbm>>) dst(%arg12 : memref<128x128xf32, #tpu.memory_space<vmem>>)
    %mul3A_100 = arith.constant 128 : i32
    %mul3A_101 = arith.muli %add3A_86, %mul3A_100 : i32
    %dma_start3A_102 = arith.constant 0 : i32
    %dma_start3A_103 = tpu.memref_slice %arg4[%mul3A_101, %dma_start3A_102] : memref<100000x128xf32, #tpu.memory_space<hbm>> -> memref<128x128xf32, #tpu.memory_space<hbm>>
    %dma_start3A_104 = arith.constant 0 : i32
    %dma_start3A_105 = tpu.memref_slice %arg4[%mul3A_101, %dma_start3A_104] : memref<100000x128xf32, #tpu.memory_space<hbm>> -> memref<128x128xf32, #tpu.memory_space<hbm>>
    tpu.enqueue_dma source(%arg12 : memref<128x128xf32, #tpu.memory_space<vmem>>) target(%dma_start3A_105 : memref<128x128xf32, #tpu.memory_space<hbm>>) target_semaphore(%arg21 : memref<!tpu.dma_semaphore, #tpu.memory_space<semaphore_mem>>)
    %add3A_106 = arith.constant 128 : i32
    %add3A_107 = arith.addi %add3A_106, %add3A : i32
    %add3A_108 = arith.constant 64 : i32
    %add3A_109 = arith.addi %add3A_107, %add3A_108 : i32
    %lt3A_110 = arith.constant 782 : i32
    %lt3A_111 = arith.cmpi slt, %add3A_109, %lt3A_110 : i32
    %convert_element_type3A_112 = arith.extui %lt3A_111 : i1 to i32
    %cond3A_113 = arith.constant 0 : i32
    %cond3A_114 = arith.cmpi ne, %convert_element_type3A_112, %cond3A_113 : i32
    scf.if %cond3A_114 {
      %mul3A_574 = arith.constant 128 : i32
      %mul3A_575 = arith.muli %add3A_109, %mul3A_574 : i32
      %dma_wait3A_576 = tpu.memref_slice %arg3[%mul3A_575] : memref<100096xi32, #tpu.memory_space<hbm>> -> memref<128xi32, #tpu.memory_space<hbm>>
      %dma_wait3A_577 = tpu.memref_slice %arg3[%mul3A_575] : memref<100096xi32, #tpu.memory_space<hbm>> -> memref<128xi32, #tpu.memory_space<hbm>>
      tpu.wait_dma2 semaphore(%arg13 : memref<!tpu.dma_semaphore, #tpu.memory_space<semaphore_mem>>) src(%dma_wait3A_577 : memref<128xi32, #tpu.memory_space<hbm>>) dst(%arg7 : memref<128xi32, #tpu.memory_space<vmem>>)
      %sub3A = arith.constant 128 : i32
      %sub3A_578 = arith.subi %add3A_109, %sub3A : i32
      %mul3A_579 = arith.constant 128 : i32
      %mul3A_580 = arith.muli %sub3A_578, %mul3A_579 : i32
      %dma_wait3A_581 = arith.constant 0 : i32
      %dma_wait3A_582 = tpu.memref_slice %arg4[%mul3A_580, %dma_wait3A_581] : memref<100000x128xf32, #tpu.memory_space<hbm>> -> memref<128x128xf32, #tpu.memory_space<hbm>>
      %dma_wait3A_583 = arith.constant 0 : i32
      %dma_wait3A_584 = tpu.memref_slice %arg4[%mul3A_580, %dma_wait3A_583] : memref<100000x128xf32, #tpu.memory_space<hbm>> -> memref<128x128xf32, #tpu.memory_space<hbm>>
      tpu.wait_dma2 semaphore(%arg20 : memref<!tpu.dma_semaphore, #tpu.memory_space<semaphore_mem>>) src(%arg11 : memref<128x128xf32, #tpu.memory_space<vmem>>) dst(%dma_wait3A_584 : memref<128x128xf32, #tpu.memory_space<hbm>>)
      %dma_start3A_585 = arith.constant 0 : i32
      %dma_start3A_586 = arith.constant 0 : i32
      %dma_start3A_587 = tpu.memref_slice %arg2[%dma_start3A_585, %dma_start3A_586] : memref<4225x128xf32, #tpu.memory_space<hbm>> -> memref<4225x128xf32, #tpu.memory_space<hbm>>
      tpu.enqueue_indirect_dma source(%dma_start3A_587 : memref<4225x128xf32, #tpu.memory_space<hbm>>) target(%arg11 : memref<128x128xf32, #tpu.memory_space<vmem>>) offsets(%arg7 : memref<128xi32, #tpu.memory_space<vmem>>) semaphore(%arg16 : memref<!tpu.dma_semaphore, #tpu.memory_space<semaphore_mem>>)
      %add3A_588 = arith.constant 32 : i32
      %add3A_589 = arith.addi %add3A_109, %add3A_588 : i32
      %lt3A_590 = arith.constant 782 : i32
      %lt3A_591 = arith.cmpi slt, %add3A_589, %lt3A_590 : i32
      %convert_element_type3A_592 = arith.extui %lt3A_591 : i1 to i32
      %cond3A_593 = arith.constant 0 : i32
      %cond3A_594 = arith.cmpi ne, %convert_element_type3A_592, %cond3A_593 : i32
      scf.if %cond3A_594 {
        %add3A_595 = arith.constant 32 : i32
        %add3A_596 = arith.addi %add3A_109, %add3A_595 : i32
        %mul3A_597 = arith.constant 128 : i32
        %mul3A_598 = arith.muli %add3A_596, %mul3A_597 : i32
        %dma_start3A_599 = tpu.memref_slice %arg3[%mul3A_598] : memref<100096xi32, #tpu.memory_space<hbm>> -> memref<128xi32, #tpu.memory_space<hbm>>
        %dma_start3A_600 = tpu.memref_slice %arg3[%mul3A_598] : memref<100096xi32, #tpu.memory_space<hbm>> -> memref<128xi32, #tpu.memory_space<hbm>>
        tpu.enqueue_dma source(%dma_start3A_600 : memref<128xi32, #tpu.memory_space<hbm>>) target(%arg8 : memref<128xi32, #tpu.memory_space<vmem>>) target_semaphore(%arg13 : memref<!tpu.dma_semaphore, #tpu.memory_space<semaphore_mem>>)
      } else {
      }
    } else {
    }
    %dma_wait3A_115 = arith.constant 0 : i32
    %dma_wait3A_116 = arith.constant 0 : i32
    %dma_wait3A_117 = tpu.memref_slice %arg2[%dma_wait3A_115, %dma_wait3A_116] : memref<4225x128xf32, #tpu.memory_space<hbm>> -> memref<128x128xf32, #tpu.memory_space<hbm>>
    %dma_wait3A_118 = arith.constant 0 : i32
    %dma_wait3A_119 = arith.constant 0 : i32
    %dma_wait3A_120 = tpu.memref_slice %arg2[%dma_wait3A_118, %dma_wait3A_119] : memref<4225x128xf32, #tpu.memory_space<hbm>> -> memref<128x128xf32, #tpu.memory_space<hbm>>
    tpu.wait_dma2 semaphore(%arg14 : memref<!tpu.dma_semaphore, #tpu.memory_space<semaphore_mem>>) src(%dma_wait3A_120 : memref<128x128xf32, #tpu.memory_space<hbm>>) dst(%arg9 : memref<128x128xf32, #tpu.memory_space<vmem>>)
    %mul3A_121 = arith.constant 128 : i32
    %mul3A_122 = arith.muli %add3A_107, %mul3A_121 : i32
    %dma_start3A_123 = arith.constant 0 : i32
    %dma_start3A_124 = tpu.memref_slice %arg4[%mul3A_122, %dma_start3A_123] : memref<100000x128xf32, #tpu.memory_space<hbm>> -> memref<128x128xf32, #tpu.memory_space<hbm>>
    %dma_start3A_125 = arith.constant 0 : i32
    %dma_start3A_126 = tpu.memref_slice %arg4[%mul3A_122, %dma_start3A_125] : memref<100000x128xf32, #tpu.memory_space<hbm>> -> memref<128x128xf32, #tpu.memory_space<hbm>>
    tpu.enqueue_dma source(%arg9 : memref<128x128xf32, #tpu.memory_space<vmem>>) target(%dma_start3A_126 : memref<128x128xf32, #tpu.memory_space<hbm>>) target_semaphore(%arg18 : memref<!tpu.dma_semaphore, #tpu.memory_space<semaphore_mem>>)
    %add3A_127 = arith.constant 160 : i32
    %add3A_128 = arith.addi %add3A_127, %add3A : i32
    %add3A_129 = arith.constant 64 : i32
    %add3A_130 = arith.addi %add3A_128, %add3A_129 : i32
    %lt3A_131 = arith.constant 782 : i32
    %lt3A_132 = arith.cmpi slt, %add3A_130, %lt3A_131 : i32
    %convert_element_type3A_133 = arith.extui %lt3A_132 : i1 to i32
    %cond3A_134 = arith.constant 0 : i32
    %cond3A_135 = arith.cmpi ne, %convert_element_type3A_133, %cond3A_134 : i32
    scf.if %cond3A_135 {
      %mul3A_574 = arith.constant 128 : i32
      %mul3A_575 = arith.muli %add3A_130, %mul3A_574 : i32
      %dma_wait3A_576 = tpu.memref_slice %arg3[%mul3A_575] : memref<100096xi32, #tpu.memory_space<hbm>> -> memref<128xi32, #tpu.memory_space<hbm>>
      %dma_wait3A_577 = tpu.memref_slice %arg3[%mul3A_575] : memref<100096xi32, #tpu.memory_space<hbm>> -> memref<128xi32, #tpu.memory_space<hbm>>
      tpu.wait_dma2 semaphore(%arg13 : memref<!tpu.dma_semaphore, #tpu.memory_space<semaphore_mem>>) src(%dma_wait3A_577 : memref<128xi32, #tpu.memory_space<hbm>>) dst(%arg8 : memref<128xi32, #tpu.memory_space<vmem>>)
      %sub3A = arith.constant 128 : i32
      %sub3A_578 = arith.subi %add3A_130, %sub3A : i32
      %mul3A_579 = arith.constant 128 : i32
      %mul3A_580 = arith.muli %sub3A_578, %mul3A_579 : i32
      %dma_wait3A_581 = arith.constant 0 : i32
      %dma_wait3A_582 = tpu.memref_slice %arg4[%mul3A_580, %dma_wait3A_581] : memref<100000x128xf32, #tpu.memory_space<hbm>> -> memref<128x128xf32, #tpu.memory_space<hbm>>
      %dma_wait3A_583 = arith.constant 0 : i32
      %dma_wait3A_584 = tpu.memref_slice %arg4[%mul3A_580, %dma_wait3A_583] : memref<100000x128xf32, #tpu.memory_space<hbm>> -> memref<128x128xf32, #tpu.memory_space<hbm>>
      tpu.wait_dma2 semaphore(%arg21 : memref<!tpu.dma_semaphore, #tpu.memory_space<semaphore_mem>>) src(%arg12 : memref<128x128xf32, #tpu.memory_space<vmem>>) dst(%dma_wait3A_584 : memref<128x128xf32, #tpu.memory_space<hbm>>)
      %dma_start3A_585 = arith.constant 0 : i32
      %dma_start3A_586 = arith.constant 0 : i32
      %dma_start3A_587 = tpu.memref_slice %arg2[%dma_start3A_585, %dma_start3A_586] : memref<4225x128xf32, #tpu.memory_space<hbm>> -> memref<4225x128xf32, #tpu.memory_space<hbm>>
      tpu.enqueue_indirect_dma source(%dma_start3A_587 : memref<4225x128xf32, #tpu.memory_space<hbm>>) target(%arg12 : memref<128x128xf32, #tpu.memory_space<vmem>>) offsets(%arg8 : memref<128xi32, #tpu.memory_space<vmem>>) semaphore(%arg17 : memref<!tpu.dma_semaphore, #tpu.memory_space<semaphore_mem>>)
      %add3A_588 = arith.constant 32 : i32
      %add3A_589 = arith.addi %add3A_130, %add3A_588 : i32
      %lt3A_590 = arith.constant 782 : i32
      %lt3A_591 = arith.cmpi slt, %add3A_589, %lt3A_590 : i32
      %convert_element_type3A_592 = arith.extui %lt3A_591 : i1 to i32
      %cond3A_593 = arith.constant 0 : i32
      %cond3A_594 = arith.cmpi ne, %convert_element_type3A_592, %cond3A_593 : i32
      scf.if %cond3A_594 {
        %add3A_595 = arith.constant 32 : i32
        %add3A_596 = arith.addi %add3A_130, %add3A_595 : i32
        %mul3A_597 = arith.constant 128 : i32
        %mul3A_598 = arith.muli %add3A_596, %mul3A_597 : i32
        %dma_start3A_599 = tpu.memref_slice %arg3[%mul3A_598] : memref<100096xi32, #tpu.memory_space<hbm>> -> memref<128xi32, #tpu.memory_space<hbm>>
        %dma_start3A_600 = tpu.memref_slice %arg3[%mul3A_598] : memref<100096xi32, #tpu.memory_space<hbm>> -> memref<128xi32, #tpu.memory_space<hbm>>
        tpu.enqueue_dma source(%dma_start3A_600 : memref<128xi32, #tpu.memory_space<hbm>>) target(%arg5 : memref<128xi32, #tpu.memory_space<vmem>>) target_semaphore(%arg13 : memref<!tpu.dma_semaphore, #tpu.memory_space<semaphore_mem>>)
      } else {
      }
    } else {
    }
    %dma_wait3A_136 = arith.constant 0 : i32
    %dma_wait3A_137 = arith.constant 0 : i32
    %dma_wait3A_138 = tpu.memref_slice %arg2[%dma_wait3A_136, %dma_wait3A_137] : memref<4225x128xf32, #tpu.memory_space<hbm>> -> memref<128x128xf32, #tpu.memory_space<hbm>>
    %dma_wait3A_139 = arith.constant 0 : i32
    %dma_wait3A_140 = arith.constant 0 : i32
    %dma_wait3A_141 = tpu.memref_slice %arg2[%dma_wait3A_139, %dma_wait3A_140] : memref<4225x128xf32, #tpu.memory_space<hbm>> -> memref<128x128xf32, #tpu.memory_space<hbm>>
    tpu.wait_dma2 semaphore(%arg15 : memref<!tpu.dma_semaphore, #tpu.memory_space<semaphore_mem>>) src(%dma_wait3A_141 : memref<128x128xf32, #tpu.memory_space<hbm>>) dst(%arg10 : memref<128x128xf32, #tpu.memory_space<vmem>>)
    %mul3A_142 = arith.constant 128 : i32
    %mul3A_143 = arith.muli %add3A_128, %mul3A_142 : i32
    %dma_start3A_144 = arith.constant 0 : i32
    %dma_start3A_145 = tpu.memref_slice %arg4[%mul3A_143, %dma_start3A_144] : memref<100000x128xf32, #tpu.memory_space<hbm>> -> memref<128x128xf32, #tpu.memory_space<hbm>>
    %dma_start3A_146 = arith.constant 0 : i32
    %dma_start3A_147 = tpu.memref_slice %arg4[%mul3A_143, %dma_start3A_146] : memref<100000x128xf32, #tpu.memory_space<hbm>> -> memref<128x128xf32, #tpu.memory_space<hbm>>
    tpu.enqueue_dma source(%arg10 : memref<128x128xf32, #tpu.memory_space<vmem>>) target(%dma_start3A_147 : memref<128x128xf32, #tpu.memory_space<hbm>>) target_semaphore(%arg19 : memref<!tpu.dma_semaphore, #tpu.memory_space<semaphore_mem>>)
    %add3A_148 = arith.constant 192 : i32
    %add3A_149 = arith.addi %add3A_148, %add3A : i32
    %add3A_150 = arith.constant 64 : i32
    %add3A_151 = arith.addi %add3A_149, %add3A_150 : i32
    %lt3A_152 = arith.constant 782 : i32
    %lt3A_153 = arith.cmpi slt, %add3A_151, %lt3A_152 : i32
    %convert_element_type3A_154 = arith.extui %lt3A_153 : i1 to i32
    %cond3A_155 = arith.constant 0 : i32
    %cond3A_156 = arith.cmpi ne, %convert_element_type3A_154, %cond3A_155 : i32
    scf.if %cond3A_156 {
      %mul3A_574 = arith.constant 128 : i32
      %mul3A_575 = arith.muli %add3A_151, %mul3A_574 : i32
      %dma_wait3A_576 = tpu.memref_slice %arg3[%mul3A_575] : memref<100096xi32, #tpu.memory_space<hbm>> -> memref<128xi32, #tpu.memory_space<hbm>>
      %dma_wait3A_577 = tpu.memref_slice %arg3[%mul3A_575] : memref<100096xi32, #tpu.memory_space<hbm>> -> memref<128xi32, #tpu.memory_space<hbm>>
      tpu.wait_dma2 semaphore(%arg13 : memref<!tpu.dma_semaphore, #tpu.memory_space<semaphore_mem>>) src(%dma_wait3A_577 : memref<128xi32, #tpu.memory_space<hbm>>) dst(%arg5 : memref<128xi32, #tpu.memory_space<vmem>>)
      %sub3A = arith.constant 128 : i32
      %sub3A_578 = arith.subi %add3A_151, %sub3A : i32
      %mul3A_579 = arith.constant 128 : i32
      %mul3A_580 = arith.muli %sub3A_578, %mul3A_579 : i32
      %dma_wait3A_581 = arith.constant 0 : i32
      %dma_wait3A_582 = tpu.memref_slice %arg4[%mul3A_580, %dma_wait3A_581] : memref<100000x128xf32, #tpu.memory_space<hbm>> -> memref<128x128xf32, #tpu.memory_space<hbm>>
      %dma_wait3A_583 = arith.constant 0 : i32
      %dma_wait3A_584 = tpu.memref_slice %arg4[%mul3A_580, %dma_wait3A_583] : memref<100000x128xf32, #tpu.memory_space<hbm>> -> memref<128x128xf32, #tpu.memory_space<hbm>>
      tpu.wait_dma2 semaphore(%arg18 : memref<!tpu.dma_semaphore, #tpu.memory_space<semaphore_mem>>) src(%arg9 : memref<128x128xf32, #tpu.memory_space<vmem>>) dst(%dma_wait3A_584 : memref<128x128xf32, #tpu.memory_space<hbm>>)
      %dma_start3A_585 = arith.constant 0 : i32
      %dma_start3A_586 = arith.constant 0 : i32
      %dma_start3A_587 = tpu.memref_slice %arg2[%dma_start3A_585, %dma_start3A_586] : memref<4225x128xf32, #tpu.memory_space<hbm>> -> memref<4225x128xf32, #tpu.memory_space<hbm>>
      tpu.enqueue_indirect_dma source(%dma_start3A_587 : memref<4225x128xf32, #tpu.memory_space<hbm>>) target(%arg9 : memref<128x128xf32, #tpu.memory_space<vmem>>) offsets(%arg5 : memref<128xi32, #tpu.memory_space<vmem>>) semaphore(%arg14 : memref<!tpu.dma_semaphore, #tpu.memory_space<semaphore_mem>>)
      %add3A_588 = arith.constant 32 : i32
      %add3A_589 = arith.addi %add3A_151, %add3A_588 : i32
      %lt3A_590 = arith.constant 782 : i32
      %lt3A_591 = arith.cmpi slt, %add3A_589, %lt3A_590 : i32
      %convert_element_type3A_592 = arith.extui %lt3A_591 : i1 to i32
      %cond3A_593 = arith.constant 0 : i32
      %cond3A_594 = arith.cmpi ne, %convert_element_type3A_592, %cond3A_593 : i32
      scf.if %cond3A_594 {
        %add3A_595 = arith.constant 32 : i32
        %add3A_596 = arith.addi %add3A_151, %add3A_595 : i32
        %mul3A_597 = arith.constant 128 : i32
        %mul3A_598 = arith.muli %add3A_596, %mul3A_597 : i32
        %dma_start3A_599 = tpu.memref_slice %arg3[%mul3A_598] : memref<100096xi32, #tpu.memory_space<hbm>> -> memref<128xi32, #tpu.memory_space<hbm>>
        %dma_start3A_600 = tpu.memref_slice %arg3[%mul3A_598] : memref<100096xi32, #tpu.memory_space<hbm>> -> memref<128xi32, #tpu.memory_space<hbm>>
        tpu.enqueue_dma source(%dma_start3A_600 : memref<128xi32, #tpu.memory_space<hbm>>) target(%arg6 : memref<128xi32, #tpu.memory_space<vmem>>) target_semaphore(%arg13 : memref<!tpu.dma_semaphore, #tpu.memory_space<semaphore_mem>>)
      } else {
      }
    } else {
    }
    %dma_wait3A_157 = arith.constant 0 : i32
    %dma_wait3A_158 = arith.constant 0 : i32
    %dma_wait3A_159 = tpu.memref_slice %arg2[%dma_wait3A_157, %dma_wait3A_158] : memref<4225x128xf32, #tpu.memory_space<hbm>> -> memref<128x128xf32, #tpu.memory_space<hbm>>
    %dma_wait3A_160 = arith.constant 0 : i32
    %dma_wait3A_161 = arith.constant 0 : i32
    %dma_wait3A_162 = tpu.memref_slice %arg2[%dma_wait3A_160, %dma_wait3A_161] : memref<4225x128xf32, #tpu.memory_space<hbm>> -> memref<128x128xf32, #tpu.memory_space<hbm>>
    tpu.wait_dma2 semaphore(%arg16 : memref<!tpu.dma_semaphore, #tpu.memory_space<semaphore_mem>>) src(%dma_wait3A_162 : memref<128x128xf32, #tpu.memory_space<hbm>>) dst(%arg11 : memref<128x128xf32, #tpu.memory_space<vmem>>)
    %mul3A_163 = arith.constant 128 : i32
    %mul3A_164 = arith.muli %add3A_149, %mul3A_163 : i32
    %dma_start3A_165 = arith.constant 0 : i32
    %dma_start3A_166 = tpu.memref_slice %arg4[%mul3A_164, %dma_start3A_165] : memref<100000x128xf32, #tpu.memory_space<hbm>> -> memref<128x128xf32, #tpu.memory_space<hbm>>
    %dma_start3A_167 = arith.constant 0 : i32
    %dma_start3A_168 = tpu.memref_slice %arg4[%mul3A_164, %dma_start3A_167] : memref<100000x128xf32, #tpu.memory_space<hbm>> -> memref<128x128xf32, #tpu.memory_space<hbm>>
    tpu.enqueue_dma source(%arg11 : memref<128x128xf32, #tpu.memory_space<vmem>>) target(%dma_start3A_168 : memref<128x128xf32, #tpu.memory_space<hbm>>) target_semaphore(%arg20 : memref<!tpu.dma_semaphore, #tpu.memory_space<semaphore_mem>>)
    %add3A_169 = arith.constant 224 : i32
    %add3A_170 = arith.addi %add3A_169, %add3A : i32
    %add3A_171 = arith.constant 64 : i32
    %add3A_172 = arith.addi %add3A_170, %add3A_171 : i32
    %lt3A_173 = arith.constant 782 : i32
    %lt3A_174 = arith.cmpi slt, %add3A_172, %lt3A_173 : i32
    %convert_element_type3A_175 = arith.extui %lt3A_174 : i1 to i32
    %cond3A_176 = arith.constant 0 : i32
    %cond3A_177 = arith.cmpi ne, %convert_element_type3A_175, %cond3A_176 : i32
    scf.if %cond3A_177 {
      %mul3A_574 = arith.constant 128 : i32
      %mul3A_575 = arith.muli %add3A_172, %mul3A_574 : i32
      %dma_wait3A_576 = tpu.memref_slice %arg3[%mul3A_575] : memref<100096xi32, #tpu.memory_space<hbm>> -> memref<128xi32, #tpu.memory_space<hbm>>
      %dma_wait3A_577 = tpu.memref_slice %arg3[%mul3A_575] : memref<100096xi32, #tpu.memory_space<hbm>> -> memref<128xi32, #tpu.memory_space<hbm>>
      tpu.wait_dma2 semaphore(%arg13 : memref<!tpu.dma_semaphore, #tpu.memory_space<semaphore_mem>>) src(%dma_wait3A_577 : memref<128xi32, #tpu.memory_space<hbm>>) dst(%arg6 : memref<128xi32, #tpu.memory_space<vmem>>)
      %sub3A = arith.constant 128 : i32
      %sub3A_578 = arith.subi %add3A_172, %sub3A : i32
      %mul3A_579 = arith.constant 128 : i32
      %mul3A_580 = arith.muli %sub3A_578, %mul3A_579 : i32
      %dma_wait3A_581 = arith.constant 0 : i32
      %dma_wait3A_582 = tpu.memref_slice %arg4[%mul3A_580, %dma_wait3A_581] : memref<100000x128xf32, #tpu.memory_space<hbm>> -> memref<128x128xf32, #tpu.memory_space<hbm>>
      %dma_wait3A_583 = arith.constant 0 : i32
      %dma_wait3A_584 = tpu.memref_slice %arg4[%mul3A_580, %dma_wait3A_583] : memref<100000x128xf32, #tpu.memory_space<hbm>> -> memref<128x128xf32, #tpu.memory_space<hbm>>
      tpu.wait_dma2 semaphore(%arg19 : memref<!tpu.dma_semaphore, #tpu.memory_space<semaphore_mem>>) src(%arg10 : memref<128x128xf32, #tpu.memory_space<vmem>>) dst(%dma_wait3A_584 : memref<128x128xf32, #tpu.memory_space<hbm>>)
      %dma_start3A_585 = arith.constant 0 : i32
      %dma_start3A_586 = arith.constant 0 : i32
      %dma_start3A_587 = tpu.memref_slice %arg2[%dma_start3A_585, %dma_start3A_586] : memref<4225x128xf32, #tpu.memory_space<hbm>> -> memref<4225x128xf32, #tpu.memory_space<hbm>>
      tpu.enqueue_indirect_dma source(%dma_start3A_587 : memref<4225x128xf32, #tpu.memory_space<hbm>>) target(%arg10 : memref<128x128xf32, #tpu.memory_space<vmem>>) offsets(%arg6 : memref<128xi32, #tpu.memory_space<vmem>>) semaphore(%arg15 : memref<!tpu.dma_semaphore, #tpu.memory_space<semaphore_mem>>)
      %add3A_588 = arith.constant 32 : i32
      %add3A_589 = arith.addi %add3A_172, %add3A_588 : i32
      %lt3A_590 = arith.constant 782 : i32
      %lt3A_591 = arith.cmpi slt, %add3A_589, %lt3A_590 : i32
      %convert_element_type3A_592 = arith.extui %lt3A_591 : i1 to i32
      %cond3A_593 = arith.constant 0 : i32
      %cond3A_594 = arith.cmpi ne, %convert_element_type3A_592, %cond3A_593 : i32
      scf.if %cond3A_594 {
        %add3A_595 = arith.constant 32 : i32
        %add3A_596 = arith.addi %add3A_172, %add3A_595 : i32
        %mul3A_597 = arith.constant 128 : i32
        %mul3A_598 = arith.muli %add3A_596, %mul3A_597 : i32
        %dma_start3A_599 = tpu.memref_slice %arg3[%mul3A_598] : memref<100096xi32, #tpu.memory_space<hbm>> -> memref<128xi32, #tpu.memory_space<hbm>>
        %dma_start3A_600 = tpu.memref_slice %arg3[%mul3A_598] : memref<100096xi32, #tpu.memory_space<hbm>> -> memref<128xi32, #tpu.memory_space<hbm>>
        tpu.enqueue_dma source(%dma_start3A_600 : memref<128xi32, #tpu.memory_space<hbm>>) target(%arg7 : memref<128xi32, #tpu.memory_space<vmem>>) target_semaphore(%arg13 : memref<!tpu.dma_semaphore, #tpu.memory_space<semaphore_mem>>)
      } else {
      }
    } else {
    }
    %dma_wait3A_178 = arith.constant 0 : i32
    %dma_wait3A_179 = arith.constant 0 : i32
    %dma_wait3A_180 = tpu.memref_slice %arg2[%dma_wait3A_178, %dma_wait3A_179] : memref<4225x128xf32, #tpu.memory_space<hbm>> -> memref<128x128xf32, #tpu.memory_space<hbm>>
    %dma_wait3A_181 = arith.constant 0 : i32
    %dma_wait3A_182 = arith.constant 0 : i32
    %dma_wait3A_183 = tpu.memref_slice %arg2[%dma_wait3A_181, %dma_wait3A_182] : memref<4225x128xf32, #tpu.memory_space<hbm>> -> memref<128x128xf32, #tpu.memory_space<hbm>>
    tpu.wait_dma2 semaphore(%arg17 : memref<!tpu.dma_semaphore, #tpu.memory_space<semaphore_mem>>) src(%dma_wait3A_183 : memref<128x128xf32, #tpu.memory_space<hbm>>) dst(%arg12 : memref<128x128xf32, #tpu.memory_space<vmem>>)
    %mul3A_184 = arith.constant 128 : i32
    %mul3A_185 = arith.muli %add3A_170, %mul3A_184 : i32
    %dma_start3A_186 = arith.constant 0 : i32
    %dma_start3A_187 = tpu.memref_slice %arg4[%mul3A_185, %dma_start3A_186] : memref<100000x128xf32, #tpu.memory_space<hbm>> -> memref<128x128xf32, #tpu.memory_space<hbm>>
    %dma_start3A_188 = arith.constant 0 : i32
    %dma_start3A_189 = tpu.memref_slice %arg4[%mul3A_185, %dma_start3A_188] : memref<100000x128xf32, #tpu.memory_space<hbm>> -> memref<128x128xf32, #tpu.memory_space<hbm>>
    tpu.enqueue_dma source(%arg12 : memref<128x128xf32, #tpu.memory_space<vmem>>) target(%dma_start3A_189 : memref<128x128xf32, #tpu.memory_space<hbm>>) target_semaphore(%arg21 : memref<!tpu.dma_semaphore, #tpu.memory_space<semaphore_mem>>)
    %add3A_190 = arith.constant 256 : i32
    %add3A_191 = arith.addi %add3A_190, %add3A : i32
    %add3A_192 = arith.constant 64 : i32
    %add3A_193 = arith.addi %add3A_191, %add3A_192 : i32
    %lt3A_194 = arith.constant 782 : i32
    %lt3A_195 = arith.cmpi slt, %add3A_193, %lt3A_194 : i32
    %convert_element_type3A_196 = arith.extui %lt3A_195 : i1 to i32
    %cond3A_197 = arith.constant 0 : i32
    %cond3A_198 = arith.cmpi ne, %convert_element_type3A_196, %cond3A_197 : i32
    scf.if %cond3A_198 {
      %mul3A_574 = arith.constant 128 : i32
      %mul3A_575 = arith.muli %add3A_193, %mul3A_574 : i32
      %dma_wait3A_576 = tpu.memref_slice %arg3[%mul3A_575] : memref<100096xi32, #tpu.memory_space<hbm>> -> memref<128xi32, #tpu.memory_space<hbm>>
      %dma_wait3A_577 = tpu.memref_slice %arg3[%mul3A_575] : memref<100096xi32, #tpu.memory_space<hbm>> -> memref<128xi32, #tpu.memory_space<hbm>>
      tpu.wait_dma2 semaphore(%arg13 : memref<!tpu.dma_semaphore, #tpu.memory_space<semaphore_mem>>) src(%dma_wait3A_577 : memref<128xi32, #tpu.memory_space<hbm>>) dst(%arg7 : memref<128xi32, #tpu.memory_space<vmem>>)
      %sub3A = arith.constant 128 : i32
      %sub3A_578 = arith.subi %add3A_193, %sub3A : i32
      %mul3A_579 = arith.constant 128 : i32
      %mul3A_580 = arith.muli %sub3A_578, %mul3A_579 : i32
      %dma_wait3A_581 = arith.constant 0 : i32
      %dma_wait3A_582 = tpu.memref_slice %arg4[%mul3A_580, %dma_wait3A_581] : memref<100000x128xf32, #tpu.memory_space<hbm>> -> memref<128x128xf32, #tpu.memory_space<hbm>>
      %dma_wait3A_583 = arith.constant 0 : i32
      %dma_wait3A_584 = tpu.memref_slice %arg4[%mul3A_580, %dma_wait3A_583] : memref<100000x128xf32, #tpu.memory_space<hbm>> -> memref<128x128xf32, #tpu.memory_space<hbm>>
      tpu.wait_dma2 semaphore(%arg20 : memref<!tpu.dma_semaphore, #tpu.memory_space<semaphore_mem>>) src(%arg11 : memref<128x128xf32, #tpu.memory_space<vmem>>) dst(%dma_wait3A_584 : memref<128x128xf32, #tpu.memory_space<hbm>>)
      %dma_start3A_585 = arith.constant 0 : i32
      %dma_start3A_586 = arith.constant 0 : i32
      %dma_start3A_587 = tpu.memref_slice %arg2[%dma_start3A_585, %dma_start3A_586] : memref<4225x128xf32, #tpu.memory_space<hbm>> -> memref<4225x128xf32, #tpu.memory_space<hbm>>
      tpu.enqueue_indirect_dma source(%dma_start3A_587 : memref<4225x128xf32, #tpu.memory_space<hbm>>) target(%arg11 : memref<128x128xf32, #tpu.memory_space<vmem>>) offsets(%arg7 : memref<128xi32, #tpu.memory_space<vmem>>) semaphore(%arg16 : memref<!tpu.dma_semaphore, #tpu.memory_space<semaphore_mem>>)
      %add3A_588 = arith.constant 32 : i32
      %add3A_589 = arith.addi %add3A_193, %add3A_588 : i32
      %lt3A_590 = arith.constant 782 : i32
      %lt3A_591 = arith.cmpi slt, %add3A_589, %lt3A_590 : i32
      %convert_element_type3A_592 = arith.extui %lt3A_591 : i1 to i32
      %cond3A_593 = arith.constant 0 : i32
      %cond3A_594 = arith.cmpi ne, %convert_element_type3A_592, %cond3A_593 : i32
      scf.if %cond3A_594 {
        %add3A_595 = arith.constant 32 : i32
        %add3A_596 = arith.addi %add3A_193, %add3A_595 : i32
        %mul3A_597 = arith.constant 128 : i32
        %mul3A_598 = arith.muli %add3A_596, %mul3A_597 : i32
        %dma_start3A_599 = tpu.memref_slice %arg3[%mul3A_598] : memref<100096xi32, #tpu.memory_space<hbm>> -> memref<128xi32, #tpu.memory_space<hbm>>
        %dma_start3A_600 = tpu.memref_slice %arg3[%mul3A_598] : memref<100096xi32, #tpu.memory_space<hbm>> -> memref<128xi32, #tpu.memory_space<hbm>>
        tpu.enqueue_dma source(%dma_start3A_600 : memref<128xi32, #tpu.memory_space<hbm>>) target(%arg8 : memref<128xi32, #tpu.memory_space<vmem>>) target_semaphore(%arg13 : memref<!tpu.dma_semaphore, #tpu.memory_space<semaphore_mem>>)
      } else {
      }
    } else {
    }
    %dma_wait3A_199 = arith.constant 0 : i32
    %dma_wait3A_200 = arith.constant 0 : i32
    %dma_wait3A_201 = tpu.memref_slice %arg2[%dma_wait3A_199, %dma_wait3A_200] : memref<4225x128xf32, #tpu.memory_space<hbm>> -> memref<128x128xf32, #tpu.memory_space<hbm>>
    %dma_wait3A_202 = arith.constant 0 : i32
    %dma_wait3A_203 = arith.constant 0 : i32
    %dma_wait3A_204 = tpu.memref_slice %arg2[%dma_wait3A_202, %dma_wait3A_203] : memref<4225x128xf32, #tpu.memory_space<hbm>> -> memref<128x128xf32, #tpu.memory_space<hbm>>
    tpu.wait_dma2 semaphore(%arg14 : memref<!tpu.dma_semaphore, #tpu.memory_space<semaphore_mem>>) src(%dma_wait3A_204 : memref<128x128xf32, #tpu.memory_space<hbm>>) dst(%arg9 : memref<128x128xf32, #tpu.memory_space<vmem>>)
    %mul3A_205 = arith.constant 128 : i32
    %mul3A_206 = arith.muli %add3A_191, %mul3A_205 : i32
    %dma_start3A_207 = arith.constant 0 : i32
    %dma_start3A_208 = tpu.memref_slice %arg4[%mul3A_206, %dma_start3A_207] : memref<100000x128xf32, #tpu.memory_space<hbm>> -> memref<128x128xf32, #tpu.memory_space<hbm>>
    %dma_start3A_209 = arith.constant 0 : i32
    %dma_start3A_210 = tpu.memref_slice %arg4[%mul3A_206, %dma_start3A_209] : memref<100000x128xf32, #tpu.memory_space<hbm>> -> memref<128x128xf32, #tpu.memory_space<hbm>>
    tpu.enqueue_dma source(%arg9 : memref<128x128xf32, #tpu.memory_space<vmem>>) target(%dma_start3A_210 : memref<128x128xf32, #tpu.memory_space<hbm>>) target_semaphore(%arg18 : memref<!tpu.dma_semaphore, #tpu.memory_space<semaphore_mem>>)
    %add3A_211 = arith.constant 288 : i32
    %add3A_212 = arith.addi %add3A_211, %add3A : i32
    %add3A_213 = arith.constant 64 : i32
    %add3A_214 = arith.addi %add3A_212, %add3A_213 : i32
    %lt3A_215 = arith.constant 782 : i32
    %lt3A_216 = arith.cmpi slt, %add3A_214, %lt3A_215 : i32
    %convert_element_type3A_217 = arith.extui %lt3A_216 : i1 to i32
    %cond3A_218 = arith.constant 0 : i32
    %cond3A_219 = arith.cmpi ne, %convert_element_type3A_217, %cond3A_218 : i32
    scf.if %cond3A_219 {
      %mul3A_574 = arith.constant 128 : i32
      %mul3A_575 = arith.muli %add3A_214, %mul3A_574 : i32
      %dma_wait3A_576 = tpu.memref_slice %arg3[%mul3A_575] : memref<100096xi32, #tpu.memory_space<hbm>> -> memref<128xi32, #tpu.memory_space<hbm>>
      %dma_wait3A_577 = tpu.memref_slice %arg3[%mul3A_575] : memref<100096xi32, #tpu.memory_space<hbm>> -> memref<128xi32, #tpu.memory_space<hbm>>
      tpu.wait_dma2 semaphore(%arg13 : memref<!tpu.dma_semaphore, #tpu.memory_space<semaphore_mem>>) src(%dma_wait3A_577 : memref<128xi32, #tpu.memory_space<hbm>>) dst(%arg8 : memref<128xi32, #tpu.memory_space<vmem>>)
      %sub3A = arith.constant 128 : i32
      %sub3A_578 = arith.subi %add3A_214, %sub3A : i32
      %mul3A_579 = arith.constant 128 : i32
      %mul3A_580 = arith.muli %sub3A_578, %mul3A_579 : i32
      %dma_wait3A_581 = arith.constant 0 : i32
      %dma_wait3A_582 = tpu.memref_slice %arg4[%mul3A_580, %dma_wait3A_581] : memref<100000x128xf32, #tpu.memory_space<hbm>> -> memref<128x128xf32, #tpu.memory_space<hbm>>
      %dma_wait3A_583 = arith.constant 0 : i32
      %dma_wait3A_584 = tpu.memref_slice %arg4[%mul3A_580, %dma_wait3A_583] : memref<100000x128xf32, #tpu.memory_space<hbm>> -> memref<128x128xf32, #tpu.memory_space<hbm>>
      tpu.wait_dma2 semaphore(%arg21 : memref<!tpu.dma_semaphore, #tpu.memory_space<semaphore_mem>>) src(%arg12 : memref<128x128xf32, #tpu.memory_space<vmem>>) dst(%dma_wait3A_584 : memref<128x128xf32, #tpu.memory_space<hbm>>)
      %dma_start3A_585 = arith.constant 0 : i32
      %dma_start3A_586 = arith.constant 0 : i32
      %dma_start3A_587 = tpu.memref_slice %arg2[%dma_start3A_585, %dma_start3A_586] : memref<4225x128xf32, #tpu.memory_space<hbm>> -> memref<4225x128xf32, #tpu.memory_space<hbm>>
      tpu.enqueue_indirect_dma source(%dma_start3A_587 : memref<4225x128xf32, #tpu.memory_space<hbm>>) target(%arg12 : memref<128x128xf32, #tpu.memory_space<vmem>>) offsets(%arg8 : memref<128xi32, #tpu.memory_space<vmem>>) semaphore(%arg17 : memref<!tpu.dma_semaphore, #tpu.memory_space<semaphore_mem>>)
      %add3A_588 = arith.constant 32 : i32
      %add3A_589 = arith.addi %add3A_214, %add3A_588 : i32
      %lt3A_590 = arith.constant 782 : i32
      %lt3A_591 = arith.cmpi slt, %add3A_589, %lt3A_590 : i32
      %convert_element_type3A_592 = arith.extui %lt3A_591 : i1 to i32
      %cond3A_593 = arith.constant 0 : i32
      %cond3A_594 = arith.cmpi ne, %convert_element_type3A_592, %cond3A_593 : i32
      scf.if %cond3A_594 {
        %add3A_595 = arith.constant 32 : i32
        %add3A_596 = arith.addi %add3A_214, %add3A_595 : i32
        %mul3A_597 = arith.constant 128 : i32
        %mul3A_598 = arith.muli %add3A_596, %mul3A_597 : i32
        %dma_start3A_599 = tpu.memref_slice %arg3[%mul3A_598] : memref<100096xi32, #tpu.memory_space<hbm>> -> memref<128xi32, #tpu.memory_space<hbm>>
        %dma_start3A_600 = tpu.memref_slice %arg3[%mul3A_598] : memref<100096xi32, #tpu.memory_space<hbm>> -> memref<128xi32, #tpu.memory_space<hbm>>
        tpu.enqueue_dma source(%dma_start3A_600 : memref<128xi32, #tpu.memory_space<hbm>>) target(%arg5 : memref<128xi32, #tpu.memory_space<vmem>>) target_semaphore(%arg13 : memref<!tpu.dma_semaphore, #tpu.memory_space<semaphore_mem>>)
      } else {
      }
    } else {
    }
    %dma_wait3A_220 = arith.constant 0 : i32
    %dma_wait3A_221 = arith.constant 0 : i32
    %dma_wait3A_222 = tpu.memref_slice %arg2[%dma_wait3A_220, %dma_wait3A_221] : memref<4225x128xf32, #tpu.memory_space<hbm>> -> memref<128x128xf32, #tpu.memory_space<hbm>>
    %dma_wait3A_223 = arith.constant 0 : i32
    %dma_wait3A_224 = arith.constant 0 : i32
    %dma_wait3A_225 = tpu.memref_slice %arg2[%dma_wait3A_223, %dma_wait3A_224] : memref<4225x128xf32, #tpu.memory_space<hbm>> -> memref<128x128xf32, #tpu.memory_space<hbm>>
    tpu.wait_dma2 semaphore(%arg15 : memref<!tpu.dma_semaphore, #tpu.memory_space<semaphore_mem>>) src(%dma_wait3A_225 : memref<128x128xf32, #tpu.memory_space<hbm>>) dst(%arg10 : memref<128x128xf32, #tpu.memory_space<vmem>>)
    %mul3A_226 = arith.constant 128 : i32
    %mul3A_227 = arith.muli %add3A_212, %mul3A_226 : i32
    %dma_start3A_228 = arith.constant 0 : i32
    %dma_start3A_229 = tpu.memref_slice %arg4[%mul3A_227, %dma_start3A_228] : memref<100000x128xf32, #tpu.memory_space<hbm>> -> memref<128x128xf32, #tpu.memory_space<hbm>>
    %dma_start3A_230 = arith.constant 0 : i32
    %dma_start3A_231 = tpu.memref_slice %arg4[%mul3A_227, %dma_start3A_230] : memref<100000x128xf32, #tpu.memory_space<hbm>> -> memref<128x128xf32, #tpu.memory_space<hbm>>
    tpu.enqueue_dma source(%arg10 : memref<128x128xf32, #tpu.memory_space<vmem>>) target(%dma_start3A_231 : memref<128x128xf32, #tpu.memory_space<hbm>>) target_semaphore(%arg19 : memref<!tpu.dma_semaphore, #tpu.memory_space<semaphore_mem>>)
    %add3A_232 = arith.constant 320 : i32
    %add3A_233 = arith.addi %add3A_232, %add3A : i32
    %add3A_234 = arith.constant 64 : i32
    %add3A_235 = arith.addi %add3A_233, %add3A_234 : i32
    %lt3A_236 = arith.constant 782 : i32
    %lt3A_237 = arith.cmpi slt, %add3A_235, %lt3A_236 : i32
    %convert_element_type3A_238 = arith.extui %lt3A_237 : i1 to i32
    %cond3A_239 = arith.constant 0 : i32
    %cond3A_240 = arith.cmpi ne, %convert_element_type3A_238, %cond3A_239 : i32
    scf.if %cond3A_240 {
      %mul3A_574 = arith.constant 128 : i32
      %mul3A_575 = arith.muli %add3A_235, %mul3A_574 : i32
      %dma_wait3A_576 = tpu.memref_slice %arg3[%mul3A_575] : memref<100096xi32, #tpu.memory_space<hbm>> -> memref<128xi32, #tpu.memory_space<hbm>>
      %dma_wait3A_577 = tpu.memref_slice %arg3[%mul3A_575] : memref<100096xi32, #tpu.memory_space<hbm>> -> memref<128xi32, #tpu.memory_space<hbm>>
      tpu.wait_dma2 semaphore(%arg13 : memref<!tpu.dma_semaphore, #tpu.memory_space<semaphore_mem>>) src(%dma_wait3A_577 : memref<128xi32, #tpu.memory_space<hbm>>) dst(%arg5 : memref<128xi32, #tpu.memory_space<vmem>>)
      %sub3A = arith.constant 128 : i32
      %sub3A_578 = arith.subi %add3A_235, %sub3A : i32
      %mul3A_579 = arith.constant 128 : i32
      %mul3A_580 = arith.muli %sub3A_578, %mul3A_579 : i32
      %dma_wait3A_581 = arith.constant 0 : i32
      %dma_wait3A_582 = tpu.memref_slice %arg4[%mul3A_580, %dma_wait3A_581] : memref<100000x128xf32, #tpu.memory_space<hbm>> -> memref<128x128xf32, #tpu.memory_space<hbm>>
      %dma_wait3A_583 = arith.constant 0 : i32
      %dma_wait3A_584 = tpu.memref_slice %arg4[%mul3A_580, %dma_wait3A_583] : memref<100000x128xf32, #tpu.memory_space<hbm>> -> memref<128x128xf32, #tpu.memory_space<hbm>>
      tpu.wait_dma2 semaphore(%arg18 : memref<!tpu.dma_semaphore, #tpu.memory_space<semaphore_mem>>) src(%arg9 : memref<128x128xf32, #tpu.memory_space<vmem>>) dst(%dma_wait3A_584 : memref<128x128xf32, #tpu.memory_space<hbm>>)
      %dma_start3A_585 = arith.constant 0 : i32
      %dma_start3A_586 = arith.constant 0 : i32
      %dma_start3A_587 = tpu.memref_slice %arg2[%dma_start3A_585, %dma_start3A_586] : memref<4225x128xf32, #tpu.memory_space<hbm>> -> memref<4225x128xf32, #tpu.memory_space<hbm>>
      tpu.enqueue_indirect_dma source(%dma_start3A_587 : memref<4225x128xf32, #tpu.memory_space<hbm>>) target(%arg9 : memref<128x128xf32, #tpu.memory_space<vmem>>) offsets(%arg5 : memref<128xi32, #tpu.memory_space<vmem>>) semaphore(%arg14 : memref<!tpu.dma_semaphore, #tpu.memory_space<semaphore_mem>>)
      %add3A_588 = arith.constant 32 : i32
      %add3A_589 = arith.addi %add3A_235, %add3A_588 : i32
      %lt3A_590 = arith.constant 782 : i32
      %lt3A_591 = arith.cmpi slt, %add3A_589, %lt3A_590 : i32
      %convert_element_type3A_592 = arith.extui %lt3A_591 : i1 to i32
      %cond3A_593 = arith.constant 0 : i32
      %cond3A_594 = arith.cmpi ne, %convert_element_type3A_592, %cond3A_593 : i32
      scf.if %cond3A_594 {
        %add3A_595 = arith.constant 32 : i32
        %add3A_596 = arith.addi %add3A_235, %add3A_595 : i32
        %mul3A_597 = arith.constant 128 : i32
        %mul3A_598 = arith.muli %add3A_596, %mul3A_597 : i32
        %dma_start3A_599 = tpu.memref_slice %arg3[%mul3A_598] : memref<100096xi32, #tpu.memory_space<hbm>> -> memref<128xi32, #tpu.memory_space<hbm>>
        %dma_start3A_600 = tpu.memref_slice %arg3[%mul3A_598] : memref<100096xi32, #tpu.memory_space<hbm>> -> memref<128xi32, #tpu.memory_space<hbm>>
        tpu.enqueue_dma source(%dma_start3A_600 : memref<128xi32, #tpu.memory_space<hbm>>) target(%arg6 : memref<128xi32, #tpu.memory_space<vmem>>) target_semaphore(%arg13 : memref<!tpu.dma_semaphore, #tpu.memory_space<semaphore_mem>>)
      } else {
      }
    } else {
    }
    %dma_wait3A_241 = arith.constant 0 : i32
    %dma_wait3A_242 = arith.constant 0 : i32
    %dma_wait3A_243 = tpu.memref_slice %arg2[%dma_wait3A_241, %dma_wait3A_242] : memref<4225x128xf32, #tpu.memory_space<hbm>> -> memref<128x128xf32, #tpu.memory_space<hbm>>
    %dma_wait3A_244 = arith.constant 0 : i32
    %dma_wait3A_245 = arith.constant 0 : i32
    %dma_wait3A_246 = tpu.memref_slice %arg2[%dma_wait3A_244, %dma_wait3A_245] : memref<4225x128xf32, #tpu.memory_space<hbm>> -> memref<128x128xf32, #tpu.memory_space<hbm>>
    tpu.wait_dma2 semaphore(%arg16 : memref<!tpu.dma_semaphore, #tpu.memory_space<semaphore_mem>>) src(%dma_wait3A_246 : memref<128x128xf32, #tpu.memory_space<hbm>>) dst(%arg11 : memref<128x128xf32, #tpu.memory_space<vmem>>)
    %mul3A_247 = arith.constant 128 : i32
    %mul3A_248 = arith.muli %add3A_233, %mul3A_247 : i32
    %dma_start3A_249 = arith.constant 0 : i32
    %dma_start3A_250 = tpu.memref_slice %arg4[%mul3A_248, %dma_start3A_249] : memref<100000x128xf32, #tpu.memory_space<hbm>> -> memref<128x128xf32, #tpu.memory_space<hbm>>
    %dma_start3A_251 = arith.constant 0 : i32
    %dma_start3A_252 = tpu.memref_slice %arg4[%mul3A_248, %dma_start3A_251] : memref<100000x128xf32, #tpu.memory_space<hbm>> -> memref<128x128xf32, #tpu.memory_space<hbm>>
    tpu.enqueue_dma source(%arg11 : memref<128x128xf32, #tpu.memory_space<vmem>>) target(%dma_start3A_252 : memref<128x128xf32, #tpu.memory_space<hbm>>) target_semaphore(%arg20 : memref<!tpu.dma_semaphore, #tpu.memory_space<semaphore_mem>>)
    %add3A_253 = arith.constant 352 : i32
    %add3A_254 = arith.addi %add3A_253, %add3A : i32
    %add3A_255 = arith.constant 64 : i32
    %add3A_256 = arith.addi %add3A_254, %add3A_255 : i32
    %lt3A_257 = arith.constant 782 : i32
    %lt3A_258 = arith.cmpi slt, %add3A_256, %lt3A_257 : i32
    %convert_element_type3A_259 = arith.extui %lt3A_258 : i1 to i32
    %cond3A_260 = arith.constant 0 : i32
    %cond3A_261 = arith.cmpi ne, %convert_element_type3A_259, %cond3A_260 : i32
    scf.if %cond3A_261 {
      %mul3A_574 = arith.constant 128 : i32
      %mul3A_575 = arith.muli %add3A_256, %mul3A_574 : i32
      %dma_wait3A_576 = tpu.memref_slice %arg3[%mul3A_575] : memref<100096xi32, #tpu.memory_space<hbm>> -> memref<128xi32, #tpu.memory_space<hbm>>
      %dma_wait3A_577 = tpu.memref_slice %arg3[%mul3A_575] : memref<100096xi32, #tpu.memory_space<hbm>> -> memref<128xi32, #tpu.memory_space<hbm>>
      tpu.wait_dma2 semaphore(%arg13 : memref<!tpu.dma_semaphore, #tpu.memory_space<semaphore_mem>>) src(%dma_wait3A_577 : memref<128xi32, #tpu.memory_space<hbm>>) dst(%arg6 : memref<128xi32, #tpu.memory_space<vmem>>)
      %sub3A = arith.constant 128 : i32
      %sub3A_578 = arith.subi %add3A_256, %sub3A : i32
      %mul3A_579 = arith.constant 128 : i32
      %mul3A_580 = arith.muli %sub3A_578, %mul3A_579 : i32
      %dma_wait3A_581 = arith.constant 0 : i32
      %dma_wait3A_582 = tpu.memref_slice %arg4[%mul3A_580, %dma_wait3A_581] : memref<100000x128xf32, #tpu.memory_space<hbm>> -> memref<128x128xf32, #tpu.memory_space<hbm>>
      %dma_wait3A_583 = arith.constant 0 : i32
      %dma_wait3A_584 = tpu.memref_slice %arg4[%mul3A_580, %dma_wait3A_583] : memref<100000x128xf32, #tpu.memory_space<hbm>> -> memref<128x128xf32, #tpu.memory_space<hbm>>
      tpu.wait_dma2 semaphore(%arg19 : memref<!tpu.dma_semaphore, #tpu.memory_space<semaphore_mem>>) src(%arg10 : memref<128x128xf32, #tpu.memory_space<vmem>>) dst(%dma_wait3A_584 : memref<128x128xf32, #tpu.memory_space<hbm>>)
      %dma_start3A_585 = arith.constant 0 : i32
      %dma_start3A_586 = arith.constant 0 : i32
      %dma_start3A_587 = tpu.memref_slice %arg2[%dma_start3A_585, %dma_start3A_586] : memref<4225x128xf32, #tpu.memory_space<hbm>> -> memref<4225x128xf32, #tpu.memory_space<hbm>>
      tpu.enqueue_indirect_dma source(%dma_start3A_587 : memref<4225x128xf32, #tpu.memory_space<hbm>>) target(%arg10 : memref<128x128xf32, #tpu.memory_space<vmem>>) offsets(%arg6 : memref<128xi32, #tpu.memory_space<vmem>>) semaphore(%arg15 : memref<!tpu.dma_semaphore, #tpu.memory_space<semaphore_mem>>)
      %add3A_588 = arith.constant 32 : i32
      %add3A_589 = arith.addi %add3A_256, %add3A_588 : i32
      %lt3A_590 = arith.constant 782 : i32
      %lt3A_591 = arith.cmpi slt, %add3A_589, %lt3A_590 : i32
      %convert_element_type3A_592 = arith.extui %lt3A_591 : i1 to i32
      %cond3A_593 = arith.constant 0 : i32
      %cond3A_594 = arith.cmpi ne, %convert_element_type3A_592, %cond3A_593 : i32
      scf.if %cond3A_594 {
        %add3A_595 = arith.constant 32 : i32
        %add3A_596 = arith.addi %add3A_256, %add3A_595 : i32
        %mul3A_597 = arith.constant 128 : i32
        %mul3A_598 = arith.muli %add3A_596, %mul3A_597 : i32
        %dma_start3A_599 = tpu.memref_slice %arg3[%mul3A_598] : memref<100096xi32, #tpu.memory_space<hbm>> -> memref<128xi32, #tpu.memory_space<hbm>>
        %dma_start3A_600 = tpu.memref_slice %arg3[%mul3A_598] : memref<100096xi32, #tpu.memory_space<hbm>> -> memref<128xi32, #tpu.memory_space<hbm>>
        tpu.enqueue_dma source(%dma_start3A_600 : memref<128xi32, #tpu.memory_space<hbm>>) target(%arg7 : memref<128xi32, #tpu.memory_space<vmem>>) target_semaphore(%arg13 : memref<!tpu.dma_semaphore, #tpu.memory_space<semaphore_mem>>)
      } else {
      }
    } else {
    }
    %dma_wait3A_262 = arith.constant 0 : i32
    %dma_wait3A_263 = arith.constant 0 : i32
    %dma_wait3A_264 = tpu.memref_slice %arg2[%dma_wait3A_262, %dma_wait3A_263] : memref<4225x128xf32, #tpu.memory_space<hbm>> -> memref<128x128xf32, #tpu.memory_space<hbm>>
    %dma_wait3A_265 = arith.constant 0 : i32
    %dma_wait3A_266 = arith.constant 0 : i32
    %dma_wait3A_267 = tpu.memref_slice %arg2[%dma_wait3A_265, %dma_wait3A_266] : memref<4225x128xf32, #tpu.memory_space<hbm>> -> memref<128x128xf32, #tpu.memory_space<hbm>>
    tpu.wait_dma2 semaphore(%arg17 : memref<!tpu.dma_semaphore, #tpu.memory_space<semaphore_mem>>) src(%dma_wait3A_267 : memref<128x128xf32, #tpu.memory_space<hbm>>) dst(%arg12 : memref<128x128xf32, #tpu.memory_space<vmem>>)
    %mul3A_268 = arith.constant 128 : i32
    %mul3A_269 = arith.muli %add3A_254, %mul3A_268 : i32
    %dma_start3A_270 = arith.constant 0 : i32
    %dma_start3A_271 = tpu.memref_slice %arg4[%mul3A_269, %dma_start3A_270] : memref<100000x128xf32, #tpu.memory_space<hbm>> -> memref<128x128xf32, #tpu.memory_space<hbm>>
    %dma_start3A_272 = arith.constant 0 : i32
    %dma_start3A_273 = tpu.memref_slice %arg4[%mul3A_269, %dma_start3A_272] : memref<100000x128xf32, #tpu.memory_space<hbm>> -> memref<128x128xf32, #tpu.memory_space<hbm>>
    tpu.enqueue_dma source(%arg12 : memref<128x128xf32, #tpu.memory_space<vmem>>) target(%dma_start3A_273 : memref<128x128xf32, #tpu.memory_space<hbm>>) target_semaphore(%arg21 : memref<!tpu.dma_semaphore, #tpu.memory_space<semaphore_mem>>)
    %add3A_274 = arith.constant 384 : i32
    %add3A_275 = arith.addi %add3A_274, %add3A : i32
    %add3A_276 = arith.constant 64 : i32
    %add3A_277 = arith.addi %add3A_275, %add3A_276 : i32
    %lt3A_278 = arith.constant 782 : i32
    %lt3A_279 = arith.cmpi slt, %add3A_277, %lt3A_278 : i32
    %convert_element_type3A_280 = arith.extui %lt3A_279 : i1 to i32
    %cond3A_281 = arith.constant 0 : i32
    %cond3A_282 = arith.cmpi ne, %convert_element_type3A_280, %cond3A_281 : i32
    scf.if %cond3A_282 {
      %mul3A_574 = arith.constant 128 : i32
      %mul3A_575 = arith.muli %add3A_277, %mul3A_574 : i32
      %dma_wait3A_576 = tpu.memref_slice %arg3[%mul3A_575] : memref<100096xi32, #tpu.memory_space<hbm>> -> memref<128xi32, #tpu.memory_space<hbm>>
      %dma_wait3A_577 = tpu.memref_slice %arg3[%mul3A_575] : memref<100096xi32, #tpu.memory_space<hbm>> -> memref<128xi32, #tpu.memory_space<hbm>>
      tpu.wait_dma2 semaphore(%arg13 : memref<!tpu.dma_semaphore, #tpu.memory_space<semaphore_mem>>) src(%dma_wait3A_577 : memref<128xi32, #tpu.memory_space<hbm>>) dst(%arg7 : memref<128xi32, #tpu.memory_space<vmem>>)
      %sub3A = arith.constant 128 : i32
      %sub3A_578 = arith.subi %add3A_277, %sub3A : i32
      %mul3A_579 = arith.constant 128 : i32
      %mul3A_580 = arith.muli %sub3A_578, %mul3A_579 : i32
      %dma_wait3A_581 = arith.constant 0 : i32
      %dma_wait3A_582 = tpu.memref_slice %arg4[%mul3A_580, %dma_wait3A_581] : memref<100000x128xf32, #tpu.memory_space<hbm>> -> memref<128x128xf32, #tpu.memory_space<hbm>>
      %dma_wait3A_583 = arith.constant 0 : i32
      %dma_wait3A_584 = tpu.memref_slice %arg4[%mul3A_580, %dma_wait3A_583] : memref<100000x128xf32, #tpu.memory_space<hbm>> -> memref<128x128xf32, #tpu.memory_space<hbm>>
      tpu.wait_dma2 semaphore(%arg20 : memref<!tpu.dma_semaphore, #tpu.memory_space<semaphore_mem>>) src(%arg11 : memref<128x128xf32, #tpu.memory_space<vmem>>) dst(%dma_wait3A_584 : memref<128x128xf32, #tpu.memory_space<hbm>>)
      %dma_start3A_585 = arith.constant 0 : i32
      %dma_start3A_586 = arith.constant 0 : i32
      %dma_start3A_587 = tpu.memref_slice %arg2[%dma_start3A_585, %dma_start3A_586] : memref<4225x128xf32, #tpu.memory_space<hbm>> -> memref<4225x128xf32, #tpu.memory_space<hbm>>
      tpu.enqueue_indirect_dma source(%dma_start3A_587 : memref<4225x128xf32, #tpu.memory_space<hbm>>) target(%arg11 : memref<128x128xf32, #tpu.memory_space<vmem>>) offsets(%arg7 : memref<128xi32, #tpu.memory_space<vmem>>) semaphore(%arg16 : memref<!tpu.dma_semaphore, #tpu.memory_space<semaphore_mem>>)
      %add3A_588 = arith.constant 32 : i32
      %add3A_589 = arith.addi %add3A_277, %add3A_588 : i32
      %lt3A_590 = arith.constant 782 : i32
      %lt3A_591 = arith.cmpi slt, %add3A_589, %lt3A_590 : i32
      %convert_element_type3A_592 = arith.extui %lt3A_591 : i1 to i32
      %cond3A_593 = arith.constant 0 : i32
      %cond3A_594 = arith.cmpi ne, %convert_element_type3A_592, %cond3A_593 : i32
      scf.if %cond3A_594 {
        %add3A_595 = arith.constant 32 : i32
        %add3A_596 = arith.addi %add3A_277, %add3A_595 : i32
        %mul3A_597 = arith.constant 128 : i32
        %mul3A_598 = arith.muli %add3A_596, %mul3A_597 : i32
        %dma_start3A_599 = tpu.memref_slice %arg3[%mul3A_598] : memref<100096xi32, #tpu.memory_space<hbm>> -> memref<128xi32, #tpu.memory_space<hbm>>
        %dma_start3A_600 = tpu.memref_slice %arg3[%mul3A_598] : memref<100096xi32, #tpu.memory_space<hbm>> -> memref<128xi32, #tpu.memory_space<hbm>>
        tpu.enqueue_dma source(%dma_start3A_600 : memref<128xi32, #tpu.memory_space<hbm>>) target(%arg8 : memref<128xi32, #tpu.memory_space<vmem>>) target_semaphore(%arg13 : memref<!tpu.dma_semaphore, #tpu.memory_space<semaphore_mem>>)
      } else {
      }
    } else {
    }
    %dma_wait3A_283 = arith.constant 0 : i32
    %dma_wait3A_284 = arith.constant 0 : i32
    %dma_wait3A_285 = tpu.memref_slice %arg2[%dma_wait3A_283, %dma_wait3A_284] : memref<4225x128xf32, #tpu.memory_space<hbm>> -> memref<128x128xf32, #tpu.memory_space<hbm>>
    %dma_wait3A_286 = arith.constant 0 : i32
    %dma_wait3A_287 = arith.constant 0 : i32
    %dma_wait3A_288 = tpu.memref_slice %arg2[%dma_wait3A_286, %dma_wait3A_287] : memref<4225x128xf32, #tpu.memory_space<hbm>> -> memref<128x128xf32, #tpu.memory_space<hbm>>
    tpu.wait_dma2 semaphore(%arg14 : memref<!tpu.dma_semaphore, #tpu.memory_space<semaphore_mem>>) src(%dma_wait3A_288 : memref<128x128xf32, #tpu.memory_space<hbm>>) dst(%arg9 : memref<128x128xf32, #tpu.memory_space<vmem>>)
    %mul3A_289 = arith.constant 128 : i32
    %mul3A_290 = arith.muli %add3A_275, %mul3A_289 : i32
    %dma_start3A_291 = arith.constant 0 : i32
    %dma_start3A_292 = tpu.memref_slice %arg4[%mul3A_290, %dma_start3A_291] : memref<100000x128xf32, #tpu.memory_space<hbm>> -> memref<128x128xf32, #tpu.memory_space<hbm>>
    %dma_start3A_293 = arith.constant 0 : i32
    %dma_start3A_294 = tpu.memref_slice %arg4[%mul3A_290, %dma_start3A_293] : memref<100000x128xf32, #tpu.memory_space<hbm>> -> memref<128x128xf32, #tpu.memory_space<hbm>>
    tpu.enqueue_dma source(%arg9 : memref<128x128xf32, #tpu.memory_space<vmem>>) target(%dma_start3A_294 : memref<128x128xf32, #tpu.memory_space<hbm>>) target_semaphore(%arg18 : memref<!tpu.dma_semaphore, #tpu.memory_space<semaphore_mem>>)
    %add3A_295 = arith.constant 416 : i32
    %add3A_296 = arith.addi %add3A_295, %add3A : i32
    %add3A_297 = arith.constant 64 : i32
    %add3A_298 = arith.addi %add3A_296, %add3A_297 : i32
    %lt3A_299 = arith.constant 782 : i32
    %lt3A_300 = arith.cmpi slt, %add3A_298, %lt3A_299 : i32
    %convert_element_type3A_301 = arith.extui %lt3A_300 : i1 to i32
    %cond3A_302 = arith.constant 0 : i32
    %cond3A_303 = arith.cmpi ne, %convert_element_type3A_301, %cond3A_302 : i32
    scf.if %cond3A_303 {
      %mul3A_574 = arith.constant 128 : i32
      %mul3A_575 = arith.muli %add3A_298, %mul3A_574 : i32
      %dma_wait3A_576 = tpu.memref_slice %arg3[%mul3A_575] : memref<100096xi32, #tpu.memory_space<hbm>> -> memref<128xi32, #tpu.memory_space<hbm>>
      %dma_wait3A_577 = tpu.memref_slice %arg3[%mul3A_575] : memref<100096xi32, #tpu.memory_space<hbm>> -> memref<128xi32, #tpu.memory_space<hbm>>
      tpu.wait_dma2 semaphore(%arg13 : memref<!tpu.dma_semaphore, #tpu.memory_space<semaphore_mem>>) src(%dma_wait3A_577 : memref<128xi32, #tpu.memory_space<hbm>>) dst(%arg8 : memref<128xi32, #tpu.memory_space<vmem>>)
      %sub3A = arith.constant 128 : i32
      %sub3A_578 = arith.subi %add3A_298, %sub3A : i32
      %mul3A_579 = arith.constant 128 : i32
      %mul3A_580 = arith.muli %sub3A_578, %mul3A_579 : i32
      %dma_wait3A_581 = arith.constant 0 : i32
      %dma_wait3A_582 = tpu.memref_slice %arg4[%mul3A_580, %dma_wait3A_581] : memref<100000x128xf32, #tpu.memory_space<hbm>> -> memref<128x128xf32, #tpu.memory_space<hbm>>
      %dma_wait3A_583 = arith.constant 0 : i32
      %dma_wait3A_584 = tpu.memref_slice %arg4[%mul3A_580, %dma_wait3A_583] : memref<100000x128xf32, #tpu.memory_space<hbm>> -> memref<128x128xf32, #tpu.memory_space<hbm>>
      tpu.wait_dma2 semaphore(%arg21 : memref<!tpu.dma_semaphore, #tpu.memory_space<semaphore_mem>>) src(%arg12 : memref<128x128xf32, #tpu.memory_space<vmem>>) dst(%dma_wait3A_584 : memref<128x128xf32, #tpu.memory_space<hbm>>)
      %dma_start3A_585 = arith.constant 0 : i32
      %dma_start3A_586 = arith.constant 0 : i32
      %dma_start3A_587 = tpu.memref_slice %arg2[%dma_start3A_585, %dma_start3A_586] : memref<4225x128xf32, #tpu.memory_space<hbm>> -> memref<4225x128xf32, #tpu.memory_space<hbm>>
      tpu.enqueue_indirect_dma source(%dma_start3A_587 : memref<4225x128xf32, #tpu.memory_space<hbm>>) target(%arg12 : memref<128x128xf32, #tpu.memory_space<vmem>>) offsets(%arg8 : memref<128xi32, #tpu.memory_space<vmem>>) semaphore(%arg17 : memref<!tpu.dma_semaphore, #tpu.memory_space<semaphore_mem>>)
      %add3A_588 = arith.constant 32 : i32
      %add3A_589 = arith.addi %add3A_298, %add3A_588 : i32
      %lt3A_590 = arith.constant 782 : i32
      %lt3A_591 = arith.cmpi slt, %add3A_589, %lt3A_590 : i32
      %convert_element_type3A_592 = arith.extui %lt3A_591 : i1 to i32
      %cond3A_593 = arith.constant 0 : i32
      %cond3A_594 = arith.cmpi ne, %convert_element_type3A_592, %cond3A_593 : i32
      scf.if %cond3A_594 {
        %add3A_595 = arith.constant 32 : i32
        %add3A_596 = arith.addi %add3A_298, %add3A_595 : i32
        %mul3A_597 = arith.constant 128 : i32
        %mul3A_598 = arith.muli %add3A_596, %mul3A_597 : i32
        %dma_start3A_599 = tpu.memref_slice %arg3[%mul3A_598] : memref<100096xi32, #tpu.memory_space<hbm>> -> memref<128xi32, #tpu.memory_space<hbm>>
        %dma_start3A_600 = tpu.memref_slice %arg3[%mul3A_598] : memref<100096xi32, #tpu.memory_space<hbm>> -> memref<128xi32, #tpu.memory_space<hbm>>
        tpu.enqueue_dma source(%dma_start3A_600 : memref<128xi32, #tpu.memory_space<hbm>>) target(%arg5 : memref<128xi32, #tpu.memory_space<vmem>>) target_semaphore(%arg13 : memref<!tpu.dma_semaphore, #tpu.memory_space<semaphore_mem>>)
      } else {
      }
    } else {
    }
    %dma_wait3A_304 = arith.constant 0 : i32
    %dma_wait3A_305 = arith.constant 0 : i32
    %dma_wait3A_306 = tpu.memref_slice %arg2[%dma_wait3A_304, %dma_wait3A_305] : memref<4225x128xf32, #tpu.memory_space<hbm>> -> memref<128x128xf32, #tpu.memory_space<hbm>>
    %dma_wait3A_307 = arith.constant 0 : i32
    %dma_wait3A_308 = arith.constant 0 : i32
    %dma_wait3A_309 = tpu.memref_slice %arg2[%dma_wait3A_307, %dma_wait3A_308] : memref<4225x128xf32, #tpu.memory_space<hbm>> -> memref<128x128xf32, #tpu.memory_space<hbm>>
    tpu.wait_dma2 semaphore(%arg15 : memref<!tpu.dma_semaphore, #tpu.memory_space<semaphore_mem>>) src(%dma_wait3A_309 : memref<128x128xf32, #tpu.memory_space<hbm>>) dst(%arg10 : memref<128x128xf32, #tpu.memory_space<vmem>>)
    %mul3A_310 = arith.constant 128 : i32
    %mul3A_311 = arith.muli %add3A_296, %mul3A_310 : i32
    %dma_start3A_312 = arith.constant 0 : i32
    %dma_start3A_313 = tpu.memref_slice %arg4[%mul3A_311, %dma_start3A_312] : memref<100000x128xf32, #tpu.memory_space<hbm>> -> memref<128x128xf32, #tpu.memory_space<hbm>>
    %dma_start3A_314 = arith.constant 0 : i32
    %dma_start3A_315 = tpu.memref_slice %arg4[%mul3A_311, %dma_start3A_314] : memref<100000x128xf32, #tpu.memory_space<hbm>> -> memref<128x128xf32, #tpu.memory_space<hbm>>
    tpu.enqueue_dma source(%arg10 : memref<128x128xf32, #tpu.memory_space<vmem>>) target(%dma_start3A_315 : memref<128x128xf32, #tpu.memory_space<hbm>>) target_semaphore(%arg19 : memref<!tpu.dma_semaphore, #tpu.memory_space<semaphore_mem>>)
    %add3A_316 = arith.constant 448 : i32
    %add3A_317 = arith.addi %add3A_316, %add3A : i32
    %add3A_318 = arith.constant 64 : i32
    %add3A_319 = arith.addi %add3A_317, %add3A_318 : i32
    %lt3A_320 = arith.constant 782 : i32
    %lt3A_321 = arith.cmpi slt, %add3A_319, %lt3A_320 : i32
    %convert_element_type3A_322 = arith.extui %lt3A_321 : i1 to i32
    %cond3A_323 = arith.constant 0 : i32
    %cond3A_324 = arith.cmpi ne, %convert_element_type3A_322, %cond3A_323 : i32
    scf.if %cond3A_324 {
      %mul3A_574 = arith.constant 128 : i32
      %mul3A_575 = arith.muli %add3A_319, %mul3A_574 : i32
      %dma_wait3A_576 = tpu.memref_slice %arg3[%mul3A_575] : memref<100096xi32, #tpu.memory_space<hbm>> -> memref<128xi32, #tpu.memory_space<hbm>>
      %dma_wait3A_577 = tpu.memref_slice %arg3[%mul3A_575] : memref<100096xi32, #tpu.memory_space<hbm>> -> memref<128xi32, #tpu.memory_space<hbm>>
      tpu.wait_dma2 semaphore(%arg13 : memref<!tpu.dma_semaphore, #tpu.memory_space<semaphore_mem>>) src(%dma_wait3A_577 : memref<128xi32, #tpu.memory_space<hbm>>) dst(%arg5 : memref<128xi32, #tpu.memory_space<vmem>>)
      %sub3A = arith.constant 128 : i32
      %sub3A_578 = arith.subi %add3A_319, %sub3A : i32
      %mul3A_579 = arith.constant 128 : i32
      %mul3A_580 = arith.muli %sub3A_578, %mul3A_579 : i32
      %dma_wait3A_581 = arith.constant 0 : i32
      %dma_wait3A_582 = tpu.memref_slice %arg4[%mul3A_580, %dma_wait3A_581] : memref<100000x128xf32, #tpu.memory_space<hbm>> -> memref<128x128xf32, #tpu.memory_space<hbm>>
      %dma_wait3A_583 = arith.constant 0 : i32
      %dma_wait3A_584 = tpu.memref_slice %arg4[%mul3A_580, %dma_wait3A_583] : memref<100000x128xf32, #tpu.memory_space<hbm>> -> memref<128x128xf32, #tpu.memory_space<hbm>>
      tpu.wait_dma2 semaphore(%arg18 : memref<!tpu.dma_semaphore, #tpu.memory_space<semaphore_mem>>) src(%arg9 : memref<128x128xf32, #tpu.memory_space<vmem>>) dst(%dma_wait3A_584 : memref<128x128xf32, #tpu.memory_space<hbm>>)
      %dma_start3A_585 = arith.constant 0 : i32
      %dma_start3A_586 = arith.constant 0 : i32
      %dma_start3A_587 = tpu.memref_slice %arg2[%dma_start3A_585, %dma_start3A_586] : memref<4225x128xf32, #tpu.memory_space<hbm>> -> memref<4225x128xf32, #tpu.memory_space<hbm>>
      tpu.enqueue_indirect_dma source(%dma_start3A_587 : memref<4225x128xf32, #tpu.memory_space<hbm>>) target(%arg9 : memref<128x128xf32, #tpu.memory_space<vmem>>) offsets(%arg5 : memref<128xi32, #tpu.memory_space<vmem>>) semaphore(%arg14 : memref<!tpu.dma_semaphore, #tpu.memory_space<semaphore_mem>>)
      %add3A_588 = arith.constant 32 : i32
      %add3A_589 = arith.addi %add3A_319, %add3A_588 : i32
      %lt3A_590 = arith.constant 782 : i32
      %lt3A_591 = arith.cmpi slt, %add3A_589, %lt3A_590 : i32
      %convert_element_type3A_592 = arith.extui %lt3A_591 : i1 to i32
      %cond3A_593 = arith.constant 0 : i32
      %cond3A_594 = arith.cmpi ne, %convert_element_type3A_592, %cond3A_593 : i32
      scf.if %cond3A_594 {
        %add3A_595 = arith.constant 32 : i32
        %add3A_596 = arith.addi %add3A_319, %add3A_595 : i32
        %mul3A_597 = arith.constant 128 : i32
        %mul3A_598 = arith.muli %add3A_596, %mul3A_597 : i32
        %dma_start3A_599 = tpu.memref_slice %arg3[%mul3A_598] : memref<100096xi32, #tpu.memory_space<hbm>> -> memref<128xi32, #tpu.memory_space<hbm>>
        %dma_start3A_600 = tpu.memref_slice %arg3[%mul3A_598] : memref<100096xi32, #tpu.memory_space<hbm>> -> memref<128xi32, #tpu.memory_space<hbm>>
        tpu.enqueue_dma source(%dma_start3A_600 : memref<128xi32, #tpu.memory_space<hbm>>) target(%arg6 : memref<128xi32, #tpu.memory_space<vmem>>) target_semaphore(%arg13 : memref<!tpu.dma_semaphore, #tpu.memory_space<semaphore_mem>>)
      } else {
      }
    } else {
    }
    %dma_wait3A_325 = arith.constant 0 : i32
    %dma_wait3A_326 = arith.constant 0 : i32
    %dma_wait3A_327 = tpu.memref_slice %arg2[%dma_wait3A_325, %dma_wait3A_326] : memref<4225x128xf32, #tpu.memory_space<hbm>> -> memref<128x128xf32, #tpu.memory_space<hbm>>
    %dma_wait3A_328 = arith.constant 0 : i32
    %dma_wait3A_329 = arith.constant 0 : i32
    %dma_wait3A_330 = tpu.memref_slice %arg2[%dma_wait3A_328, %dma_wait3A_329] : memref<4225x128xf32, #tpu.memory_space<hbm>> -> memref<128x128xf32, #tpu.memory_space<hbm>>
    tpu.wait_dma2 semaphore(%arg16 : memref<!tpu.dma_semaphore, #tpu.memory_space<semaphore_mem>>) src(%dma_wait3A_330 : memref<128x128xf32, #tpu.memory_space<hbm>>) dst(%arg11 : memref<128x128xf32, #tpu.memory_space<vmem>>)
    %mul3A_331 = arith.constant 128 : i32
    %mul3A_332 = arith.muli %add3A_317, %mul3A_331 : i32
    %dma_start3A_333 = arith.constant 0 : i32
    %dma_start3A_334 = tpu.memref_slice %arg4[%mul3A_332, %dma_start3A_333] : memref<100000x128xf32, #tpu.memory_space<hbm>> -> memref<128x128xf32, #tpu.memory_space<hbm>>
    %dma_start3A_335 = arith.constant 0 : i32
    %dma_start3A_336 = tpu.memref_slice %arg4[%mul3A_332, %dma_start3A_335] : memref<100000x128xf32, #tpu.memory_space<hbm>> -> memref<128x128xf32, #tpu.memory_space<hbm>>
    tpu.enqueue_dma source(%arg11 : memref<128x128xf32, #tpu.memory_space<vmem>>) target(%dma_start3A_336 : memref<128x128xf32, #tpu.memory_space<hbm>>) target_semaphore(%arg20 : memref<!tpu.dma_semaphore, #tpu.memory_space<semaphore_mem>>)
    %add3A_337 = arith.constant 480 : i32
    %add3A_338 = arith.addi %add3A_337, %add3A : i32
    %add3A_339 = arith.constant 64 : i32
    %add3A_340 = arith.addi %add3A_338, %add3A_339 : i32
    %lt3A_341 = arith.constant 782 : i32
    %lt3A_342 = arith.cmpi slt, %add3A_340, %lt3A_341 : i32
    %convert_element_type3A_343 = arith.extui %lt3A_342 : i1 to i32
    %cond3A_344 = arith.constant 0 : i32
    %cond3A_345 = arith.cmpi ne, %convert_element_type3A_343, %cond3A_344 : i32
    scf.if %cond3A_345 {
      %mul3A_574 = arith.constant 128 : i32
      %mul3A_575 = arith.muli %add3A_340, %mul3A_574 : i32
      %dma_wait3A_576 = tpu.memref_slice %arg3[%mul3A_575] : memref<100096xi32, #tpu.memory_space<hbm>> -> memref<128xi32, #tpu.memory_space<hbm>>
      %dma_wait3A_577 = tpu.memref_slice %arg3[%mul3A_575] : memref<100096xi32, #tpu.memory_space<hbm>> -> memref<128xi32, #tpu.memory_space<hbm>>
      tpu.wait_dma2 semaphore(%arg13 : memref<!tpu.dma_semaphore, #tpu.memory_space<semaphore_mem>>) src(%dma_wait3A_577 : memref<128xi32, #tpu.memory_space<hbm>>) dst(%arg6 : memref<128xi32, #tpu.memory_space<vmem>>)
      %sub3A = arith.constant 128 : i32
      %sub3A_578 = arith.subi %add3A_340, %sub3A : i32
      %mul3A_579 = arith.constant 128 : i32
      %mul3A_580 = arith.muli %sub3A_578, %mul3A_579 : i32
      %dma_wait3A_581 = arith.constant 0 : i32
      %dma_wait3A_582 = tpu.memref_slice %arg4[%mul3A_580, %dma_wait3A_581] : memref<100000x128xf32, #tpu.memory_space<hbm>> -> memref<128x128xf32, #tpu.memory_space<hbm>>
      %dma_wait3A_583 = arith.constant 0 : i32
      %dma_wait3A_584 = tpu.memref_slice %arg4[%mul3A_580, %dma_wait3A_583] : memref<100000x128xf32, #tpu.memory_space<hbm>> -> memref<128x128xf32, #tpu.memory_space<hbm>>
      tpu.wait_dma2 semaphore(%arg19 : memref<!tpu.dma_semaphore, #tpu.memory_space<semaphore_mem>>) src(%arg10 : memref<128x128xf32, #tpu.memory_space<vmem>>) dst(%dma_wait3A_584 : memref<128x128xf32, #tpu.memory_space<hbm>>)
      %dma_start3A_585 = arith.constant 0 : i32
      %dma_start3A_586 = arith.constant 0 : i32
      %dma_start3A_587 = tpu.memref_slice %arg2[%dma_start3A_585, %dma_start3A_586] : memref<4225x128xf32, #tpu.memory_space<hbm>> -> memref<4225x128xf32, #tpu.memory_space<hbm>>
      tpu.enqueue_indirect_dma source(%dma_start3A_587 : memref<4225x128xf32, #tpu.memory_space<hbm>>) target(%arg10 : memref<128x128xf32, #tpu.memory_space<vmem>>) offsets(%arg6 : memref<128xi32, #tpu.memory_space<vmem>>) semaphore(%arg15 : memref<!tpu.dma_semaphore, #tpu.memory_space<semaphore_mem>>)
      %add3A_588 = arith.constant 32 : i32
      %add3A_589 = arith.addi %add3A_340, %add3A_588 : i32
      %lt3A_590 = arith.constant 782 : i32
      %lt3A_591 = arith.cmpi slt, %add3A_589, %lt3A_590 : i32
      %convert_element_type3A_592 = arith.extui %lt3A_591 : i1 to i32
      %cond3A_593 = arith.constant 0 : i32
      %cond3A_594 = arith.cmpi ne, %convert_element_type3A_592, %cond3A_593 : i32
      scf.if %cond3A_594 {
        %add3A_595 = arith.constant 32 : i32
        %add3A_596 = arith.addi %add3A_340, %add3A_595 : i32
        %mul3A_597 = arith.constant 128 : i32
        %mul3A_598 = arith.muli %add3A_596, %mul3A_597 : i32
        %dma_start3A_599 = tpu.memref_slice %arg3[%mul3A_598] : memref<100096xi32, #tpu.memory_space<hbm>> -> memref<128xi32, #tpu.memory_space<hbm>>
        %dma_start3A_600 = tpu.memref_slice %arg3[%mul3A_598] : memref<100096xi32, #tpu.memory_space<hbm>> -> memref<128xi32, #tpu.memory_space<hbm>>
        tpu.enqueue_dma source(%dma_start3A_600 : memref<128xi32, #tpu.memory_space<hbm>>) target(%arg7 : memref<128xi32, #tpu.memory_space<vmem>>) target_semaphore(%arg13 : memref<!tpu.dma_semaphore, #tpu.memory_space<semaphore_mem>>)
      } else {
      }
    } else {
    }
    %dma_wait3A_346 = arith.constant 0 : i32
    %dma_wait3A_347 = arith.constant 0 : i32
    %dma_wait3A_348 = tpu.memref_slice %arg2[%dma_wait3A_346, %dma_wait3A_347] : memref<4225x128xf32, #tpu.memory_space<hbm>> -> memref<128x128xf32, #tpu.memory_space<hbm>>
    %dma_wait3A_349 = arith.constant 0 : i32
    %dma_wait3A_350 = arith.constant 0 : i32
    %dma_wait3A_351 = tpu.memref_slice %arg2[%dma_wait3A_349, %dma_wait3A_350] : memref<4225x128xf32, #tpu.memory_space<hbm>> -> memref<128x128xf32, #tpu.memory_space<hbm>>
    tpu.wait_dma2 semaphore(%arg17 : memref<!tpu.dma_semaphore, #tpu.memory_space<semaphore_mem>>) src(%dma_wait3A_351 : memref<128x128xf32, #tpu.memory_space<hbm>>) dst(%arg12 : memref<128x128xf32, #tpu.memory_space<vmem>>)
    %mul3A_352 = arith.constant 128 : i32
    %mul3A_353 = arith.muli %add3A_338, %mul3A_352 : i32
    %dma_start3A_354 = arith.constant 0 : i32
    %dma_start3A_355 = tpu.memref_slice %arg4[%mul3A_353, %dma_start3A_354] : memref<100000x128xf32, #tpu.memory_space<hbm>> -> memref<128x128xf32, #tpu.memory_space<hbm>>
    %dma_start3A_356 = arith.constant 0 : i32
    %dma_start3A_357 = tpu.memref_slice %arg4[%mul3A_353, %dma_start3A_356] : memref<100000x128xf32, #tpu.memory_space<hbm>> -> memref<128x128xf32, #tpu.memory_space<hbm>>
    tpu.enqueue_dma source(%arg12 : memref<128x128xf32, #tpu.memory_space<vmem>>) target(%dma_start3A_357 : memref<128x128xf32, #tpu.memory_space<hbm>>) target_semaphore(%arg21 : memref<!tpu.dma_semaphore, #tpu.memory_space<semaphore_mem>>)
    %add3A_358 = arith.constant 512 : i32
    %add3A_359 = arith.addi %add3A_358, %add3A : i32
    %add3A_360 = arith.constant 64 : i32
    %add3A_361 = arith.addi %add3A_359, %add3A_360 : i32
    %lt3A_362 = arith.constant 782 : i32
    %lt3A_363 = arith.cmpi slt, %add3A_361, %lt3A_362 : i32
    %convert_element_type3A_364 = arith.extui %lt3A_363 : i1 to i32
    %cond3A_365 = arith.constant 0 : i32
    %cond3A_366 = arith.cmpi ne, %convert_element_type3A_364, %cond3A_365 : i32
    scf.if %cond3A_366 {
      %mul3A_574 = arith.constant 128 : i32
      %mul3A_575 = arith.muli %add3A_361, %mul3A_574 : i32
      %dma_wait3A_576 = tpu.memref_slice %arg3[%mul3A_575] : memref<100096xi32, #tpu.memory_space<hbm>> -> memref<128xi32, #tpu.memory_space<hbm>>
      %dma_wait3A_577 = tpu.memref_slice %arg3[%mul3A_575] : memref<100096xi32, #tpu.memory_space<hbm>> -> memref<128xi32, #tpu.memory_space<hbm>>
      tpu.wait_dma2 semaphore(%arg13 : memref<!tpu.dma_semaphore, #tpu.memory_space<semaphore_mem>>) src(%dma_wait3A_577 : memref<128xi32, #tpu.memory_space<hbm>>) dst(%arg7 : memref<128xi32, #tpu.memory_space<vmem>>)
      %sub3A = arith.constant 128 : i32
      %sub3A_578 = arith.subi %add3A_361, %sub3A : i32
      %mul3A_579 = arith.constant 128 : i32
      %mul3A_580 = arith.muli %sub3A_578, %mul3A_579 : i32
      %dma_wait3A_581 = arith.constant 0 : i32
      %dma_wait3A_582 = tpu.memref_slice %arg4[%mul3A_580, %dma_wait3A_581] : memref<100000x128xf32, #tpu.memory_space<hbm>> -> memref<128x128xf32, #tpu.memory_space<hbm>>
      %dma_wait3A_583 = arith.constant 0 : i32
      %dma_wait3A_584 = tpu.memref_slice %arg4[%mul3A_580, %dma_wait3A_583] : memref<100000x128xf32, #tpu.memory_space<hbm>> -> memref<128x128xf32, #tpu.memory_space<hbm>>
      tpu.wait_dma2 semaphore(%arg20 : memref<!tpu.dma_semaphore, #tpu.memory_space<semaphore_mem>>) src(%arg11 : memref<128x128xf32, #tpu.memory_space<vmem>>) dst(%dma_wait3A_584 : memref<128x128xf32, #tpu.memory_space<hbm>>)
      %dma_start3A_585 = arith.constant 0 : i32
      %dma_start3A_586 = arith.constant 0 : i32
      %dma_start3A_587 = tpu.memref_slice %arg2[%dma_start3A_585, %dma_start3A_586] : memref<4225x128xf32, #tpu.memory_space<hbm>> -> memref<4225x128xf32, #tpu.memory_space<hbm>>
      tpu.enqueue_indirect_dma source(%dma_start3A_587 : memref<4225x128xf32, #tpu.memory_space<hbm>>) target(%arg11 : memref<128x128xf32, #tpu.memory_space<vmem>>) offsets(%arg7 : memref<128xi32, #tpu.memory_space<vmem>>) semaphore(%arg16 : memref<!tpu.dma_semaphore, #tpu.memory_space<semaphore_mem>>)
      %add3A_588 = arith.constant 32 : i32
      %add3A_589 = arith.addi %add3A_361, %add3A_588 : i32
      %lt3A_590 = arith.constant 782 : i32
      %lt3A_591 = arith.cmpi slt, %add3A_589, %lt3A_590 : i32
      %convert_element_type3A_592 = arith.extui %lt3A_591 : i1 to i32
      %cond3A_593 = arith.constant 0 : i32
      %cond3A_594 = arith.cmpi ne, %convert_element_type3A_592, %cond3A_593 : i32
      scf.if %cond3A_594 {
        %add3A_595 = arith.constant 32 : i32
        %add3A_596 = arith.addi %add3A_361, %add3A_595 : i32
        %mul3A_597 = arith.constant 128 : i32
        %mul3A_598 = arith.muli %add3A_596, %mul3A_597 : i32
        %dma_start3A_599 = tpu.memref_slice %arg3[%mul3A_598] : memref<100096xi32, #tpu.memory_space<hbm>> -> memref<128xi32, #tpu.memory_space<hbm>>
        %dma_start3A_600 = tpu.memref_slice %arg3[%mul3A_598] : memref<100096xi32, #tpu.memory_space<hbm>> -> memref<128xi32, #tpu.memory_space<hbm>>
        tpu.enqueue_dma source(%dma_start3A_600 : memref<128xi32, #tpu.memory_space<hbm>>) target(%arg8 : memref<128xi32, #tpu.memory_space<vmem>>) target_semaphore(%arg13 : memref<!tpu.dma_semaphore, #tpu.memory_space<semaphore_mem>>)
      } else {
      }
    } else {
    }
    %dma_wait3A_367 = arith.constant 0 : i32
    %dma_wait3A_368 = arith.constant 0 : i32
    %dma_wait3A_369 = tpu.memref_slice %arg2[%dma_wait3A_367, %dma_wait3A_368] : memref<4225x128xf32, #tpu.memory_space<hbm>> -> memref<128x128xf32, #tpu.memory_space<hbm>>
    %dma_wait3A_370 = arith.constant 0 : i32
    %dma_wait3A_371 = arith.constant 0 : i32
    %dma_wait3A_372 = tpu.memref_slice %arg2[%dma_wait3A_370, %dma_wait3A_371] : memref<4225x128xf32, #tpu.memory_space<hbm>> -> memref<128x128xf32, #tpu.memory_space<hbm>>
    tpu.wait_dma2 semaphore(%arg14 : memref<!tpu.dma_semaphore, #tpu.memory_space<semaphore_mem>>) src(%dma_wait3A_372 : memref<128x128xf32, #tpu.memory_space<hbm>>) dst(%arg9 : memref<128x128xf32, #tpu.memory_space<vmem>>)
    %mul3A_373 = arith.constant 128 : i32
    %mul3A_374 = arith.muli %add3A_359, %mul3A_373 : i32
    %dma_start3A_375 = arith.constant 0 : i32
    %dma_start3A_376 = tpu.memref_slice %arg4[%mul3A_374, %dma_start3A_375] : memref<100000x128xf32, #tpu.memory_space<hbm>> -> memref<128x128xf32, #tpu.memory_space<hbm>>
    %dma_start3A_377 = arith.constant 0 : i32
    %dma_start3A_378 = tpu.memref_slice %arg4[%mul3A_374, %dma_start3A_377] : memref<100000x128xf32, #tpu.memory_space<hbm>> -> memref<128x128xf32, #tpu.memory_space<hbm>>
    tpu.enqueue_dma source(%arg9 : memref<128x128xf32, #tpu.memory_space<vmem>>) target(%dma_start3A_378 : memref<128x128xf32, #tpu.memory_space<hbm>>) target_semaphore(%arg18 : memref<!tpu.dma_semaphore, #tpu.memory_space<semaphore_mem>>)
    %add3A_379 = arith.constant 544 : i32
    %add3A_380 = arith.addi %add3A_379, %add3A : i32
    %add3A_381 = arith.constant 64 : i32
    %add3A_382 = arith.addi %add3A_380, %add3A_381 : i32
    %lt3A_383 = arith.constant 782 : i32
    %lt3A_384 = arith.cmpi slt, %add3A_382, %lt3A_383 : i32
    %convert_element_type3A_385 = arith.extui %lt3A_384 : i1 to i32
    %cond3A_386 = arith.constant 0 : i32
    %cond3A_387 = arith.cmpi ne, %convert_element_type3A_385, %cond3A_386 : i32
    scf.if %cond3A_387 {
      %mul3A_574 = arith.constant 128 : i32
      %mul3A_575 = arith.muli %add3A_382, %mul3A_574 : i32
      %dma_wait3A_576 = tpu.memref_slice %arg3[%mul3A_575] : memref<100096xi32, #tpu.memory_space<hbm>> -> memref<128xi32, #tpu.memory_space<hbm>>
      %dma_wait3A_577 = tpu.memref_slice %arg3[%mul3A_575] : memref<100096xi32, #tpu.memory_space<hbm>> -> memref<128xi32, #tpu.memory_space<hbm>>
      tpu.wait_dma2 semaphore(%arg13 : memref<!tpu.dma_semaphore, #tpu.memory_space<semaphore_mem>>) src(%dma_wait3A_577 : memref<128xi32, #tpu.memory_space<hbm>>) dst(%arg8 : memref<128xi32, #tpu.memory_space<vmem>>)
      %sub3A = arith.constant 128 : i32
      %sub3A_578 = arith.subi %add3A_382, %sub3A : i32
      %mul3A_579 = arith.constant 128 : i32
      %mul3A_580 = arith.muli %sub3A_578, %mul3A_579 : i32
      %dma_wait3A_581 = arith.constant 0 : i32
      %dma_wait3A_582 = tpu.memref_slice %arg4[%mul3A_580, %dma_wait3A_581] : memref<100000x128xf32, #tpu.memory_space<hbm>> -> memref<128x128xf32, #tpu.memory_space<hbm>>
      %dma_wait3A_583 = arith.constant 0 : i32
      %dma_wait3A_584 = tpu.memref_slice %arg4[%mul3A_580, %dma_wait3A_583] : memref<100000x128xf32, #tpu.memory_space<hbm>> -> memref<128x128xf32, #tpu.memory_space<hbm>>
      tpu.wait_dma2 semaphore(%arg21 : memref<!tpu.dma_semaphore, #tpu.memory_space<semaphore_mem>>) src(%arg12 : memref<128x128xf32, #tpu.memory_space<vmem>>) dst(%dma_wait3A_584 : memref<128x128xf32, #tpu.memory_space<hbm>>)
      %dma_start3A_585 = arith.constant 0 : i32
      %dma_start3A_586 = arith.constant 0 : i32
      %dma_start3A_587 = tpu.memref_slice %arg2[%dma_start3A_585, %dma_start3A_586] : memref<4225x128xf32, #tpu.memory_space<hbm>> -> memref<4225x128xf32, #tpu.memory_space<hbm>>
      tpu.enqueue_indirect_dma source(%dma_start3A_587 : memref<4225x128xf32, #tpu.memory_space<hbm>>) target(%arg12 : memref<128x128xf32, #tpu.memory_space<vmem>>) offsets(%arg8 : memref<128xi32, #tpu.memory_space<vmem>>) semaphore(%arg17 : memref<!tpu.dma_semaphore, #tpu.memory_space<semaphore_mem>>)
      %add3A_588 = arith.constant 32 : i32
      %add3A_589 = arith.addi %add3A_382, %add3A_588 : i32
      %lt3A_590 = arith.constant 782 : i32
      %lt3A_591 = arith.cmpi slt, %add3A_589, %lt3A_590 : i32
      %convert_element_type3A_592 = arith.extui %lt3A_591 : i1 to i32
      %cond3A_593 = arith.constant 0 : i32
      %cond3A_594 = arith.cmpi ne, %convert_element_type3A_592, %cond3A_593 : i32
      scf.if %cond3A_594 {
        %add3A_595 = arith.constant 32 : i32
        %add3A_596 = arith.addi %add3A_382, %add3A_595 : i32
        %mul3A_597 = arith.constant 128 : i32
        %mul3A_598 = arith.muli %add3A_596, %mul3A_597 : i32
        %dma_start3A_599 = tpu.memref_slice %arg3[%mul3A_598] : memref<100096xi32, #tpu.memory_space<hbm>> -> memref<128xi32, #tpu.memory_space<hbm>>
        %dma_start3A_600 = tpu.memref_slice %arg3[%mul3A_598] : memref<100096xi32, #tpu.memory_space<hbm>> -> memref<128xi32, #tpu.memory_space<hbm>>
        tpu.enqueue_dma source(%dma_start3A_600 : memref<128xi32, #tpu.memory_space<hbm>>) target(%arg5 : memref<128xi32, #tpu.memory_space<vmem>>) target_semaphore(%arg13 : memref<!tpu.dma_semaphore, #tpu.memory_space<semaphore_mem>>)
      } else {
      }
    } else {
    }
    %dma_wait3A_388 = arith.constant 0 : i32
    %dma_wait3A_389 = arith.constant 0 : i32
    %dma_wait3A_390 = tpu.memref_slice %arg2[%dma_wait3A_388, %dma_wait3A_389] : memref<4225x128xf32, #tpu.memory_space<hbm>> -> memref<128x128xf32, #tpu.memory_space<hbm>>
    %dma_wait3A_391 = arith.constant 0 : i32
    %dma_wait3A_392 = arith.constant 0 : i32
    %dma_wait3A_393 = tpu.memref_slice %arg2[%dma_wait3A_391, %dma_wait3A_392] : memref<4225x128xf32, #tpu.memory_space<hbm>> -> memref<128x128xf32, #tpu.memory_space<hbm>>
    tpu.wait_dma2 semaphore(%arg15 : memref<!tpu.dma_semaphore, #tpu.memory_space<semaphore_mem>>) src(%dma_wait3A_393 : memref<128x128xf32, #tpu.memory_space<hbm>>) dst(%arg10 : memref<128x128xf32, #tpu.memory_space<vmem>>)
    %mul3A_394 = arith.constant 128 : i32
    %mul3A_395 = arith.muli %add3A_380, %mul3A_394 : i32
    %dma_start3A_396 = arith.constant 0 : i32
    %dma_start3A_397 = tpu.memref_slice %arg4[%mul3A_395, %dma_start3A_396] : memref<100000x128xf32, #tpu.memory_space<hbm>> -> memref<128x128xf32, #tpu.memory_space<hbm>>
    %dma_start3A_398 = arith.constant 0 : i32
    %dma_start3A_399 = tpu.memref_slice %arg4[%mul3A_395, %dma_start3A_398] : memref<100000x128xf32, #tpu.memory_space<hbm>> -> memref<128x128xf32, #tpu.memory_space<hbm>>
    tpu.enqueue_dma source(%arg10 : memref<128x128xf32, #tpu.memory_space<vmem>>) target(%dma_start3A_399 : memref<128x128xf32, #tpu.memory_space<hbm>>) target_semaphore(%arg19 : memref<!tpu.dma_semaphore, #tpu.memory_space<semaphore_mem>>)
    %add3A_400 = arith.constant 576 : i32
    %add3A_401 = arith.addi %add3A_400, %add3A : i32
    %add3A_402 = arith.constant 64 : i32
    %add3A_403 = arith.addi %add3A_401, %add3A_402 : i32
    %lt3A_404 = arith.constant 782 : i32
    %lt3A_405 = arith.cmpi slt, %add3A_403, %lt3A_404 : i32
    %convert_element_type3A_406 = arith.extui %lt3A_405 : i1 to i32
    %cond3A_407 = arith.constant 0 : i32
    %cond3A_408 = arith.cmpi ne, %convert_element_type3A_406, %cond3A_407 : i32
    scf.if %cond3A_408 {
      %mul3A_574 = arith.constant 128 : i32
      %mul3A_575 = arith.muli %add3A_403, %mul3A_574 : i32
      %dma_wait3A_576 = tpu.memref_slice %arg3[%mul3A_575] : memref<100096xi32, #tpu.memory_space<hbm>> -> memref<128xi32, #tpu.memory_space<hbm>>
      %dma_wait3A_577 = tpu.memref_slice %arg3[%mul3A_575] : memref<100096xi32, #tpu.memory_space<hbm>> -> memref<128xi32, #tpu.memory_space<hbm>>
      tpu.wait_dma2 semaphore(%arg13 : memref<!tpu.dma_semaphore, #tpu.memory_space<semaphore_mem>>) src(%dma_wait3A_577 : memref<128xi32, #tpu.memory_space<hbm>>) dst(%arg5 : memref<128xi32, #tpu.memory_space<vmem>>)
      %sub3A = arith.constant 128 : i32
      %sub3A_578 = arith.subi %add3A_403, %sub3A : i32
      %mul3A_579 = arith.constant 128 : i32
      %mul3A_580 = arith.muli %sub3A_578, %mul3A_579 : i32
      %dma_wait3A_581 = arith.constant 0 : i32
      %dma_wait3A_582 = tpu.memref_slice %arg4[%mul3A_580, %dma_wait3A_581] : memref<100000x128xf32, #tpu.memory_space<hbm>> -> memref<128x128xf32, #tpu.memory_space<hbm>>
      %dma_wait3A_583 = arith.constant 0 : i32
      %dma_wait3A_584 = tpu.memref_slice %arg4[%mul3A_580, %dma_wait3A_583] : memref<100000x128xf32, #tpu.memory_space<hbm>> -> memref<128x128xf32, #tpu.memory_space<hbm>>
      tpu.wait_dma2 semaphore(%arg18 : memref<!tpu.dma_semaphore, #tpu.memory_space<semaphore_mem>>) src(%arg9 : memref<128x128xf32, #tpu.memory_space<vmem>>) dst(%dma_wait3A_584 : memref<128x128xf32, #tpu.memory_space<hbm>>)
      %dma_start3A_585 = arith.constant 0 : i32
      %dma_start3A_586 = arith.constant 0 : i32
      %dma_start3A_587 = tpu.memref_slice %arg2[%dma_start3A_585, %dma_start3A_586] : memref<4225x128xf32, #tpu.memory_space<hbm>> -> memref<4225x128xf32, #tpu.memory_space<hbm>>
      tpu.enqueue_indirect_dma source(%dma_start3A_587 : memref<4225x128xf32, #tpu.memory_space<hbm>>) target(%arg9 : memref<128x128xf32, #tpu.memory_space<vmem>>) offsets(%arg5 : memref<128xi32, #tpu.memory_space<vmem>>) semaphore(%arg14 : memref<!tpu.dma_semaphore, #tpu.memory_space<semaphore_mem>>)
      %add3A_588 = arith.constant 32 : i32
      %add3A_589 = arith.addi %add3A_403, %add3A_588 : i32
      %lt3A_590 = arith.constant 782 : i32
      %lt3A_591 = arith.cmpi slt, %add3A_589, %lt3A_590 : i32
      %convert_element_type3A_592 = arith.extui %lt3A_591 : i1 to i32
      %cond3A_593 = arith.constant 0 : i32
      %cond3A_594 = arith.cmpi ne, %convert_element_type3A_592, %cond3A_593 : i32
      scf.if %cond3A_594 {
        %add3A_595 = arith.constant 32 : i32
        %add3A_596 = arith.addi %add3A_403, %add3A_595 : i32
        %mul3A_597 = arith.constant 128 : i32
        %mul3A_598 = arith.muli %add3A_596, %mul3A_597 : i32
        %dma_start3A_599 = tpu.memref_slice %arg3[%mul3A_598] : memref<100096xi32, #tpu.memory_space<hbm>> -> memref<128xi32, #tpu.memory_space<hbm>>
        %dma_start3A_600 = tpu.memref_slice %arg3[%mul3A_598] : memref<100096xi32, #tpu.memory_space<hbm>> -> memref<128xi32, #tpu.memory_space<hbm>>
        tpu.enqueue_dma source(%dma_start3A_600 : memref<128xi32, #tpu.memory_space<hbm>>) target(%arg6 : memref<128xi32, #tpu.memory_space<vmem>>) target_semaphore(%arg13 : memref<!tpu.dma_semaphore, #tpu.memory_space<semaphore_mem>>)
      } else {
      }
    } else {
    }
    %dma_wait3A_409 = arith.constant 0 : i32
    %dma_wait3A_410 = arith.constant 0 : i32
    %dma_wait3A_411 = tpu.memref_slice %arg2[%dma_wait3A_409, %dma_wait3A_410] : memref<4225x128xf32, #tpu.memory_space<hbm>> -> memref<128x128xf32, #tpu.memory_space<hbm>>
    %dma_wait3A_412 = arith.constant 0 : i32
    %dma_wait3A_413 = arith.constant 0 : i32
    %dma_wait3A_414 = tpu.memref_slice %arg2[%dma_wait3A_412, %dma_wait3A_413] : memref<4225x128xf32, #tpu.memory_space<hbm>> -> memref<128x128xf32, #tpu.memory_space<hbm>>
    tpu.wait_dma2 semaphore(%arg16 : memref<!tpu.dma_semaphore, #tpu.memory_space<semaphore_mem>>) src(%dma_wait3A_414 : memref<128x128xf32, #tpu.memory_space<hbm>>) dst(%arg11 : memref<128x128xf32, #tpu.memory_space<vmem>>)
    %mul3A_415 = arith.constant 128 : i32
    %mul3A_416 = arith.muli %add3A_401, %mul3A_415 : i32
    %dma_start3A_417 = arith.constant 0 : i32
    %dma_start3A_418 = tpu.memref_slice %arg4[%mul3A_416, %dma_start3A_417] : memref<100000x128xf32, #tpu.memory_space<hbm>> -> memref<128x128xf32, #tpu.memory_space<hbm>>
    %dma_start3A_419 = arith.constant 0 : i32
    %dma_start3A_420 = tpu.memref_slice %arg4[%mul3A_416, %dma_start3A_419] : memref<100000x128xf32, #tpu.memory_space<hbm>> -> memref<128x128xf32, #tpu.memory_space<hbm>>
    tpu.enqueue_dma source(%arg11 : memref<128x128xf32, #tpu.memory_space<vmem>>) target(%dma_start3A_420 : memref<128x128xf32, #tpu.memory_space<hbm>>) target_semaphore(%arg20 : memref<!tpu.dma_semaphore, #tpu.memory_space<semaphore_mem>>)
    %add3A_421 = arith.constant 608 : i32
    %add3A_422 = arith.addi %add3A_421, %add3A : i32
    %add3A_423 = arith.constant 64 : i32
    %add3A_424 = arith.addi %add3A_422, %add3A_423 : i32
    %lt3A_425 = arith.constant 782 : i32
    %lt3A_426 = arith.cmpi slt, %add3A_424, %lt3A_425 : i32
    %convert_element_type3A_427 = arith.extui %lt3A_426 : i1 to i32
    %cond3A_428 = arith.constant 0 : i32
    %cond3A_429 = arith.cmpi ne, %convert_element_type3A_427, %cond3A_428 : i32
    scf.if %cond3A_429 {
      %mul3A_574 = arith.constant 128 : i32
      %mul3A_575 = arith.muli %add3A_424, %mul3A_574 : i32
      %dma_wait3A_576 = tpu.memref_slice %arg3[%mul3A_575] : memref<100096xi32, #tpu.memory_space<hbm>> -> memref<128xi32, #tpu.memory_space<hbm>>
      %dma_wait3A_577 = tpu.memref_slice %arg3[%mul3A_575] : memref<100096xi32, #tpu.memory_space<hbm>> -> memref<128xi32, #tpu.memory_space<hbm>>
      tpu.wait_dma2 semaphore(%arg13 : memref<!tpu.dma_semaphore, #tpu.memory_space<semaphore_mem>>) src(%dma_wait3A_577 : memref<128xi32, #tpu.memory_space<hbm>>) dst(%arg6 : memref<128xi32, #tpu.memory_space<vmem>>)
      %sub3A = arith.constant 128 : i32
      %sub3A_578 = arith.subi %add3A_424, %sub3A : i32
      %mul3A_579 = arith.constant 128 : i32
      %mul3A_580 = arith.muli %sub3A_578, %mul3A_579 : i32
      %dma_wait3A_581 = arith.constant 0 : i32
      %dma_wait3A_582 = tpu.memref_slice %arg4[%mul3A_580, %dma_wait3A_581] : memref<100000x128xf32, #tpu.memory_space<hbm>> -> memref<128x128xf32, #tpu.memory_space<hbm>>
      %dma_wait3A_583 = arith.constant 0 : i32
      %dma_wait3A_584 = tpu.memref_slice %arg4[%mul3A_580, %dma_wait3A_583] : memref<100000x128xf32, #tpu.memory_space<hbm>> -> memref<128x128xf32, #tpu.memory_space<hbm>>
      tpu.wait_dma2 semaphore(%arg19 : memref<!tpu.dma_semaphore, #tpu.memory_space<semaphore_mem>>) src(%arg10 : memref<128x128xf32, #tpu.memory_space<vmem>>) dst(%dma_wait3A_584 : memref<128x128xf32, #tpu.memory_space<hbm>>)
      %dma_start3A_585 = arith.constant 0 : i32
      %dma_start3A_586 = arith.constant 0 : i32
      %dma_start3A_587 = tpu.memref_slice %arg2[%dma_start3A_585, %dma_start3A_586] : memref<4225x128xf32, #tpu.memory_space<hbm>> -> memref<4225x128xf32, #tpu.memory_space<hbm>>
      tpu.enqueue_indirect_dma source(%dma_start3A_587 : memref<4225x128xf32, #tpu.memory_space<hbm>>) target(%arg10 : memref<128x128xf32, #tpu.memory_space<vmem>>) offsets(%arg6 : memref<128xi32, #tpu.memory_space<vmem>>) semaphore(%arg15 : memref<!tpu.dma_semaphore, #tpu.memory_space<semaphore_mem>>)
      %add3A_588 = arith.constant 32 : i32
      %add3A_589 = arith.addi %add3A_424, %add3A_588 : i32
      %lt3A_590 = arith.constant 782 : i32
      %lt3A_591 = arith.cmpi slt, %add3A_589, %lt3A_590 : i32
      %convert_element_type3A_592 = arith.extui %lt3A_591 : i1 to i32
      %cond3A_593 = arith.constant 0 : i32
      %cond3A_594 = arith.cmpi ne, %convert_element_type3A_592, %cond3A_593 : i32
      scf.if %cond3A_594 {
        %add3A_595 = arith.constant 32 : i32
        %add3A_596 = arith.addi %add3A_424, %add3A_595 : i32
        %mul3A_597 = arith.constant 128 : i32
        %mul3A_598 = arith.muli %add3A_596, %mul3A_597 : i32
        %dma_start3A_599 = tpu.memref_slice %arg3[%mul3A_598] : memref<100096xi32, #tpu.memory_space<hbm>> -> memref<128xi32, #tpu.memory_space<hbm>>
        %dma_start3A_600 = tpu.memref_slice %arg3[%mul3A_598] : memref<100096xi32, #tpu.memory_space<hbm>> -> memref<128xi32, #tpu.memory_space<hbm>>
        tpu.enqueue_dma source(%dma_start3A_600 : memref<128xi32, #tpu.memory_space<hbm>>) target(%arg7 : memref<128xi32, #tpu.memory_space<vmem>>) target_semaphore(%arg13 : memref<!tpu.dma_semaphore, #tpu.memory_space<semaphore_mem>>)
      } else {
      }
    } else {
    }
    %dma_wait3A_430 = arith.constant 0 : i32
    %dma_wait3A_431 = arith.constant 0 : i32
    %dma_wait3A_432 = tpu.memref_slice %arg2[%dma_wait3A_430, %dma_wait3A_431] : memref<4225x128xf32, #tpu.memory_space<hbm>> -> memref<128x128xf32, #tpu.memory_space<hbm>>
    %dma_wait3A_433 = arith.constant 0 : i32
    %dma_wait3A_434 = arith.constant 0 : i32
    %dma_wait3A_435 = tpu.memref_slice %arg2[%dma_wait3A_433, %dma_wait3A_434] : memref<4225x128xf32, #tpu.memory_space<hbm>> -> memref<128x128xf32, #tpu.memory_space<hbm>>
    tpu.wait_dma2 semaphore(%arg17 : memref<!tpu.dma_semaphore, #tpu.memory_space<semaphore_mem>>) src(%dma_wait3A_435 : memref<128x128xf32, #tpu.memory_space<hbm>>) dst(%arg12 : memref<128x128xf32, #tpu.memory_space<vmem>>)
    %mul3A_436 = arith.constant 128 : i32
    %mul3A_437 = arith.muli %add3A_422, %mul3A_436 : i32
    %dma_start3A_438 = arith.constant 0 : i32
    %dma_start3A_439 = tpu.memref_slice %arg4[%mul3A_437, %dma_start3A_438] : memref<100000x128xf32, #tpu.memory_space<hbm>> -> memref<128x128xf32, #tpu.memory_space<hbm>>
    %dma_start3A_440 = arith.constant 0 : i32
    %dma_start3A_441 = tpu.memref_slice %arg4[%mul3A_437, %dma_start3A_440] : memref<100000x128xf32, #tpu.memory_space<hbm>> -> memref<128x128xf32, #tpu.memory_space<hbm>>
    tpu.enqueue_dma source(%arg12 : memref<128x128xf32, #tpu.memory_space<vmem>>) target(%dma_start3A_441 : memref<128x128xf32, #tpu.memory_space<hbm>>) target_semaphore(%arg21 : memref<!tpu.dma_semaphore, #tpu.memory_space<semaphore_mem>>)
    %add3A_442 = arith.constant 640 : i32
    %add3A_443 = arith.addi %add3A_442, %add3A : i32
    %add3A_444 = arith.constant 64 : i32
    %add3A_445 = arith.addi %add3A_443, %add3A_444 : i32
    %lt3A_446 = arith.constant 782 : i32
    %lt3A_447 = arith.cmpi slt, %add3A_445, %lt3A_446 : i32
    %convert_element_type3A_448 = arith.extui %lt3A_447 : i1 to i32
    %cond3A_449 = arith.constant 0 : i32
    %cond3A_450 = arith.cmpi ne, %convert_element_type3A_448, %cond3A_449 : i32
    scf.if %cond3A_450 {
      %mul3A_574 = arith.constant 128 : i32
      %mul3A_575 = arith.muli %add3A_445, %mul3A_574 : i32
      %dma_wait3A_576 = tpu.memref_slice %arg3[%mul3A_575] : memref<100096xi32, #tpu.memory_space<hbm>> -> memref<128xi32, #tpu.memory_space<hbm>>
      %dma_wait3A_577 = tpu.memref_slice %arg3[%mul3A_575] : memref<100096xi32, #tpu.memory_space<hbm>> -> memref<128xi32, #tpu.memory_space<hbm>>
      tpu.wait_dma2 semaphore(%arg13 : memref<!tpu.dma_semaphore, #tpu.memory_space<semaphore_mem>>) src(%dma_wait3A_577 : memref<128xi32, #tpu.memory_space<hbm>>) dst(%arg7 : memref<128xi32, #tpu.memory_space<vmem>>)
      %sub3A = arith.constant 128 : i32
      %sub3A_578 = arith.subi %add3A_445, %sub3A : i32
      %mul3A_579 = arith.constant 128 : i32
      %mul3A_580 = arith.muli %sub3A_578, %mul3A_579 : i32
      %dma_wait3A_581 = arith.constant 0 : i32
      %dma_wait3A_582 = tpu.memref_slice %arg4[%mul3A_580, %dma_wait3A_581] : memref<100000x128xf32, #tpu.memory_space<hbm>> -> memref<128x128xf32, #tpu.memory_space<hbm>>
      %dma_wait3A_583 = arith.constant 0 : i32
      %dma_wait3A_584 = tpu.memref_slice %arg4[%mul3A_580, %dma_wait3A_583] : memref<100000x128xf32, #tpu.memory_space<hbm>> -> memref<128x128xf32, #tpu.memory_space<hbm>>
      tpu.wait_dma2 semaphore(%arg20 : memref<!tpu.dma_semaphore, #tpu.memory_space<semaphore_mem>>) src(%arg11 : memref<128x128xf32, #tpu.memory_space<vmem>>) dst(%dma_wait3A_584 : memref<128x128xf32, #tpu.memory_space<hbm>>)
      %dma_start3A_585 = arith.constant 0 : i32
      %dma_start3A_586 = arith.constant 0 : i32
      %dma_start3A_587 = tpu.memref_slice %arg2[%dma_start3A_585, %dma_start3A_586] : memref<4225x128xf32, #tpu.memory_space<hbm>> -> memref<4225x128xf32, #tpu.memory_space<hbm>>
      tpu.enqueue_indirect_dma source(%dma_start3A_587 : memref<4225x128xf32, #tpu.memory_space<hbm>>) target(%arg11 : memref<128x128xf32, #tpu.memory_space<vmem>>) offsets(%arg7 : memref<128xi32, #tpu.memory_space<vmem>>) semaphore(%arg16 : memref<!tpu.dma_semaphore, #tpu.memory_space<semaphore_mem>>)
      %add3A_588 = arith.constant 32 : i32
      %add3A_589 = arith.addi %add3A_445, %add3A_588 : i32
      %lt3A_590 = arith.constant 782 : i32
      %lt3A_591 = arith.cmpi slt, %add3A_589, %lt3A_590 : i32
      %convert_element_type3A_592 = arith.extui %lt3A_591 : i1 to i32
      %cond3A_593 = arith.constant 0 : i32
      %cond3A_594 = arith.cmpi ne, %convert_element_type3A_592, %cond3A_593 : i32
      scf.if %cond3A_594 {
        %add3A_595 = arith.constant 32 : i32
        %add3A_596 = arith.addi %add3A_445, %add3A_595 : i32
        %mul3A_597 = arith.constant 128 : i32
        %mul3A_598 = arith.muli %add3A_596, %mul3A_597 : i32
        %dma_start3A_599 = tpu.memref_slice %arg3[%mul3A_598] : memref<100096xi32, #tpu.memory_space<hbm>> -> memref<128xi32, #tpu.memory_space<hbm>>
        %dma_start3A_600 = tpu.memref_slice %arg3[%mul3A_598] : memref<100096xi32, #tpu.memory_space<hbm>> -> memref<128xi32, #tpu.memory_space<hbm>>
        tpu.enqueue_dma source(%dma_start3A_600 : memref<128xi32, #tpu.memory_space<hbm>>) target(%arg8 : memref<128xi32, #tpu.memory_space<vmem>>) target_semaphore(%arg13 : memref<!tpu.dma_semaphore, #tpu.memory_space<semaphore_mem>>)
      } else {
      }
    } else {
    }
    %dma_wait3A_451 = arith.constant 0 : i32
    %dma_wait3A_452 = arith.constant 0 : i32
    %dma_wait3A_453 = tpu.memref_slice %arg2[%dma_wait3A_451, %dma_wait3A_452] : memref<4225x128xf32, #tpu.memory_space<hbm>> -> memref<128x128xf32, #tpu.memory_space<hbm>>
    %dma_wait3A_454 = arith.constant 0 : i32
    %dma_wait3A_455 = arith.constant 0 : i32
    %dma_wait3A_456 = tpu.memref_slice %arg2[%dma_wait3A_454, %dma_wait3A_455] : memref<4225x128xf32, #tpu.memory_space<hbm>> -> memref<128x128xf32, #tpu.memory_space<hbm>>
    tpu.wait_dma2 semaphore(%arg14 : memref<!tpu.dma_semaphore, #tpu.memory_space<semaphore_mem>>) src(%dma_wait3A_456 : memref<128x128xf32, #tpu.memory_space<hbm>>) dst(%arg9 : memref<128x128xf32, #tpu.memory_space<vmem>>)
    %mul3A_457 = arith.constant 128 : i32
    %mul3A_458 = arith.muli %add3A_443, %mul3A_457 : i32
    %dma_start3A_459 = arith.constant 0 : i32
    %dma_start3A_460 = tpu.memref_slice %arg4[%mul3A_458, %dma_start3A_459] : memref<100000x128xf32, #tpu.memory_space<hbm>> -> memref<128x128xf32, #tpu.memory_space<hbm>>
    %dma_start3A_461 = arith.constant 0 : i32
    %dma_start3A_462 = tpu.memref_slice %arg4[%mul3A_458, %dma_start3A_461] : memref<100000x128xf32, #tpu.memory_space<hbm>> -> memref<128x128xf32, #tpu.memory_space<hbm>>
    tpu.enqueue_dma source(%arg9 : memref<128x128xf32, #tpu.memory_space<vmem>>) target(%dma_start3A_462 : memref<128x128xf32, #tpu.memory_space<hbm>>) target_semaphore(%arg18 : memref<!tpu.dma_semaphore, #tpu.memory_space<semaphore_mem>>)
    %add3A_463 = arith.constant 672 : i32
    %add3A_464 = arith.addi %add3A_463, %add3A : i32
    %add3A_465 = arith.constant 64 : i32
    %add3A_466 = arith.addi %add3A_464, %add3A_465 : i32
    %lt3A_467 = arith.constant 782 : i32
    %lt3A_468 = arith.cmpi slt, %add3A_466, %lt3A_467 : i32
    %convert_element_type3A_469 = arith.extui %lt3A_468 : i1 to i32
    %cond3A_470 = arith.constant 0 : i32
    %cond3A_471 = arith.cmpi ne, %convert_element_type3A_469, %cond3A_470 : i32
    scf.if %cond3A_471 {
      %mul3A_574 = arith.constant 128 : i32
      %mul3A_575 = arith.muli %add3A_466, %mul3A_574 : i32
      %dma_wait3A_576 = tpu.memref_slice %arg3[%mul3A_575] : memref<100096xi32, #tpu.memory_space<hbm>> -> memref<128xi32, #tpu.memory_space<hbm>>
      %dma_wait3A_577 = tpu.memref_slice %arg3[%mul3A_575] : memref<100096xi32, #tpu.memory_space<hbm>> -> memref<128xi32, #tpu.memory_space<hbm>>
      tpu.wait_dma2 semaphore(%arg13 : memref<!tpu.dma_semaphore, #tpu.memory_space<semaphore_mem>>) src(%dma_wait3A_577 : memref<128xi32, #tpu.memory_space<hbm>>) dst(%arg8 : memref<128xi32, #tpu.memory_space<vmem>>)
      %sub3A = arith.constant 128 : i32
      %sub3A_578 = arith.subi %add3A_466, %sub3A : i32
      %mul3A_579 = arith.constant 128 : i32
      %mul3A_580 = arith.muli %sub3A_578, %mul3A_579 : i32
      %dma_wait3A_581 = arith.constant 0 : i32
      %dma_wait3A_582 = tpu.memref_slice %arg4[%mul3A_580, %dma_wait3A_581] : memref<100000x128xf32, #tpu.memory_space<hbm>> -> memref<128x128xf32, #tpu.memory_space<hbm>>
      %dma_wait3A_583 = arith.constant 0 : i32
      %dma_wait3A_584 = tpu.memref_slice %arg4[%mul3A_580, %dma_wait3A_583] : memref<100000x128xf32, #tpu.memory_space<hbm>> -> memref<128x128xf32, #tpu.memory_space<hbm>>
      tpu.wait_dma2 semaphore(%arg21 : memref<!tpu.dma_semaphore, #tpu.memory_space<semaphore_mem>>) src(%arg12 : memref<128x128xf32, #tpu.memory_space<vmem>>) dst(%dma_wait3A_584 : memref<128x128xf32, #tpu.memory_space<hbm>>)
      %dma_start3A_585 = arith.constant 0 : i32
      %dma_start3A_586 = arith.constant 0 : i32
      %dma_start3A_587 = tpu.memref_slice %arg2[%dma_start3A_585, %dma_start3A_586] : memref<4225x128xf32, #tpu.memory_space<hbm>> -> memref<4225x128xf32, #tpu.memory_space<hbm>>
      tpu.enqueue_indirect_dma source(%dma_start3A_587 : memref<4225x128xf32, #tpu.memory_space<hbm>>) target(%arg12 : memref<128x128xf32, #tpu.memory_space<vmem>>) offsets(%arg8 : memref<128xi32, #tpu.memory_space<vmem>>) semaphore(%arg17 : memref<!tpu.dma_semaphore, #tpu.memory_space<semaphore_mem>>)
      %add3A_588 = arith.constant 32 : i32
      %add3A_589 = arith.addi %add3A_466, %add3A_588 : i32
      %lt3A_590 = arith.constant 782 : i32
      %lt3A_591 = arith.cmpi slt, %add3A_589, %lt3A_590 : i32
      %convert_element_type3A_592 = arith.extui %lt3A_591 : i1 to i32
      %cond3A_593 = arith.constant 0 : i32
      %cond3A_594 = arith.cmpi ne, %convert_element_type3A_592, %cond3A_593 : i32
      scf.if %cond3A_594 {
        %add3A_595 = arith.constant 32 : i32
        %add3A_596 = arith.addi %add3A_466, %add3A_595 : i32
        %mul3A_597 = arith.constant 128 : i32
        %mul3A_598 = arith.muli %add3A_596, %mul3A_597 : i32
        %dma_start3A_599 = tpu.memref_slice %arg3[%mul3A_598] : memref<100096xi32, #tpu.memory_space<hbm>> -> memref<128xi32, #tpu.memory_space<hbm>>
        %dma_start3A_600 = tpu.memref_slice %arg3[%mul3A_598] : memref<100096xi32, #tpu.memory_space<hbm>> -> memref<128xi32, #tpu.memory_space<hbm>>
        tpu.enqueue_dma source(%dma_start3A_600 : memref<128xi32, #tpu.memory_space<hbm>>) target(%arg5 : memref<128xi32, #tpu.memory_space<vmem>>) target_semaphore(%arg13 : memref<!tpu.dma_semaphore, #tpu.memory_space<semaphore_mem>>)
      } else {
      }
    } else {
    }
    %dma_wait3A_472 = arith.constant 0 : i32
    %dma_wait3A_473 = arith.constant 0 : i32
    %dma_wait3A_474 = tpu.memref_slice %arg2[%dma_wait3A_472, %dma_wait3A_473] : memref<4225x128xf32, #tpu.memory_space<hbm>> -> memref<128x128xf32, #tpu.memory_space<hbm>>
    %dma_wait3A_475 = arith.constant 0 : i32
    %dma_wait3A_476 = arith.constant 0 : i32
    %dma_wait3A_477 = tpu.memref_slice %arg2[%dma_wait3A_475, %dma_wait3A_476] : memref<4225x128xf32, #tpu.memory_space<hbm>> -> memref<128x128xf32, #tpu.memory_space<hbm>>
    tpu.wait_dma2 semaphore(%arg15 : memref<!tpu.dma_semaphore, #tpu.memory_space<semaphore_mem>>) src(%dma_wait3A_477 : memref<128x128xf32, #tpu.memory_space<hbm>>) dst(%arg10 : memref<128x128xf32, #tpu.memory_space<vmem>>)
    %mul3A_478 = arith.constant 128 : i32
    %mul3A_479 = arith.muli %add3A_464, %mul3A_478 : i32
    %dma_start3A_480 = arith.constant 0 : i32
    %dma_start3A_481 = tpu.memref_slice %arg4[%mul3A_479, %dma_start3A_480] : memref<100000x128xf32, #tpu.memory_space<hbm>> -> memref<128x128xf32, #tpu.memory_space<hbm>>
    %dma_start3A_482 = arith.constant 0 : i32
    %dma_start3A_483 = tpu.memref_slice %arg4[%mul3A_479, %dma_start3A_482] : memref<100000x128xf32, #tpu.memory_space<hbm>> -> memref<128x128xf32, #tpu.memory_space<hbm>>
    tpu.enqueue_dma source(%arg10 : memref<128x128xf32, #tpu.memory_space<vmem>>) target(%dma_start3A_483 : memref<128x128xf32, #tpu.memory_space<hbm>>) target_semaphore(%arg19 : memref<!tpu.dma_semaphore, #tpu.memory_space<semaphore_mem>>)
    %add3A_484 = arith.constant 704 : i32
    %add3A_485 = arith.addi %add3A_484, %add3A : i32
    %add3A_486 = arith.constant 64 : i32
    %add3A_487 = arith.addi %add3A_485, %add3A_486 : i32
    %lt3A_488 = arith.constant 782 : i32
    %lt3A_489 = arith.cmpi slt, %add3A_487, %lt3A_488 : i32
    %convert_element_type3A_490 = arith.extui %lt3A_489 : i1 to i32
    %cond3A_491 = arith.constant 0 : i32
    %cond3A_492 = arith.cmpi ne, %convert_element_type3A_490, %cond3A_491 : i32
    scf.if %cond3A_492 {
      %mul3A_574 = arith.constant 128 : i32
      %mul3A_575 = arith.muli %add3A_487, %mul3A_574 : i32
      %dma_wait3A_576 = tpu.memref_slice %arg3[%mul3A_575] : memref<100096xi32, #tpu.memory_space<hbm>> -> memref<128xi32, #tpu.memory_space<hbm>>
      %dma_wait3A_577 = tpu.memref_slice %arg3[%mul3A_575] : memref<100096xi32, #tpu.memory_space<hbm>> -> memref<128xi32, #tpu.memory_space<hbm>>
      tpu.wait_dma2 semaphore(%arg13 : memref<!tpu.dma_semaphore, #tpu.memory_space<semaphore_mem>>) src(%dma_wait3A_577 : memref<128xi32, #tpu.memory_space<hbm>>) dst(%arg5 : memref<128xi32, #tpu.memory_space<vmem>>)
      %sub3A = arith.constant 128 : i32
      %sub3A_578 = arith.subi %add3A_487, %sub3A : i32
      %mul3A_579 = arith.constant 128 : i32
      %mul3A_580 = arith.muli %sub3A_578, %mul3A_579 : i32
      %dma_wait3A_581 = arith.constant 0 : i32
      %dma_wait3A_582 = tpu.memref_slice %arg4[%mul3A_580, %dma_wait3A_581] : memref<100000x128xf32, #tpu.memory_space<hbm>> -> memref<128x128xf32, #tpu.memory_space<hbm>>
      %dma_wait3A_583 = arith.constant 0 : i32
      %dma_wait3A_584 = tpu.memref_slice %arg4[%mul3A_580, %dma_wait3A_583] : memref<100000x128xf32, #tpu.memory_space<hbm>> -> memref<128x128xf32, #tpu.memory_space<hbm>>
      tpu.wait_dma2 semaphore(%arg18 : memref<!tpu.dma_semaphore, #tpu.memory_space<semaphore_mem>>) src(%arg9 : memref<128x128xf32, #tpu.memory_space<vmem>>) dst(%dma_wait3A_584 : memref<128x128xf32, #tpu.memory_space<hbm>>)
      %dma_start3A_585 = arith.constant 0 : i32
      %dma_start3A_586 = arith.constant 0 : i32
      %dma_start3A_587 = tpu.memref_slice %arg2[%dma_start3A_585, %dma_start3A_586] : memref<4225x128xf32, #tpu.memory_space<hbm>> -> memref<4225x128xf32, #tpu.memory_space<hbm>>
      tpu.enqueue_indirect_dma source(%dma_start3A_587 : memref<4225x128xf32, #tpu.memory_space<hbm>>) target(%arg9 : memref<128x128xf32, #tpu.memory_space<vmem>>) offsets(%arg5 : memref<128xi32, #tpu.memory_space<vmem>>) semaphore(%arg14 : memref<!tpu.dma_semaphore, #tpu.memory_space<semaphore_mem>>)
    } else {
    }
    %dma_wait3A_493 = arith.constant 0 : i32
    %dma_wait3A_494 = arith.constant 0 : i32
    %dma_wait3A_495 = tpu.memref_slice %arg2[%dma_wait3A_493, %dma_wait3A_494] : memref<4225x128xf32, #tpu.memory_space<hbm>> -> memref<128x128xf32, #tpu.memory_space<hbm>>
    %dma_wait3A_496 = arith.constant 0 : i32
    %dma_wait3A_497 = arith.constant 0 : i32
    %dma_wait3A_498 = tpu.memref_slice %arg2[%dma_wait3A_496, %dma_wait3A_497] : memref<4225x128xf32, #tpu.memory_space<hbm>> -> memref<128x128xf32, #tpu.memory_space<hbm>>
    tpu.wait_dma2 semaphore(%arg16 : memref<!tpu.dma_semaphore, #tpu.memory_space<semaphore_mem>>) src(%dma_wait3A_498 : memref<128x128xf32, #tpu.memory_space<hbm>>) dst(%arg11 : memref<128x128xf32, #tpu.memory_space<vmem>>)
    %mul3A_499 = arith.constant 128 : i32
    %mul3A_500 = arith.muli %add3A_485, %mul3A_499 : i32
    %dma_start3A_501 = arith.constant 0 : i32
    %dma_start3A_502 = tpu.memref_slice %arg4[%mul3A_500, %dma_start3A_501] : memref<100000x128xf32, #tpu.memory_space<hbm>> -> memref<128x128xf32, #tpu.memory_space<hbm>>
    %dma_start3A_503 = arith.constant 0 : i32
    %dma_start3A_504 = tpu.memref_slice %arg4[%mul3A_500, %dma_start3A_503] : memref<100000x128xf32, #tpu.memory_space<hbm>> -> memref<128x128xf32, #tpu.memory_space<hbm>>
    tpu.enqueue_dma source(%arg11 : memref<128x128xf32, #tpu.memory_space<vmem>>) target(%dma_start3A_504 : memref<128x128xf32, #tpu.memory_space<hbm>>) target_semaphore(%arg20 : memref<!tpu.dma_semaphore, #tpu.memory_space<semaphore_mem>>)
    %add3A_505 = arith.constant 736 : i32
    %add3A_506 = arith.addi %add3A_505, %add3A : i32
    %add3A_507 = arith.constant 64 : i32
    %add3A_508 = arith.addi %add3A_506, %add3A_507 : i32
    %dma_wait3A_509 = arith.constant 0 : i32
    %dma_wait3A_510 = arith.constant 0 : i32
    %dma_wait3A_511 = tpu.memref_slice %arg2[%dma_wait3A_509, %dma_wait3A_510] : memref<4225x128xf32, #tpu.memory_space<hbm>> -> memref<128x128xf32, #tpu.memory_space<hbm>>
    %dma_wait3A_512 = arith.constant 0 : i32
    %dma_wait3A_513 = arith.constant 0 : i32
    %dma_wait3A_514 = tpu.memref_slice %arg2[%dma_wait3A_512, %dma_wait3A_513] : memref<4225x128xf32, #tpu.memory_space<hbm>> -> memref<128x128xf32, #tpu.memory_space<hbm>>
    tpu.wait_dma2 semaphore(%arg17 : memref<!tpu.dma_semaphore, #tpu.memory_space<semaphore_mem>>) src(%dma_wait3A_514 : memref<128x128xf32, #tpu.memory_space<hbm>>) dst(%arg12 : memref<128x128xf32, #tpu.memory_space<vmem>>)
    %mul3A_515 = arith.constant 128 : i32
    %mul3A_516 = arith.muli %add3A_506, %mul3A_515 : i32
    %dma_start3A_517 = arith.constant 0 : i32
    %dma_start3A_518 = tpu.memref_slice %arg4[%mul3A_516, %dma_start3A_517] : memref<100000x128xf32, #tpu.memory_space<hbm>> -> memref<128x128xf32, #tpu.memory_space<hbm>>
    %dma_start3A_519 = arith.constant 0 : i32
    %dma_start3A_520 = tpu.memref_slice %arg4[%mul3A_516, %dma_start3A_519] : memref<100000x128xf32, #tpu.memory_space<hbm>> -> memref<128x128xf32, #tpu.memory_space<hbm>>
    tpu.enqueue_dma source(%arg12 : memref<128x128xf32, #tpu.memory_space<vmem>>) target(%dma_start3A_520 : memref<128x128xf32, #tpu.memory_space<hbm>>) target_semaphore(%arg21 : memref<!tpu.dma_semaphore, #tpu.memory_space<semaphore_mem>>)
    %add3A_521 = arith.constant 768 : i32
    %add3A_522 = arith.addi %add3A_521, %add3A : i32
    %add3A_523 = arith.constant 64 : i32
    %add3A_524 = arith.addi %add3A_522, %add3A_523 : i32
    %lt3A_525 = arith.constant 782 : i32
    %lt3A_526 = arith.cmpi slt, %add3A_522, %lt3A_525 : i32
    %convert_element_type3A_527 = arith.extui %lt3A_526 : i1 to i32
    %cond3A_528 = arith.constant 0 : i32
    %cond3A_529 = arith.cmpi ne, %convert_element_type3A_527, %cond3A_528 : i32
    scf.if %cond3A_529 {
      %dma_wait3A_574 = arith.constant 0 : i32
      %dma_wait3A_575 = arith.constant 0 : i32
      %dma_wait3A_576 = tpu.memref_slice %arg2[%dma_wait3A_574, %dma_wait3A_575] : memref<4225x128xf32, #tpu.memory_space<hbm>> -> memref<128x128xf32, #tpu.memory_space<hbm>>
      %dma_wait3A_577 = arith.constant 0 : i32
      %dma_wait3A_578 = arith.constant 0 : i32
      %dma_wait3A_579 = tpu.memref_slice %arg2[%dma_wait3A_577, %dma_wait3A_578] : memref<4225x128xf32, #tpu.memory_space<hbm>> -> memref<128x128xf32, #tpu.memory_space<hbm>>
      tpu.wait_dma2 semaphore(%arg14 : memref<!tpu.dma_semaphore, #tpu.memory_space<semaphore_mem>>) src(%dma_wait3A_579 : memref<128x128xf32, #tpu.memory_space<hbm>>) dst(%arg9 : memref<128x128xf32, #tpu.memory_space<vmem>>)
    } else {
    }
    %lt3A_530 = arith.constant 781 : i32
    %lt3A_531 = arith.cmpi slt, %add3A_522, %lt3A_530 : i32
    %convert_element_type3A_532 = arith.extui %lt3A_531 : i1 to i32
    %cond3A_533 = arith.constant 0 : i32
    %cond3A_534 = arith.cmpi ne, %convert_element_type3A_532, %cond3A_533 : i32
    scf.if %cond3A_534 {
      %mul3A_574 = arith.constant 128 : i32
      %mul3A_575 = arith.muli %add3A_522, %mul3A_574 : i32
      %dma_start3A_576 = arith.constant 0 : i32
      %dma_start3A_577 = tpu.memref_slice %arg4[%mul3A_575, %dma_start3A_576] : memref<100000x128xf32, #tpu.memory_space<hbm>> -> memref<128x128xf32, #tpu.memory_space<hbm>>
      %dma_start3A_578 = arith.constant 0 : i32
      %dma_start3A_579 = tpu.memref_slice %arg4[%mul3A_575, %dma_start3A_578] : memref<100000x128xf32, #tpu.memory_space<hbm>> -> memref<128x128xf32, #tpu.memory_space<hbm>>
      tpu.enqueue_dma source(%arg9 : memref<128x128xf32, #tpu.memory_space<vmem>>) target(%dma_start3A_579 : memref<128x128xf32, #tpu.memory_space<hbm>>) target_semaphore(%arg18 : memref<!tpu.dma_semaphore, #tpu.memory_space<semaphore_mem>>)
    } else {
    }
    %eq3A = arith.constant 781 : i32
    %eq3A_535 = arith.cmpi eq, %add3A_522, %eq3A : i32
    %convert_element_type3A_536 = arith.extui %eq3A_535 : i1 to i32
    %cond3A_537 = arith.constant 0 : i32
    %cond3A_538 = arith.cmpi ne, %convert_element_type3A_536, %cond3A_537 : i32
    scf.if %cond3A_538 {
      %mul3A_574 = arith.constant 128 : i32
      %mul3A_575 = arith.muli %add3A_522, %mul3A_574 : i32
      "tpu.region"() ({
        %run_scoped3A = tpu.sem_alloc : memref<!tpu.dma_semaphore, #tpu.memory_space<semaphore_mem>>
        %dma_start3A_576 = arith.constant 0 : i32
        %dma_start3A_577 = arith.constant 0 : i32
        %dma_start3A_578 = tpu.memref_slice %arg9[%dma_start3A_576, %dma_start3A_577] : memref<128x128xf32, #tpu.memory_space<vmem>> -> memref<32x128xf32, #tpu.memory_space<vmem>>
        %dma_start3A_579 = arith.constant 0 : i32
        %dma_start3A_580 = tpu.memref_slice %arg4[%mul3A_575, %dma_start3A_579] : memref<100000x128xf32, #tpu.memory_space<hbm>> -> memref<32x128xf32, #tpu.memory_space<hbm>>
        %dma_start3A_581 = arith.constant 0 : i32
        %dma_start3A_582 = tpu.memref_slice %arg4[%mul3A_575, %dma_start3A_581] : memref<100000x128xf32, #tpu.memory_space<hbm>> -> memref<32x128xf32, #tpu.memory_space<hbm>>
        %dma_start3A_583 = arith.constant 0 : i32
        %dma_start3A_584 = arith.constant 0 : i32
        %dma_start3A_585 = tpu.memref_slice %arg9[%dma_start3A_583, %dma_start3A_584] : memref<128x128xf32, #tpu.memory_space<vmem>> -> memref<32x128xf32, #tpu.memory_space<vmem>>
        tpu.enqueue_dma source(%dma_start3A_585 : memref<32x128xf32, #tpu.memory_space<vmem>>) target(%dma_start3A_582 : memref<32x128xf32, #tpu.memory_space<hbm>>) target_semaphore(%run_scoped3A : memref<!tpu.dma_semaphore, #tpu.memory_space<semaphore_mem>>)
        %dma_wait3A_586 = arith.constant 0 : i32
        %dma_wait3A_587 = arith.constant 0 : i32
        %dma_wait3A_588 = tpu.memref_slice %arg9[%dma_wait3A_586, %dma_wait3A_587] : memref<128x128xf32, #tpu.memory_space<vmem>> -> memref<32x128xf32, #tpu.memory_space<vmem>>
        %dma_wait3A_589 = arith.constant 0 : i32
        %dma_wait3A_590 = tpu.memref_slice %arg4[%mul3A_575, %dma_wait3A_589] : memref<100000x128xf32, #tpu.memory_space<hbm>> -> memref<32x128xf32, #tpu.memory_space<hbm>>
        %dma_wait3A_591 = arith.constant 0 : i32
        %dma_wait3A_592 = tpu.memref_slice %arg4[%mul3A_575, %dma_wait3A_591] : memref<100000x128xf32, #tpu.memory_space<hbm>> -> memref<32x128xf32, #tpu.memory_space<hbm>>
        %dma_wait3A_593 = arith.constant 0 : i32
        %dma_wait3A_594 = arith.constant 0 : i32
        %dma_wait3A_595 = tpu.memref_slice %arg9[%dma_wait3A_593, %dma_wait3A_594] : memref<128x128xf32, #tpu.memory_space<vmem>> -> memref<32x128xf32, #tpu.memory_space<vmem>>
        tpu.wait_dma2 semaphore(%run_scoped3A : memref<!tpu.dma_semaphore, #tpu.memory_space<semaphore_mem>>) src(%dma_wait3A_595 : memref<32x128xf32, #tpu.memory_space<vmem>>) dst(%dma_wait3A_592 : memref<32x128xf32, #tpu.memory_space<hbm>>)
        tpu.yield
      }) : () -> ()
    } else {
    }
    %add3A_539 = arith.constant 672 : i32
    %add3A_540 = arith.addi %add3A_539, %add3A : i32
    %mul3A_541 = arith.constant 128 : i32
    %mul3A_542 = arith.muli %add3A_540, %mul3A_541 : i32
    %dma_wait3A_543 = arith.constant 0 : i32
    %dma_wait3A_544 = tpu.memref_slice %arg4[%mul3A_542, %dma_wait3A_543] : memref<100000x128xf32, #tpu.memory_space<hbm>> -> memref<128x128xf32, #tpu.memory_space<hbm>>
    %dma_wait3A_545 = arith.constant 0 : i32
    %dma_wait3A_546 = tpu.memref_slice %arg4[%mul3A_542, %dma_wait3A_545] : memref<100000x128xf32, #tpu.memory_space<hbm>> -> memref<128x128xf32, #tpu.memory_space<hbm>>
    tpu.wait_dma2 semaphore(%arg19 : memref<!tpu.dma_semaphore, #tpu.memory_space<semaphore_mem>>) src(%arg10 : memref<128x128xf32, #tpu.memory_space<vmem>>) dst(%dma_wait3A_546 : memref<128x128xf32, #tpu.memory_space<hbm>>)
    %add3A_547 = arith.constant 704 : i32
    %add3A_548 = arith.addi %add3A_547, %add3A : i32
    %mul3A_549 = arith.constant 128 : i32
    %mul3A_550 = arith.muli %add3A_548, %mul3A_549 : i32
    %dma_wait3A_551 = arith.constant 0 : i32
    %dma_wait3A_552 = tpu.memref_slice %arg4[%mul3A_550, %dma_wait3A_551] : memref<100000x128xf32, #tpu.memory_space<hbm>> -> memref<128x128xf32, #tpu.memory_space<hbm>>
    %dma_wait3A_553 = arith.constant 0 : i32
    %dma_wait3A_554 = tpu.memref_slice %arg4[%mul3A_550, %dma_wait3A_553] : memref<100000x128xf32, #tpu.memory_space<hbm>> -> memref<128x128xf32, #tpu.memory_space<hbm>>
    tpu.wait_dma2 semaphore(%arg20 : memref<!tpu.dma_semaphore, #tpu.memory_space<semaphore_mem>>) src(%arg11 : memref<128x128xf32, #tpu.memory_space<vmem>>) dst(%dma_wait3A_554 : memref<128x128xf32, #tpu.memory_space<hbm>>)
    %add3A_555 = arith.constant 736 : i32
    %add3A_556 = arith.addi %add3A_555, %add3A : i32
    %mul3A_557 = arith.constant 128 : i32
    %mul3A_558 = arith.muli %add3A_556, %mul3A_557 : i32
    %dma_wait3A_559 = arith.constant 0 : i32
    %dma_wait3A_560 = tpu.memref_slice %arg4[%mul3A_558, %dma_wait3A_559] : memref<100000x128xf32, #tpu.memory_space<hbm>> -> memref<128x128xf32, #tpu.memory_space<hbm>>
    %dma_wait3A_561 = arith.constant 0 : i32
    %dma_wait3A_562 = tpu.memref_slice %arg4[%mul3A_558, %dma_wait3A_561] : memref<100000x128xf32, #tpu.memory_space<hbm>> -> memref<128x128xf32, #tpu.memory_space<hbm>>
    tpu.wait_dma2 semaphore(%arg21 : memref<!tpu.dma_semaphore, #tpu.memory_space<semaphore_mem>>) src(%arg12 : memref<128x128xf32, #tpu.memory_space<vmem>>) dst(%dma_wait3A_562 : memref<128x128xf32, #tpu.memory_space<hbm>>)
    %add3A_563 = arith.constant 768 : i32
    %add3A_564 = arith.addi %add3A_563, %add3A : i32
    %lt3A_565 = arith.constant 781 : i32
    %lt3A_566 = arith.cmpi slt, %add3A_564, %lt3A_565 : i32
    %convert_element_type3A_567 = arith.extui %lt3A_566 : i1 to i32
    %cond3A_568 = arith.constant 0 : i32
    %cond3A_569 = arith.cmpi ne, %convert_element_type3A_567, %cond3A_568 : i32
    scf.if %cond3A_569 {
      %mul3A_574 = arith.constant 128 : i32
      %mul3A_575 = arith.muli %add3A_564, %mul3A_574 : i32
      %dma_wait3A_576 = arith.constant 0 : i32
      %dma_wait3A_577 = tpu.memref_slice %arg4[%mul3A_575, %dma_wait3A_576] : memref<100000x128xf32, #tpu.memory_space<hbm>> -> memref<128x128xf32, #tpu.memory_space<hbm>>
      %dma_wait3A_578 = arith.constant 0 : i32
      %dma_wait3A_579 = tpu.memref_slice %arg4[%mul3A_575, %dma_wait3A_578] : memref<100000x128xf32, #tpu.memory_space<hbm>> -> memref<128x128xf32, #tpu.memory_space<hbm>>
      tpu.wait_dma2 semaphore(%arg18 : memref<!tpu.dma_semaphore, #tpu.memory_space<semaphore_mem>>) src(%arg9 : memref<128x128xf32, #tpu.memory_space<vmem>>) dst(%dma_wait3A_579 : memref<128x128xf32, #tpu.memory_space<hbm>>)
    } else {
    }
    %ge3A = arith.constant 782 : i32
    %ge3A_570 = arith.cmpi sge, %add3A_564, %ge3A : i32
    %convert_element_type3A_571 = arith.extui %ge3A_570 : i1 to i32
    %cond3A_572 = arith.constant 0 : i32
    %cond3A_573 = arith.cmpi ne, %convert_element_type3A_571, %cond3A_572 : i32
    scf.if %cond3A_573 {
      %add3A_574 = arith.constant 640 : i32
      %add3A_575 = arith.addi %add3A_574, %add3A : i32
      %mul3A_576 = arith.constant 128 : i32
      %mul3A_577 = arith.muli %add3A_575, %mul3A_576 : i32
      %dma_wait3A_578 = arith.constant 0 : i32
      %dma_wait3A_579 = tpu.memref_slice %arg4[%mul3A_577, %dma_wait3A_578] : memref<100000x128xf32, #tpu.memory_space<hbm>> -> memref<128x128xf32, #tpu.memory_space<hbm>>
      %dma_wait3A_580 = arith.constant 0 : i32
      %dma_wait3A_581 = tpu.memref_slice %arg4[%mul3A_577, %dma_wait3A_580] : memref<100000x128xf32, #tpu.memory_space<hbm>> -> memref<128x128xf32, #tpu.memory_space<hbm>>
      tpu.wait_dma2 semaphore(%arg18 : memref<!tpu.dma_semaphore, #tpu.memory_space<semaphore_mem>>) src(%arg9 : memref<128x128xf32, #tpu.memory_space<vmem>>) dst(%dma_wait3A_581 : memref<128x128xf32, #tpu.memory_space<hbm>>)
    } else {
    }
    return
  }
}

module attributes {stable_mosaic.version = 14 : i64} {
  func.func @_prep_body(%arg0: memref<65x128xf32, #tpu.memory_space<vmem>>, %arg1: memref<65x128xf32, #tpu.memory_space<vmem>>, %arg2: memref<782x128xi32, #tpu.memory_space<vmem>>, %arg3: memref<782x128xi32, #tpu.memory_space<vmem>>, %arg4: memref<65x65x128xf32, #tpu.memory_space<vmem>>, %arg5: memref<782x128xi32, #tpu.memory_space<vmem>>) attributes {dimension_semantics = [], scalar_prefetch = 0 : i64, scratch_operands = 0 : i64, tpu.core_type = #tpu.core_type<tc>} {
    %get3A = arith.constant 0 : index
    %get3A_0 = arith.constant 0 : index
    %get3A_1 = vector.load %arg0[%get3A, %get3A_0] : memref<65x128xf32, #tpu.memory_space<vmem>>, vector<65x128xf32>
    %get3A_2 = arith.constant 0 : index
    %get3A_3 = arith.constant 0 : index
    %get3A_4 = vector.load %arg1[%get3A_2, %get3A_3] : memref<65x128xf32, #tpu.memory_space<vmem>>, vector<65x128xf32>
    %broadcast_in_dim3A = vector.shape_cast %get3A_1 : vector<65x128xf32> to vector<65x1x128xf32>
    %broadcast_in_dim3A_5 = vector.shape_cast %get3A_4 : vector<65x128xf32> to vector<1x65x128xf32>
    %add3A = vector.broadcast %broadcast_in_dim3A : vector<65x1x128xf32> to vector<65x65x128xf32>
    %add3A_6 = vector.broadcast %broadcast_in_dim3A_5 : vector<1x65x128xf32> to vector<65x65x128xf32>
    %add3A_7 = arith.addf %add3A, %add3A_6 : vector<65x65x128xf32>
    %swap3A = arith.constant 0 : index
    %swap3A_8 = arith.constant 0 : index
    %swap3A_9 = arith.constant 0 : index
    %swap3A_10 = vector.load %arg4[%swap3A, %swap3A_8, %swap3A_9] : memref<65x65x128xf32, #tpu.memory_space<vmem>>, vector<65x65x128xf32>
    tpu.vector_store %arg4[%swap3A, %swap3A_8, %swap3A_9], %add3A_7 {strides = array<i32>} : memref<65x65x128xf32, #tpu.memory_space<vmem>>, vector<65x65x128xf32>,
    %get3A_11 = arith.constant 0 : index
    %get3A_12 = arith.constant 0 : index
    %get3A_13 = vector.load %arg2[%get3A_11, %get3A_12] : memref<782x128xi32, #tpu.memory_space<vmem>>, vector<782x128xi32>
    %jit3A = arith.constant 0 : i32
    %jit3A_14 = arith.constant 64 : i32
    %max3A = vector.broadcast %jit3A : i32 to vector<782x128xi32>
    %max3A_15 = arith.maxsi %max3A, %get3A_13 : vector<782x128xi32>
    %min3A = vector.broadcast %jit3A_14 : i32 to vector<782x128xi32>
    %min3A_16 = arith.minsi %min3A, %max3A_15 : vector<782x128xi32>
    %get3A_17 = arith.constant 0 : index
    %get3A_18 = arith.constant 0 : index
    %get3A_19 = vector.load %arg3[%get3A_17, %get3A_18] : memref<782x128xi32, #tpu.memory_space<vmem>>, vector<782x128xi32>
    %jit3A_20 = arith.constant 0 : i32
    %jit3A_21 = arith.constant 64 : i32
    %max3A_22 = vector.broadcast %jit3A_20 : i32 to vector<782x128xi32>
    %max3A_23 = arith.maxsi %max3A_22, %get3A_19 : vector<782x128xi32>
    %min3A_24 = vector.broadcast %jit3A_21 : i32 to vector<782x128xi32>
    %min3A_25 = arith.minsi %min3A_24, %max3A_23 : vector<782x128xi32>
    %mul3A = arith.constant 65 : i32
    %mul3A_26 = vector.broadcast %mul3A : i32 to vector<782x128xi32>
    %mul3A_27 = arith.muli %min3A_16, %mul3A_26 : vector<782x128xi32>
    %add3A_28 = arith.addi %mul3A_27, %min3A_25 : vector<782x128xi32>
    %swap3A_29 = arith.constant 0 : index
    %swap3A_30 = arith.constant 0 : index
    %swap3A_31 = vector.load %arg5[%swap3A_29, %swap3A_30] : memref<782x128xi32, #tpu.memory_space<vmem>>, vector<782x128xi32>
    tpu.vector_store %arg5[%swap3A_29, %swap3A_30], %add3A_28 {strides = array<i32>} : memref<782x128xi32, #tpu.memory_space<vmem>>, vector<782x128xi32>,
    return
  }
}

</mosaic_0001>

<sc_bundles>
// kernel: kernel.4.cloned.1.call-start
scs
__scs_entry_jumppad:
0x0: {  	(pc) =	sbr.rel $0x88, $3  }
0x1: {  	(tag) =	ssettag $0x0;
	lr =	simm.s32 $0x1  }
0x2: {  	[smem:$0x3F9D] =	sst lr;
	_ =	strace $0xD0000000  }
0x3: {  	_ = 	snop  }
0x4: {  	_ = 	snop  }
0x5: {  	_ = 	snop  }
0x6: {  	_ = 	snop  }
0x7: {  	_ = 	snop  }
__scs_overlays_trampoline_lowered:
0x8: {  	[smem:$0x3FAC] =	sst s0  }
0x9: {  	[smem:$0x3FAD] =	sst s1  }
0xa: {  	[smem:$0x3FAE] =	sst s2  }
0xb: {  	[smem:$0x3FAF] =	sst s3  }
0xc: {  	[smem:$0x3FB0] =	sst s4  }
0xd: {  	[smem:$0x3FB1] =	sst s5  }
0xe: {  	[smem:$0x3FB2] =	sst s6  }
0xf: {  	[smem:$0x3FB3] =	sst s7  }
0x10: {  	[smem:$0x3FB4] =	sst s8  }
0x11: {  	[smem:$0x3FB5] =	sst s9;
	s0 =	simm.s32 @!p0 $0x0  }
0x12: {  	s1 =	sld [smem:$0x3F9B];
	s0 =	simm.s32 @p0 $0x1  }
0x13: {  	[smem:$0x3FB6] =	sst s0;
	s0 =	simm.s32 @!p1 $0x0  }
0x14: {  	s2 =	sld [smem:$0x3F9A];
	s0 =	simm.s32 @p1 $0x1  }
0x15: {  	[smem:$0x3FB7] =	sst s0;
	s0 =	simm.s32 @!p2 $0x0  }
0x16: {  	s3 =	sld [smem:$0x3FDB];
	s0 =	simm.s32 @p2 $0x1  }
0x17: {  	s4 =	simm.s32 $0x1BF5;
	[smem:$0x3FB9] =	sst s0  }
0x18: {  	s0 =	sld [smem:$0x3F9C];
	_ =	swait.ge [sflag:s4], $0x0  }
0x19: {  	s7 =	sld [smem:$0x3F9D]  }
0x1a: {  	s8 =	sadd.s32 $0xFFFFE003, lr  }
0x1b: {  	s9 =	sadd.s32 $0xFFFFFEF7, lr;
	s5 =	simm.s32 $0xFFFFFFFF;
	p2 =	slt.u32 s8, $0xFFFFF086  }
0x1c: {  	p1 =	slt.u32 s9, $0xF7A;
	s5 =	simm.s32 @!p2 $0x0  }
0x1d: {  	s5 =	simm.s32 @p1 $0x1;
	p0 =	seq.s32 s7, s2  }
0x1e: {  	s7 =	smul.u32 @!p0 $0xF7A, s2;
	p2 =	seq.s32 @!p0 s5, $0x0  }
0x1f: {  	s9 =	smul.u32 $0xF7A, s1;
	s8 =	simm.s32 @!p0 $0x1BF5;
	p2 =	por !p2, p0  }
0x20: {  	[sflag:s8] =	ssyncset.s32 @!p0 $0xFFFFF086;
	s6 =	sadd.s32 @!p0 s3, s7;
	s7 =	simm.s32 @!p0 $0x108  }
0x21: {  	s3 =	sadd.s32 s3, s9;
	s6 =	sadd.s32 @!p0 $0x88, s6;
	s7 =	simm.s32 @p2 $0x1082  }
0x22: {  	[simem:s7], [sflag:s8] =	dma.local @!p0 [hbm:s6], $0xF7A  }
0x23: {  	s9 =	sor.u32 $0xD0000000, s2;
	s6 =	simm.s32 $0x108;
	_ =	swait.ge @!p0 [sflag:s8], $0x0  }
0x24: {  	s3 =	sadd.s32 $0x88, s3;
	s6 =	simm.s32 @!p1 $0x1082;
	[sflag:s4] =	ssyncset.s32 $0xFFFFF086  }
0x25: {  	[simem:s6], [sflag:s4] =	dma.local [hbm:s3], $0xF7A  }
0x26: {  	[smem:$0x3F9D] =	sst s1;
	(tag) =	ssettag s2;
	_ =	strace s9  }
0x27: {  	s1 =	sld [smem:$0x3FAD]  }
0x28: {  	s2 =	sld [smem:$0x3FAE]  }
0x29: {  	s4 =	sld [smem:$0x3FB0]  }
0x2a: {  	p0 =	seq.s32 s5, $0x0;
	s5 =	sld [smem:$0x3FB1]  }
0x2b: {  	s6 =	sld [smem:$0x3FB2]  }
0x2c: {  	s7 =	sld [smem:$0x3FB3]  }
0x2d: {  	s3 =	simm.s32 $0x108;
	s8 =	sld [smem:$0x3FB4]  }
0x2e: {  	s3 =	simm.s32 @!p0 $0x1082;
	s9 =	sld [smem:$0x3FB5]  }
0x2f: {  	lr =	sadd.s32 s0, s3;
	s0 =	sld [smem:$0x3FAC]  }
0x30: {  	s3 =	sld [smem:$0x3FAF]  }
0x31: {  	[smem:$0x3FB8] =	sst s10  }
0x32: {  	s10 =	sld [smem:$0x3FB6];
	_ =	sdelay $0x3  }
0x33: {  	p0 =	seq.s32 s10, $0x1;
	s10 =	sld [smem:$0x3FB8];
	_ =	sdelay $0x3  }
0x34: {  	[smem:$0x3FB8] =	sst s10  }
0x35: {  	s10 =	sld [smem:$0x3FB7];
	_ =	sdelay $0x3  }
0x36: {  	p1 =	seq.s32 s10, $0x1;
	s10 =	sld [smem:$0x3FB8];
	_ =	sdelay $0x3  }
0x37: {  	[smem:$0x3FB8] =	sst s10  }
0x38: {  	s10 =	sld [smem:$0x3FB9]  }
0x39: {  	_ = 	snop;
	(pc) =	sbr.ind lr, $3  }
0x3a: {  	_ = 	snop  }
0x3b: {  	_ = 	snop  }
0x3c: {  	p2 =	seq.s32 s10, $0x1;
	s10 =	sld [smem:$0x3FB8]  }
0x3d: {  	_ =	shalt  }
0x3e: {  	_ =	shalt  }
0x3f: {  	_ =	shalt  }
0x40: {  	_ =	shalt  }
0x41: {  	_ =	shalt  }
0x42: {  	_ =	shalt  }
0x43: {  	_ =	shalt  }
0x44: {  	_ =	shalt  }
0x45: {  	_ =	shalt  }
0x46: {  	_ =	shalt  }
0x47: {  	_ =	shalt  }
0x48: {  	_ =	shalt  }
0x49: {  	_ =	shalt  }
0x4a: {  	_ =	shalt  }
0x4b: {  	_ =	shalt  }
0x4c: {  	_ =	shalt  }
0x4d: {  	_ =	shalt  }
0x4e: {  	_ =	shalt  }
0x4f: {  	_ =	shalt  }
0x50: {  	_ =	shalt  }
0x51: {  	_ =	shalt  }
0x52: {  	_ =	shalt  }
0x53: {  	_ =	shalt  }
0x54: {  	_ =	shalt  }
0x55: {  	_ =	shalt  }
0x56: {  	_ =	shalt  }
0x57: {  	_ =	shalt  }
0x58: {  	_ =	shalt  }
0x59: {  	_ =	shalt  }
0x5a: {  	_ =	shalt  }
0x5b: {  	_ =	shalt  }
0x5c: {  	_ =	shalt  }
0x5d: {  	_ =	shalt  }
0x5e: {  	_ =	shalt  }
0x5f: {  	_ =	shalt  }
0x60: {  	_ =	shalt  }
0x61: {  	_ =	shalt  }
0x62: {  	_ =	shalt  }
0x63: {  	_ =	shalt  }
0x64: {  	_ =	shalt  }
0x65: {  	_ =	shalt  }
0x66: {  	_ =	shalt  }
0x67: {  	_ =	shalt  }
0x68: {  	_ =	shalt  }
0x69: {  	_ =	shalt  }
0x6a: {  	_ =	shalt  }
0x6b: {  	_ =	shalt  }
0x6c: {  	_ =	shalt  }
0x6d: {  	_ =	shalt  }
0x6e: {  	_ =	shalt  }
0x6f: {  	_ =	shalt  }
0x70: {  	_ =	shalt  }
0x71: {  	_ =	shalt  }
0x72: {  	_ =	shalt  }
0x73: {  	_ =	shalt  }
0x74: {  	_ =	shalt  }
0x75: {  	_ =	shalt  }
0x76: {  	_ =	shalt  }
0x77: {  	_ =	shalt  }
0x78: {  	_ =	shalt  }
0x79: {  	_ =	shalt  }
0x7a: {  	_ =	shalt  }
0x7b: {  	_ =	shalt  }
0x7c: {  	_ =	shalt  }
0x7d: {  	_ =	shalt  }
0x7e: {  	_ =	shalt  }
0x7f: {  	_ =	shalt  }
0x80: {  	_ =	shalt  }
0x81: {  	_ =	shalt  }
0x82: {  	_ =	shalt  }
0x83: {  	_ =	shalt  }
0x84: {  	_ =	shalt  }
0x85: {  	_ =	shalt  }
0x86: {  	_ =	shalt  }
0x87: {  	_ =	shalt  }
.Lfunc_end0:
.L_simem_size_0:
called_computation_lowered:
.L_overlay_start_0:
0x88: {  	s2 =	sld [smem:$0x3FD9]  }
0x89: {  	s3 =	sld [smem:$0x3FFE];
	_ =	sdelay $0x1  }
0x8a: {  	s1 =	srdreg.scid  }
0x8b: {  	s0 =	sand.u32 $0x1, s1  }
0x8c: {  	s17 =	sshll.u32 s0, $0xA;
	s2 =	sadd.s32 s3, s2  }
0x8d: {  	s2 =	sadd.s32 s2, s17  }
0x8e: {  	[smem:$0x3FC4] =	sst s2  }
0x8f: {  	_ = 	snop  }
0x90: {  	s2 =	sld [smem:$0x3FD0];
	(tm) =	ssettm $0x1  }
0x91: {  	s18 =	sld [smem:$0x3FFB];
	_ =	sdelay $0x3  }
0x92: {  	_ =	strace s18  }
0x93: {  	s3 =	sld [smem:$0x3FFC];
	_ =	sdelay $0x3  }
0x94: {  	_ =	strace s3  }
0x95: {  	s3 =	sld [smem:$0x3FFD];
	_ =	sdelay $0x3  }
0x96: {  	_ =	strace s3  }
0x97: {  	_ =	strace $0x8FFFFFFF  }
0x98: {  	s19 =	sld [smem:$0x3FDB];
	_ =	sdelay $0x1  }
0x99: {  	s4 =	simm.s32 $_scs_section_size  }
0x9a: {  	s5 =	simm.s32 $_size__tile_overlayer_lowered;
	s6 =	simm.s32 $_tile_overlayer_lowered  }
0x9b: {  	s22 =	simm.s32 $0x1BFF;
	s21 =	sshll.u32 s6, $0x1;
	s3 =	sadd.s32 s4, s19  }
0x9c: {  	s7 =	simm.s32 $0x0;
	s20 =	sshll.u32 s5, $0x1;
	s5 =	sadd.s32 s21, s3  }
0x9d: {  	[timem:s7], [sflag:s22] =	dma.local [hbm:s5], s20  }
0x9e: {  	_ =	swait.ge [sflag:s22], s20  }
0x9f: {  	s4 =	ssub.s32 $0x0, s20;
	[sflag:s22] =	ssyncset.done $0x0  }
0xa0: {  	[sflag:s22] =	ssyncadd.s32 s4;
	_ =	sdelay $0x1  }
0xa1: {  	s23 =	simm.s32 $0x1B8B  }
0xa2: {  	_ =	swait.ge [sflag:s23], $0x1  }
0xa3: {  	[sflag:s23] =	ssyncset.done $0x0  }
0xa4: {  	s25 =	simm.s32 $0x1B8E;
	s24 =	sld [smem:$0x3FFE];
	[sflag:s23] =	ssyncadd.s32 $0xFFFFFFFF  }
0xa5: {  	s26 =	simm.s32 $execute0_lowered;
	[smem:$0x3FD2] =	sst s25  }
0xa6: {  	s5 =	sshll.u32 s26, $0x1;
	_ =	strace $0x80000046;
	[dreg:$0x1] =	wrdreg $0xFFFFFFFF  }
0xa7: {  	s28 =	simm.s32 $_size_execute0_lowered;
	s3 =	sadd.s32 s3, s5;
	[dreg:$0x0] =	wrdreg $0x0  }
0xa8: {  	s5 =	sshll.u32 s28, $0x1;
	[dreg:$0x2] =	wrdreg s3  }
0xa9: {  	[dreg:$0x3] =	wrdreg s5  }
0xaa: {  	[dreg:$0x4] =	wrdreg $0xC0  }
0xab: {  	_ =	task [dreg:s7], $0x5FFFF  }
0xac: {  	[dreg:$0x1] =	wrdreg $0xFFFFFFFF  }
0xad: {  	[dreg:$0x0] =	wrdreg $0x60  }
0xae: {  	[dreg:$0x2] =	wrdreg s24  }
0xaf: {  	[dreg:$0x3] =	wrdreg s2  }
0xb0: {  	[dreg:$0x4] =	wrdreg $0x9  }
0xb1: {  	_ =	task.clear_ibuf [dreg:s7], $0x5FFFF;
	_ =	strace $0x90000046  }
0xb2: {  	s29 =	simm.s32 $0x9;
	_ =	strace $0x80000048  }
0xb3: {  	_ =	swait.ge [sflag:s29], $0x1  }
0xb4: {  	[sflag:s29] =	ssyncadd.s32 $0xFFFFFFFF  }
0xb5: {  	_ =	strace $0x90000048  }
0xb6: {  	_ =	sfence  }
0xb7: {  	s30 =	sld [smem:$0x0];
	_ =	sdelay $0x2  }
0xb8: {  	s31 =	sshll.u32 s1, $0xD;
	s1 =	sshrl.u32 s1, $0x2  }
0xb9: {  	s3 =	sand.u32 $0x4000, s31;
	s1 =	sadd.s32 s1, s30  }
0xba: {  	s0 =	sor.u32 s3, s0;
	s1 =	sshll.u32 s1, $0x11  }
0xbb: {  	s0 =	sor.u32 s1, s0  }
0xbc: {  	s0 =	sadd.s32 $0x8F2B, s0  }
0xbd: {  	[sflag:s0] =	ssyncadd.remote.s32 $0x1  }
0xbe: {  	_ =	sfence.sel $0xFFFF  }
0xbf: {  	[dreg:$0x0] =	wrdreg $0xFFFFFFFF;
	(pc) =	sbr.abs _section_cstart, $3  }
0xc0: {  	[dreg:$0x1] =	wrdreg $0xFFFFFFFF  }
0xc1: {  	_ =	task.clear_ibuf [dreg:s7], $0x2FFFF;
	_ =	strace $0x9FFFFFFF  }
0xc2: {  	(tm) =	ssettm $0x7FFFFFFF  }
0xc3: {  	_ =	shalt  }
tec
execute0_lowered:
.L_overlay_start_1:
0x0: {  	(tag) =	ssettag $0x1  }
0x1: {  	s0 =	srdreg.scid;
	s23 =	stileid.u32  }
0x2: {  	s1 =	rddreg [dreg:$0x0];
	s0 =	sand.u32 $0x1, s0;
	s3 =	sshll.u32 s23, $0x1  }
0x3: {  	s5 =	rddreg [dreg:$0x1];
	s3 =	sor.u32 s0, s3  }
0x4: {  	s2 =	simm.s32 $0x0;
	s6 =	sadd.s32 $0xE00, s1;
	s9 =	sshll.u32 s3, $0x4  }
0x5: {  	[smem:$0x7FF] =	sst s2;
	s9 =	sadd.s32 s6, s9  }
0x6: {  	_ =	strace $0x80000047;
	s25 =	sadd.s32 $0x600, s9;
	[smem:$0x7E9] =	sst s9  }
0x7: {  	[tilespmem:s2], [sflag:$0xA] =	stream.linear.gather [hbm4b:s9+s2], $0x80, $0x38;
	[tilespmem:$0x10200] =	vst v63  }
0x8: {  	s26 =	sadd.s32 $0x800, s9;
	[dreg:$0x5] =	wrdreg s25  }
0x9: {  	s12 =	sadd.s32 $0xE00, s9;
	[dreg:$0x6] =	wrdreg s26  }
0xa: {  	s14 =	sadd.s32 $0x1000, s9;
	[dreg:$0xc] =	wrdreg s12  }
0xb: {  	s4 =	sshll.u32 s3, $0x7;
	s16 =	sadd.s32 $0x1200, s9;
	[dreg:$0xe] =	wrdreg s14  }
0xc: {  	s8 =	sor.u32 $0x40, s3;
	s18 =	sadd.s32 $0x1400, s9;
	[dreg:$0x10] =	wrdreg s16  }
0xd: {  	s4 =	sor.u32 $0x1000, s4;
	s20 =	sadd.s32 $0x1600, s9;
	[dreg:$0x12] =	wrdreg s18  }
0xe: {  	s7 =	sshrl.u32 s4, $0x3;
	s22 =	sadd.s32 $0x1800, s9;
	[dreg:$0x14] =	wrdreg s20  }
0xf: {  	s10 =	sshll.u32 s8, $0x4;
	s7 =	sadd.s32 s6, s7;
	[dreg:$0x16] =	wrdreg s22  }
0x10: {  	s4 =	sshll.u32 s4, $0x4;
	s6 =	sadd.s32 s6, s10;
	[dreg:$0x3] =	wrdreg s7  }
0x11: {  	s4 =	sadd.s32 s5, s4;
	[dreg:$0x4] =	wrdreg s6  }
0x12: {  	s10 =	sadd.s32 $0xC00, s9;
	[dreg:$0x7] =	wrdreg s4  }
0x13: {  	s25 =	sadd.s32 $0x1A00, s9;
	[dreg:$0xa] =	wrdreg s10  }
0x14: {  	s12 =	sadd.s32 $0x2000, s9;
	[dreg:$0x18] =	wrdreg s25  }
0x15: {  	s14 =	sadd.s32 $0x2200, s9;
	[dreg:$0x1e] =	wrdreg s12  }
0x16: {  	s16 =	sadd.s32 $0x2400, s9;
	[smem:$0x7EA] =	sst s14  }
0x17: {  	s18 =	sadd.s32 $0x2600, s9;
	[smem:$0x7EC] =	sst s16  }
0x18: {  	s20 =	sadd.s32 $0x2800, s9;
	[smem:$0x7EE] =	sst s18  }
0x19: {  	s22 =	sadd.s32 $0x2A00, s9;
	[smem:$0x7F0] =	sst s20  }
0x1a: {  	s6 =	sadd.s32 $0xA00, s9;
	[smem:$0x7F2] =	sst s22  }
0x1b: {  	s10 =	sadd.s32 $0x1E00, s9;
	[dreg:$0x8] =	wrdreg s6  }
0x1c: {  	s7 =	sshll.u32 s8, $0xB;
	s25 =	sadd.s32 $0x2C00, s9;
	[dreg:$0x1c] =	wrdreg s10  }
0x1d: {  	s6 =	sadd.s32 s5, s7;
	[smem:$0x7F4] =	sst s25  }
0x1e: {  	s7 =	sadd.s32 $0x1C00, s9;
	[dreg:$0x9] =	wrdreg s6  }
0x1f: {  	s8 =	sshll.u32 s3, $0xB;
	s10 =	sadd.s32 $0x3000, s9;
	[dreg:$0x1a] =	wrdreg s7  }
0x20: {  	s4 =	sadd.s32 s5, s8;
	s5 =	sadd.s32 $0x186800, s5;
	[smem:$0x7F9] =	sst s10  }
0x21: {  	s11 =	sadd.s32 $0x30000, s4;
	[smem:$0x7FC] =	sst s5  }
0x22: {  	s13 =	sadd.s32 $0x40000, s4;
	[dreg:$0xb] =	wrdreg s11  }
0x23: {  	s15 =	sadd.s32 $0x50000, s4;
	[dreg:$0xd] =	wrdreg s13  }
0x24: {  	s17 =	sadd.s32 $0x60000, s4;
	[dreg:$0xf] =	wrdreg s15  }
0x25: {  	s19 =	sadd.s32 $0x70000, s4;
	[dreg:$0x11] =	wrdreg s17  }
0x26: {  	s21 =	sadd.s32 $0x80000, s4;
	[dreg:$0x13] =	wrdreg s19  }
0x27: {  	s24 =	sadd.s32 $0x90000, s4;
	[dreg:$0x15] =	wrdreg s21  }
0x28: {  	s26 =	sadd.s32 $0xA0000, s4;
	[dreg:$0x17] =	wrdreg s24  }
0x29: {  	s8 =	sadd.s32 $0xB0000, s4;
	[dreg:$0x19] =	wrdreg s26  }
0x2a: {  	s7 =	sadd.s32 $0x2E00, s9;
	[dreg:$0x1b] =	wrdreg s8  }
0x2b: {  	s12 =	sadd.s32 $0x170000, s4;
	[smem:$0x7F6] =	sst s7  }
0x2c: {  	s11 =	sadd.s32 $0xC0000, s4;
	[smem:$0x7FB] =	sst s12  }
0x2d: {  	s13 =	sadd.s32 $0xD0000, s4;
	[dreg:$0x1d] =	wrdreg s11  }
0x2e: {  	s15 =	sadd.s32 $0xE0000, s4;
	[dreg:$0x1f] =	wrdreg s13  }
0x2f: {  	s17 =	sadd.s32 $0xF0000, s4;
	[smem:$0x7EB] =	sst s15  }
0x30: {  	s19 =	sadd.s32 $0x100000, s4;
	[smem:$0x7ED] =	sst s17  }
0x31: {  	s21 =	sadd.s32 $0x110000, s4;
	[smem:$0x7EF] =	sst s19  }
0x32: {  	s24 =	sadd.s32 $0x120000, s4;
	[smem:$0x7F1] =	sst s21  }
0x33: {  	s26 =	sadd.s32 $0x130000, s4;
	[smem:$0x7F3] =	sst s24  }
0x34: {  	s8 =	sadd.s32 $0x140000, s4;
	[smem:$0x7F5] =	sst s26  }
0x35: {  	[smem:$0x7F7] =	sst s8;
	s11 =	sadd.s32 $0x160000, s4  }
0x36: {  	s13 =	sadd.s32 $0x180000, s4;
	[smem:$0x7FA] =	sst s11  }
0x37: {  	s14 =	simm.s32 $0xA;
	[smem:$0x7FD] =	sst s13  }
0x38: {  	_ =	swait.ge [sflag:s14], $0x80  }
0x39: {  	s6 =	sadd.s32 $0x4000, s1;
	[sflag:s14] =	ssyncset.done $0x0  }
0x3a: {  	s7 =	simm.s32 $0x80;
	s8 =	simm.s32 $0x200;
	[sflag:s14] =	ssyncadd.s32 $0xFFFFFF80  }
0x3b: {  	[tilespmem:s8], [sflag:$0x2] =	stream.indirect.gather [hbm4b:s6+s7], $0x80, s2, s7, $0xb8;
	[tilespmem:$0x10200] =	vst v63  }
0x3c: {  	s9 =	simm.s32 $0x1;
	s15 =	rddreg [dreg:$0x3]  }
0x3d: {  	[tilespmem:s7], [sflag:$0x1] =	stream.linear.gather [hbm4b:s15+s2], $0x80, $0x38;
	[tilespmem:$0x10200] =	vst v63  }
0x3e: {  	_ =	swait.ge [sflag:s9], $0x80  }
0x3f: {  	[sflag:s9] =	ssyncset.done $0x0  }
0x40: {  	s10 =	simm.s32 $0x4200;
	[sflag:s9] =	ssyncadd.s32 $0xFFFFFF80  }
0x41: {  	[tilespmem:s10], [sflag:$0x3] =	stream.indirect.gather [hbm4b:s6+s7], $0x80, s7, s7, $0xb8;
	[tilespmem:$0x10200] =	vst v63  }
0x42: {  	s11 =	simm.s32 $0x100;
	s16 =	rddreg [dreg:$0x4]  }
0x43: {  	[tilespmem:s11], [sflag:$0x1] =	stream.linear.gather [hbm4b:s16+s2], $0x80, $0x38;
	[tilespmem:$0x10200] =	vst v63  }
0x44: {  	_ =	swait.ge [sflag:s9], $0x80  }
0x45: {  	[sflag:s9] =	ssyncset.done $0x0  }
0x46: {  	s12 =	simm.s32 $0x8200;
	[sflag:s9] =	ssyncadd.s32 $0xFFFFFF80  }
0x47: {  	[tilespmem:s12], [sflag:$0x4] =	stream.indirect.gather [hbm4b:s6+s7], $0x80, s11, s7, $0xb8;
	[tilespmem:$0x10200] =	vst v63  }
0x48: {  	s13 =	simm.s32 $0x180;
	s14 =	simm.s32 $0x2;
	s17 =	rddreg [dreg:$0x5]  }
0x49: {  	[tilespmem:s13], [sflag:$0x1] =	stream.linear.gather [hbm4b:s17+s2], $0x80, $0x38;
	[tilespmem:$0x10200] =	vst v63  }
0x4a: {  	_ =	swait.ge [sflag:s14], $0x4000  }
0x4b: {  	[sflag:s14] =	ssyncset.done $0x0  }
0x4c: {  	[sflag:s14] =	ssyncadd.s32 $0xFFFFC000  }
0x4d: {  	[hbm4b:s4+s2] =	stream.linear.scatter [tilespmem:s8], [sflag:$0x6], $0x4000, $0x38;
	[tilespmem:$0x10200] =	vst v63  }
0x4e: {  	_ =	swait.ge [sflag:s9], $0x80  }
0x4f: {  	[sflag:s9] =	ssyncset.done $0x0  }
0x50: {  	s15 =	simm.s32 $0xC200;
	[sflag:s9] =	ssyncadd.s32 $0xFFFFFF80  }
0x51: {  	[tilespmem:s15], [sflag:$0x5] =	stream.indirect.gather [hbm4b:s6+s7], $0x80, s13, s7, $0xb8;
	[tilespmem:$0x10200] =	vst v63  }
0x52: {  	s16 =	simm.s32 $0x3;
	s18 =	rddreg [dreg:$0x6]  }
0x53: {  	[tilespmem:s2], [sflag:$0x1] =	stream.linear.gather [hbm4b:s18+s2], $0x80, $0x38;
	[tilespmem:$0x10200] =	vst v63  }
0x54: {  	_ =	swait.ge [sflag:s16], $0x4000  }
0x55: {  	[sflag:s16] =	ssyncset.done $0x0  }
0x56: {  	s19 =	rddreg [dreg:$0x7];
	[sflag:s16] =	ssyncadd.s32 $0xFFFFC000  }
0x57: {  	[hbm4b:s19+s2] =	stream.linear.scatter [tilespmem:s10], [sflag:$0x7], $0x4000, $0x38;
	[tilespmem:$0x10200] =	vst v63  }
0x58: {  	_ =	swait.ge [sflag:s9], $0x80  }
0x59: {  	[sflag:s9] =	ssyncset.done $0x0  }
0x5a: {  	s17 =	simm.s32 $0x6;
	[sflag:s9] =	ssyncadd.s32 $0xFFFFFF80  }
0x5b: {  	_ =	swait.ge [sflag:s17], $0x4000  }
0x5c: {  	[sflag:s17] =	ssyncset.done $0x0  }
0x5d: {  	[sflag:s17] =	ssyncadd.s32 $0xFFFFC000  }
0x5e: {  	[tilespmem:s8], [sflag:$0x2] =	stream.indirect.gather [hbm4b:s6+s7], $0x80, s2, s7, $0xb8;
	[tilespmem:$0x10200] =	vst v63  }
0x5f: {  	s18 =	simm.s32 $0x4;
	s20 =	rddreg [dreg:$0x8]  }
0x60: {  	[tilespmem:s7], [sflag:$0x1] =	stream.linear.gather [hbm4b:s20+s2], $0x80, $0x38;
	[tilespmem:$0x10200] =	vst v63  }
0x61: {  	_ =	swait.ge [sflag:s18], $0x4000  }
0x62: {  	[sflag:s18] =	ssyncset.done $0x0  }
0x63: {  	s21 =	rddreg [dreg:$0x9];
	[sflag:s18] =	ssyncadd.s32 $0xFFFFC000  }
0x64: {  	[hbm4b:s21+s2] =	stream.linear.scatter [tilespmem:s12], [sflag:$0x8], $0x4000, $0x38;
	[tilespmem:$0x10200] =	vst v63  }
0x65: {  	_ =	swait.ge [sflag:s9], $0x80  }
0x66: {  	[sflag:s9] =	ssyncset.done $0x0  }
0x67: {  	s19 =	simm.s32 $0x7;
	[sflag:s9] =	ssyncadd.s32 $0xFFFFFF80  }
0x68: {  	_ =	swait.ge [sflag:s19], $0x4000  }
0x69: {  	[sflag:s19] =	ssyncset.done $0x0  }
0x6a: {  	[sflag:s19] =	ssyncadd.s32 $0xFFFFC000  }
0x6b: {  	[tilespmem:s10], [sflag:$0x3] =	stream.indirect.gather [hbm4b:s6+s7], $0x80, s7, s7, $0xb8;
	[tilespmem:$0x10200] =	vst v63  }
0x6c: {  	s20 =	simm.s32 $0x5;
	s22 =	rddreg [dreg:$0xa]  }
0x6d: {  	[tilespmem:s11], [sflag:$0x1] =	stream.linear.gather [hbm4b:s22+s2], $0x80, $0x38;
	[tilespmem:$0x10200] =	vst v63  }
0x6e: {  	_ =	swait.ge [sflag:s20], $0x4000  }
0x6f: {  	[sflag:s20] =	ssyncset.done $0x0  }
0x70: {  	s24 =	rddreg [dreg:$0xb];
	[sflag:s20] =	ssyncadd.s32 $0xFFFFC000  }
0x71: {  	[hbm4b:s24+s2] =	stream.linear.scatter [tilespmem:s15], [sflag:$0x9], $0x4000, $0x38;
	[tilespmem:$0x10200] =	vst v63  }
0x72: {  	_ =	swait.ge [sflag:s9], $0x80  }
0x73: {  	[sflag:s9] =	ssyncset.done $0x0  }
0x74: {  	s21 =	simm.s32 $0x8;
	[sflag:s9] =	ssyncadd.s32 $0xFFFFFF80  }
0x75: {  	_ =	swait.ge [sflag:s21], $0x4000  }
0x76: {  	[sflag:s21] =	ssyncset.done $0x0  }
0x77: {  	[sflag:s21] =	ssyncadd.s32 $0xFFFFC000  }
0x78: {  	[tilespmem:s12], [sflag:$0x4] =	stream.indirect.gather [hbm4b:s6+s7], $0x80, s11, s7, $0xb8;
	[tilespmem:$0x10200] =	vst v63  }
0x79: {  	s25 =	rddreg [dreg:$0xc]  }
0x7a: {  	[tilespmem:s13], [sflag:$0x1] =	stream.linear.gather [hbm4b:s25+s2], $0x80, $0x38;
	[tilespmem:$0x10200] =	vst v63  }
0x7b: {  	_ =	swait.ge [sflag:s14], $0x4000  }
0x7c: {  	[sflag:s14] =	ssyncset.done $0x0  }
0x7d: {  	s26 =	rddreg [dreg:$0xd];
	[sflag:s14] =	ssyncadd.s32 $0xFFFFC000  }
0x7e: {  	[hbm4b:s26+s2] =	stream.linear.scatter [tilespmem:s8], [sflag:$0x6], $0x4000, $0x38;
	[tilespmem:$0x10200] =	vst v63  }
0x7f: {  	_ =	swait.ge [sflag:s9], $0x80  }
0x80: {  	[sflag:s9] =	ssyncset.done $0x0  }
0x81: {  	s22 =	simm.s32 $0x9;
	[sflag:s9] =	ssyncadd.s32 $0xFFFFFF80  }
0x82: {  	_ =	swait.ge [sflag:s22], $0x4000  }
0x83: {  	[sflag:s22] =	ssyncset.done $0x0  }
0x84: {  	[sflag:s22] =	ssyncadd.s32 $0xFFFFC000  }
0x85: {  	[tilespmem:s15], [sflag:$0x5] =	stream.indirect.gather [hbm4b:s6+s7], $0x80, s13, s7, $0xb8;
	[tilespmem:$0x10200] =	vst v63  }
0x86: {  	s5 =	rddreg [dreg:$0xe]  }
0x87: {  	[tilespmem:s2], [sflag:$0x1] =	stream.linear.gather [hbm4b:s5+s2], $0x80, $0x38;
	[tilespmem:$0x10200] =	vst v63  }
0x88: {  	_ =	swait.ge [sflag:s16], $0x4000  }
0x89: {  	[sflag:s16] =	ssyncset.done $0x0  }
0x8a: {  	s24 =	rddreg [dreg:$0xf];
	[sflag:s16] =	ssyncadd.s32 $0xFFFFC000  }
0x8b: {  	[hbm4b:s24+s2] =	stream.linear.scatter [tilespmem:s10], [sflag:$0x7], $0x4000, $0x38;
	[tilespmem:$0x10200] =	vst v63  }
0x8c: {  	_ =	swait.ge [sflag:s9], $0x80  }
0x8d: {  	[sflag:s9] =	ssyncset.done $0x0  }
0x8e: {  	[sflag:s9] =	ssyncadd.s32 $0xFFFFFF80  }
0x8f: {  	_ =	swait.ge [sflag:s17], $0x4000  }
0x90: {  	[sflag:s17] =	ssyncset.done $0x0  }
0x91: {  	[sflag:s17] =	ssyncadd.s32 $0xFFFFC000  }
0x92: {  	[tilespmem:s8], [sflag:$0x2] =	stream.indirect.gather [hbm4b:s6+s7], $0x80, s2, s7, $0xb8;
	[tilespmem:$0x10200] =	vst v63  }
0x93: {  	s25 =	rddreg [dreg:$0x10]  }
0x94: {  	[tilespmem:s7], [sflag:$0x1] =	stream.linear.gather [hbm4b:s25+s2], $0x80, $0x38;
	[tilespmem:$0x10200] =	vst v63  }
0x95: {  	_ =	swait.ge [sflag:s18], $0x4000  }
0x96: {  	[sflag:s18] =	ssyncset.done $0x0  }
0x97: {  	s26 =	rddreg [dreg:$0x11];
	[sflag:s18] =	ssyncadd.s32 $0xFFFFC000  }
0x98: {  	[hbm4b:s26+s2] =	stream.linear.scatter [tilespmem:s12], [sflag:$0x8], $0x4000, $0x38;
	[tilespmem:$0x10200] =	vst v63  }
0x99: {  	_ =	swait.ge [sflag:s9], $0x80  }
0x9a: {  	[sflag:s9] =	ssyncset.done $0x0  }
0x9b: {  	[sflag:s9] =	ssyncadd.s32 $0xFFFFFF80  }
0x9c: {  	_ =	swait.ge [sflag:s19], $0x4000  }
0x9d: {  	[sflag:s19] =	ssyncset.done $0x0  }
0x9e: {  	[sflag:s19] =	ssyncadd.s32 $0xFFFFC000  }
0x9f: {  	[tilespmem:s10], [sflag:$0x3] =	stream.indirect.gather [hbm4b:s6+s7], $0x80, s7, s7, $0xb8;
	[tilespmem:$0x10200] =	vst v63  }
0xa0: {  	s5 =	rddreg [dreg:$0x12]  }
0xa1: {  	[tilespmem:s11], [sflag:$0x1] =	stream.linear.gather [hbm4b:s5+s2], $0x80, $0x38;
	[tilespmem:$0x10200] =	vst v63  }
0xa2: {  	_ =	swait.ge [sflag:s20], $0x4000  }
0xa3: {  	[sflag:s20] =	ssyncset.done $0x0  }
0xa4: {  	s24 =	rddreg [dreg:$0x13];
	[sflag:s20] =	ssyncadd.s32 $0xFFFFC000  }
0xa5: {  	[hbm4b:s24+s2] =	stream.linear.scatter [tilespmem:s15], [sflag:$0x9], $0x4000, $0x38;
	[tilespmem:$0x10200] =	vst v63  }
0xa6: {  	_ =	swait.ge [sflag:s9], $0x80  }
0xa7: {  	[sflag:s9] =	ssyncset.done $0x0  }
0xa8: {  	[sflag:s9] =	ssyncadd.s32 $0xFFFFFF80  }
0xa9: {  	_ =	swait.ge [sflag:s21], $0x4000  }
0xaa: {  	[sflag:s21] =	ssyncset.done $0x0  }
0xab: {  	[sflag:s21] =	ssyncadd.s32 $0xFFFFC000  }
0xac: {  	[tilespmem:s12], [sflag:$0x4] =	stream.indirect.gather [hbm4b:s6+s7], $0x80, s11, s7, $0xb8;
	[tilespmem:$0x10200] =	vst v63  }
0xad: {  	s25 =	rddreg [dreg:$0x14]  }
0xae: {  	[tilespmem:s13], [sflag:$0x1] =	stream.linear.gather [hbm4b:s25+s2], $0x80, $0x38;
	[tilespmem:$0x10200] =	vst v63  }
0xaf: {  	_ =	swait.ge [sflag:s14], $0x4000  }
0xb0: {  	[sflag:s14] =	ssyncset.done $0x0  }
0xb1: {  	s26 =	rddreg [dreg:$0x15];
	[sflag:s14] =	ssyncadd.s32 $0xFFFFC000  }
0xb2: {  	[hbm4b:s26+s2] =	stream.linear.scatter [tilespmem:s8], [sflag:$0x6], $0x4000, $0x38;
	[tilespmem:$0x10200] =	vst v63  }
0xb3: {  	_ =	swait.ge [sflag:s9], $0x80  }
0xb4: {  	[sflag:s9] =	ssyncset.done $0x0  }
0xb5: {  	[sflag:s9] =	ssyncadd.s32 $0xFFFFFF80  }
0xb6: {  	_ =	swait.ge [sflag:s22], $0x4000  }
0xb7: {  	[sflag:s22] =	ssyncset.done $0x0  }
0xb8: {  	[sflag:s22] =	ssyncadd.s32 $0xFFFFC000  }
0xb9: {  	[tilespmem:s15], [sflag:$0x5] =	stream.indirect.gather [hbm4b:s6+s7], $0x80, s13, s7, $0xb8;
	[tilespmem:$0x10200] =	vst v63  }
0xba: {  	s5 =	rddreg [dreg:$0x16]  }
0xbb: {  	[tilespmem:s2], [sflag:$0x1] =	stream.linear.gather [hbm4b:s5+s2], $0x80, $0x38;
	[tilespmem:$0x10200] =	vst v63  }
0xbc: {  	_ =	swait.ge [sflag:s16], $0x4000  }
0xbd: {  	[sflag:s16] =	ssyncset.done $0x0  }
0xbe: {  	s24 =	rddreg [dreg:$0x17];
	[sflag:s16] =	ssyncadd.s32 $0xFFFFC000  }
0xbf: {  	[hbm4b:s24+s2] =	stream.linear.scatter [tilespmem:s10], [sflag:$0x7], $0x4000, $0x38;
	[tilespmem:$0x10200] =	vst v63  }
0xc0: {  	_ =	swait.ge [sflag:s9], $0x80  }
0xc1: {  	[sflag:s9] =	ssyncset.done $0x0  }
0xc2: {  	[sflag:s9] =	ssyncadd.s32 $0xFFFFFF80  }
0xc3: {  	_ =	swait.ge [sflag:s17], $0x4000  }
0xc4: {  	[sflag:s17] =	ssyncset.done $0x0  }
0xc5: {  	[sflag:s17] =	ssyncadd.s32 $0xFFFFC000  }
0xc6: {  	[tilespmem:s8], [sflag:$0x2] =	stream.indirect.gather [hbm4b:s6+s7], $0x80, s2, s7, $0xb8;
	[tilespmem:$0x10200] =	vst v63  }
0xc7: {  	s25 =	rddreg [dreg:$0x18]  }
0xc8: {  	[tilespmem:s7], [sflag:$0x1] =	stream.linear.gather [hbm4b:s25+s2], $0x80, $0x38;
	[tilespmem:$0x10200] =	vst v63  }
0xc9: {  	_ =	swait.ge [sflag:s18], $0x4000  }
0xca: {  	[sflag:s18] =	ssyncset.done $0x0  }
0xcb: {  	s26 =	rddreg [dreg:$0x19];
	[sflag:s18] =	ssyncadd.s32 $0xFFFFC000  }
0xcc: {  	[hbm4b:s26+s2] =	stream.linear.scatter [tilespmem:s12], [sflag:$0x8], $0x4000, $0x38;
	[tilespmem:$0x10200] =	vst v63  }
0xcd: {  	_ =	swait.ge [sflag:s9], $0x80  }
0xce: {  	[sflag:s9] =	ssyncset.done $0x0  }
0xcf: {  	[sflag:s9] =	ssyncadd.s32 $0xFFFFFF80  }
0xd0: {  	_ =	swait.ge [sflag:s19], $0x4000  }
0xd1: {  	[sflag:s19] =	ssyncset.done $0x0  }
0xd2: {  	[sflag:s19] =	ssyncadd.s32 $0xFFFFC000  }
0xd3: {  	[tilespmem:s10], [sflag:$0x3] =	stream.indirect.gather [hbm4b:s6+s7], $0x80, s7, s7, $0xb8;
	[tilespmem:$0x10200] =	vst v63  }
0xd4: {  	s5 =	rddreg [dreg:$0x1a]  }
0xd5: {  	[tilespmem:s11], [sflag:$0x1] =	stream.linear.gather [hbm4b:s5+s2], $0x80, $0x38;
	[tilespmem:$0x10200] =	vst v63  }
0xd6: {  	_ =	swait.ge [sflag:s20], $0x4000  }
0xd7: {  	[sflag:s20] =	ssyncset.done $0x0  }
0xd8: {  	s24 =	rddreg [dreg:$0x1b];
	[sflag:s20] =	ssyncadd.s32 $0xFFFFC000  }
0xd9: {  	[hbm4b:s24+s2] =	stream.linear.scatter [tilespmem:s15], [sflag:$0x9], $0x4000, $0x38;
	[tilespmem:$0x10200] =	vst v63  }
0xda: {  	_ =	swait.ge [sflag:s9], $0x80  }
0xdb: {  	[sflag:s9] =	ssyncset.done $0x0  }
0xdc: {  	[sflag:s9] =	ssyncadd.s32 $0xFFFFFF80  }
0xdd: {  	_ =	swait.ge [sflag:s21], $0x4000  }
0xde: {  	[sflag:s21] =	ssyncset.done $0x0  }
0xdf: {  	[sflag:s21] =	ssyncadd.s32 $0xFFFFC000  }
0xe0: {  	[tilespmem:s12], [sflag:$0x4] =	stream.indirect.gather [hbm4b:s6+s7], $0x80, s11, s7, $0xb8;
	[tilespmem:$0x10200] =	vst v63  }
0xe1: {  	s25 =	rddreg [dreg:$0x1c]  }
0xe2: {  	[tilespmem:s13], [sflag:$0x1] =	stream.linear.gather [hbm4b:s25+s2], $0x80, $0x38;
	[tilespmem:$0x10200] =	vst v63  }
0xe3: {  	_ =	swait.ge [sflag:s14], $0x4000  }
0xe4: {  	[sflag:s14] =	ssyncset.done $0x0  }
0xe5: {  	s26 =	rddreg [dreg:$0x1d];
	[sflag:s14] =	ssyncadd.s32 $0xFFFFC000  }
0xe6: {  	[hbm4b:s26+s2] =	stream.linear.scatter [tilespmem:s8], [sflag:$0x6], $0x4000, $0x38;
	[tilespmem:$0x10200] =	vst v63  }
0xe7: {  	_ =	swait.ge [sflag:s9], $0x80  }
0xe8: {  	[sflag:s9] =	ssyncset.done $0x0  }
0xe9: {  	[sflag:s9] =	ssyncadd.s32 $0xFFFFFF80  }
0xea: {  	_ =	swait.ge [sflag:s22], $0x4000  }
0xeb: {  	[sflag:s22] =	ssyncset.done $0x0  }
0xec: {  	[sflag:s22] =	ssyncadd.s32 $0xFFFFC000  }
0xed: {  	[tilespmem:s15], [sflag:$0x5] =	stream.indirect.gather [hbm4b:s6+s7], $0x80, s13, s7, $0xb8;
	[tilespmem:$0x10200] =	vst v63  }
0xee: {  	s5 =	rddreg [dreg:$0x1e]  }
0xef: {  	[tilespmem:s2], [sflag:$0x1] =	stream.linear.gather [hbm4b:s5+s2], $0x80, $0x38;
	[tilespmem:$0x10200] =	vst v63  }
0xf0: {  	_ =	swait.ge [sflag:s16], $0x4000  }
0xf1: {  	[sflag:s16] =	ssyncset.done $0x0  }
0xf2: {  	s24 =	rddreg [dreg:$0x1f];
	[sflag:s16] =	ssyncadd.s32 $0xFFFFC000  }
0xf3: {  	[hbm4b:s24+s2] =	stream.linear.scatter [tilespmem:s10], [sflag:$0x7], $0x4000, $0x38;
	[tilespmem:$0x10200] =	vst v63  }
0xf4: {  	_ =	swait.ge [sflag:s9], $0x80  }
0xf5: {  	[sflag:s9] =	ssyncset.done $0x0  }
0xf6: {  	[sflag:s9] =	ssyncadd.s32 $0xFFFFFF80  }
0xf7: {  	_ =	swait.ge [sflag:s17], $0x4000  }
0xf8: {  	[sflag:s17] =	ssyncset.done $0x0  }
0xf9: {  	s25 =	sld [smem:$0x7EA];
	[sflag:s17] =	ssyncadd.s32 $0xFFFFC000  }
0xfa: {  	[tilespmem:s8], [sflag:$0x2] =	stream.indirect.gather [hbm4b:s6+s7], $0x80, s2, s7, $0xb8;
	[tilespmem:$0x10200] =	vst v63  }
0xfb: {  	_ = 	snop  }
0xfc: {  	[tilespmem:s7], [sflag:$0x1] =	stream.linear.gather [hbm4b:s25+s2], $0x80, $0x38;
	[tilespmem:$0x10200] =	vst v63  }
0xfd: {  	_ =	swait.ge [sflag:s18], $0x4000  }
0xfe: {  	s26 =	sld [smem:$0x7EB]  }
0xff: {  	[sflag:s18] =	ssyncset.done $0x0  }
0x100: {  	[sflag:s18] =	ssyncadd.s32 $0xFFFFC000  }
0x101: {  	[hbm4b:s26+s2] =	stream.linear.scatter [tilespmem:s12], [sflag:$0x8], $0x4000, $0x38;
	[tilespmem:$0x10200] =	vst v63  }
0x102: {  	_ =	swait.ge [sflag:s9], $0x80  }
0x103: {  	[sflag:s9] =	ssyncset.done $0x0  }
0x104: {  	[sflag:s9] =	ssyncadd.s32 $0xFFFFFF80  }
0x105: {  	_ =	swait.ge [sflag:s19], $0x4000  }
0x106: {  	[sflag:s19] =	ssyncset.done $0x0  }
0x107: {  	s5 =	sld [smem:$0x7EC];
	[sflag:s19] =	ssyncadd.s32 $0xFFFFC000  }
0x108: {  	[tilespmem:s10], [sflag:$0x3] =	stream.indirect.gather [hbm4b:s6+s7], $0x80, s7, s7, $0xb8;
	[tilespmem:$0x10200] =	vst v63  }
0x109: {  	_ = 	snop  }
0x10a: {  	[tilespmem:s11], [sflag:$0x1] =	stream.linear.gather [hbm4b:s5+s2], $0x80, $0x38;
	[tilespmem:$0x10200] =	vst v63  }
0x10b: {  	_ =	swait.ge [sflag:s20], $0x4000  }
0x10c: {  	s24 =	sld [smem:$0x7ED]  }
0x10d: {  	[sflag:s20] =	ssyncset.done $0x0  }
0x10e: {  	[sflag:s20] =	ssyncadd.s32 $0xFFFFC000  }
0x10f: {  	[hbm4b:s24+s2] =	stream.linear.scatter [tilespmem:s15], [sflag:$0x9], $0x4000, $0x38;
	[tilespmem:$0x10200] =	vst v63  }
0x110: {  	_ =	swait.ge [sflag:s9], $0x80  }
0x111: {  	[sflag:s9] =	ssyncset.done $0x0  }
0x112: {  	[sflag:s9] =	ssyncadd.s32 $0xFFFFFF80  }
0x113: {  	_ =	swait.ge [sflag:s21], $0x4000  }
0x114: {  	[sflag:s21] =	ssyncset.done $0x0  }
0x115: {  	s25 =	sld [smem:$0x7EE];
	[sflag:s21] =	ssyncadd.s32 $0xFFFFC000  }
0x116: {  	[tilespmem:s12], [sflag:$0x4] =	stream.indirect.gather [hbm4b:s6+s7], $0x80, s11, s7, $0xb8;
	[tilespmem:$0x10200] =	vst v63  }
0x117: {  	_ = 	snop  }
0x118: {  	[tilespmem:s13], [sflag:$0x1] =	stream.linear.gather [hbm4b:s25+s2], $0x80, $0x38;
	[tilespmem:$0x10200] =	vst v63  }
0x119: {  	_ =	swait.ge [sflag:s14], $0x4000  }
0x11a: {  	s26 =	sld [smem:$0x7EF]  }
0x11b: {  	[sflag:s14] =	ssyncset.done $0x0  }
0x11c: {  	[sflag:s14] =	ssyncadd.s32 $0xFFFFC000  }
0x11d: {  	[hbm4b:s26+s2] =	stream.linear.scatter [tilespmem:s8], [sflag:$0x6], $0x4000, $0x38;
	[tilespmem:$0x10200] =	vst v63  }
0x11e: {  	_ =	swait.ge [sflag:s9], $0x80  }
0x11f: {  	[sflag:s9] =	ssyncset.done $0x0  }
0x120: {  	[sflag:s9] =	ssyncadd.s32 $0xFFFFFF80  }
0x121: {  	_ =	swait.ge [sflag:s22], $0x4000  }
0x122: {  	[sflag:s22] =	ssyncset.done $0x0  }
0x123: {  	s5 =	sld [smem:$0x7F0];
	[sflag:s22] =	ssyncadd.s32 $0xFFFFC000  }
0x124: {  	[tilespmem:s15], [sflag:$0x5] =	stream.indirect.gather [hbm4b:s6+s7], $0x80, s13, s7, $0xb8;
	[tilespmem:$0x10200] =	vst v63  }
0x125: {  	_ = 	snop  }
0x126: {  	[tilespmem:s2], [sflag:$0x1] =	stream.linear.gather [hbm4b:s5+s2], $0x80, $0x38;
	[tilespmem:$0x10200] =	vst v63  }
0x127: {  	_ =	swait.ge [sflag:s16], $0x4000  }
0x128: {  	s24 =	sld [smem:$0x7F1]  }
0x129: {  	[sflag:s16] =	ssyncset.done $0x0  }
0x12a: {  	[sflag:s16] =	ssyncadd.s32 $0xFFFFC000  }
0x12b: {  	[hbm4b:s24+s2] =	stream.linear.scatter [tilespmem:s10], [sflag:$0x7], $0x4000, $0x38;
	[tilespmem:$0x10200] =	vst v63  }
0x12c: {  	_ =	swait.ge [sflag:s9], $0x80  }
0x12d: {  	[sflag:s9] =	ssyncset.done $0x0  }
0x12e: {  	[sflag:s9] =	ssyncadd.s32 $0xFFFFFF80  }
0x12f: {  	_ =	swait.ge [sflag:s17], $0x4000  }
0x130: {  	[sflag:s17] =	ssyncset.done $0x0  }
0x131: {  	s25 =	sld [smem:$0x7F2];
	[sflag:s17] =	ssyncadd.s32 $0xFFFFC000  }
0x132: {  	[tilespmem:s8], [sflag:$0x2] =	stream.indirect.gather [hbm4b:s6+s7], $0x80, s2, s7, $0xb8;
	[tilespmem:$0x10200] =	vst v63  }
0x133: {  	_ = 	snop  }
0x134: {  	[tilespmem:s7], [sflag:$0x1] =	stream.linear.gather [hbm4b:s25+s2], $0x80, $0x38;
	[tilespmem:$0x10200] =	vst v63  }
0x135: {  	_ =	swait.ge [sflag:s18], $0x4000  }
0x136: {  	s26 =	sld [smem:$0x7F3]  }
0x137: {  	[sflag:s18] =	ssyncset.done $0x0  }
0x138: {  	[sflag:s18] =	ssyncadd.s32 $0xFFFFC000  }
0x139: {  	[hbm4b:s26+s2] =	stream.linear.scatter [tilespmem:s12], [sflag:$0x8], $0x4000, $0x38;
	[tilespmem:$0x10200] =	vst v63  }
0x13a: {  	_ =	swait.ge [sflag:s9], $0x80  }
0x13b: {  	[sflag:s9] =	ssyncset.done $0x0  }
0x13c: {  	[sflag:s9] =	ssyncadd.s32 $0xFFFFFF80  }
0x13d: {  	_ =	swait.ge [sflag:s19], $0x4000  }
0x13e: {  	[sflag:s19] =	ssyncset.done $0x0  }
0x13f: {  	s5 =	sld [smem:$0x7F4];
	[sflag:s19] =	ssyncadd.s32 $0xFFFFC000  }
0x140: {  	[tilespmem:s10], [sflag:$0x3] =	stream.indirect.gather [hbm4b:s6+s7], $0x80, s7, s7, $0xb8;
	[tilespmem:$0x10200] =	vst v63  }
0x141: {  	_ = 	snop  }
0x142: {  	[tilespmem:s11], [sflag:$0x1] =	stream.linear.gather [hbm4b:s5+s2], $0x80, $0x38;
	[tilespmem:$0x10200] =	vst v63  }
0x143: {  	_ =	swait.ge [sflag:s20], $0x4000  }
0x144: {  	s24 =	sld [smem:$0x7F5]  }
0x145: {  	[sflag:s20] =	ssyncset.done $0x0  }
0x146: {  	[sflag:s20] =	ssyncadd.s32 $0xFFFFC000  }
0x147: {  	[hbm4b:s24+s2] =	stream.linear.scatter [tilespmem:s15], [sflag:$0x9], $0x4000, $0x38;
	[tilespmem:$0x10200] =	vst v63  }
0x148: {  	_ =	swait.ge [sflag:s9], $0x80  }
0x149: {  	[sflag:s9] =	ssyncset.done $0x0  }
0x14a: {  	[sflag:s9] =	ssyncadd.s32 $0xFFFFFF80  }
0x14b: {  	_ =	swait.ge [sflag:s21], $0x4000  }
0x14c: {  	[sflag:s21] =	ssyncset.done $0x0  }
0x14d: {  	s25 =	sld [smem:$0x7F6];
	[sflag:s21] =	ssyncadd.s32 $0xFFFFC000  }
0x14e: {  	[tilespmem:s12], [sflag:$0x4] =	stream.indirect.gather [hbm4b:s6+s7], $0x80, s11, s7, $0xb8;
	[tilespmem:$0x10200] =	vst v63  }
0x14f: {  	_ = 	snop  }
0x150: {  	[tilespmem:s13], [sflag:$0x1] =	stream.linear.gather [hbm4b:s25+s2], $0x80, $0x38;
	[tilespmem:$0x10200] =	vst v63  }
0x151: {  	_ =	swait.ge [sflag:s14], $0x4000  }
0x152: {  	s26 =	sld [smem:$0x7F7]  }
0x153: {  	[sflag:s14] =	ssyncset.done $0x0  }
0x154: {  	[sflag:s14] =	ssyncadd.s32 $0xFFFFC000  }
0x155: {  	[hbm4b:s26+s2] =	stream.linear.scatter [tilespmem:s8], [sflag:$0x6], $0x4000, $0x38;
	[tilespmem:$0x10200] =	vst v63  }
0x156: {  	_ =	swait.ge [sflag:s9], $0x80  }
0x157: {  	[sflag:s9] =	ssyncset.done $0x0  }
0x158: {  	[sflag:s9] =	ssyncadd.s32 $0xFFFFFF80  }
0x159: {  	_ =	swait.ge [sflag:s22], $0x4000  }
0x15a: {  	p0 =	sgt.u32 s23, $0x6;
	[sflag:s22] =	ssyncset.done $0x0  }
0x15b: {  	s1 =	simm.s32 @p0 $0x3;
	[sflag:s22] =	ssyncadd.s32 $0xFFFFC000  }
0x15c: {  	[tilespmem:s15], [sflag:$0x5] =	stream.indirect.gather [hbm4b:s6+s7], $0x80, s13, s7, $0xb8;
	[tilespmem:$0x10200] =	vst v63  }
0x15d: {  	s5 =	simm.s32 @p0 $0x0;
	_ =	swait.ge @p0 [sflag:s1], $0x4000  }
0x15e: {  	s24 =	sadd.s32 $0x150000, s4;
	[sflag:s1] =	ssyncset.done @p0 $0x0;
	[smem:$0x7F8] =	sst s4  }
0x15f: {  	s4 =	simm.s32 @p0 $0x4200;
	[sflag:s1] =	ssyncadd.s32 @p0 $0xFFFFC000;
	s1 =	sld [smem:$0x7F9]  }
0x160: {  	[hbm4b:s24+s5] =	stream.linear.scatter @p0 [tilespmem:s4], [sflag:$0x7], $0x4000, $0x38;
	[tilespmem:$0x10200] =	vst v63  }
0x161: {  	s28 =	simm.s32 @!p0 $0x0;
	s29 =	simm.s32 @!p0 $0x3  }
0x162: {  	[tilespmem:s28], [sflag:$0x1] =	stream.linear.gather @!p0 [hbm4b:s1+s28], $0x80, $0x38;
	[tilespmem:$0x10200] =	vst v63  }
0x163: {  	_ =	swait.ge @!p0 [sflag:s29], $0x4000  }
0x164: {  	[sflag:s29] =	ssyncset.done @!p0 $0x0  }
0x165: {  	s31 =	simm.s32 @!p0 $0x1;
	s1 =	simm.s32 @!p0 $0x4200;
	[sflag:s29] =	ssyncadd.s32 @!p0 $0xFFFFC000  }
0x166: {  	[hbm4b:s24+s28] =	stream.linear.scatter @!p0 [tilespmem:s1], [sflag:$0x7], $0x4000, $0x38;
	[tilespmem:$0x10200] =	vst v63  }
0x167: {  	_ =	swait.ge @!p0 [sflag:s31], $0x80  }
0x168: {  	[sflag:s31] =	ssyncset.done @!p0 $0x0  }
0x169: {  	s1 =	simm.s32 @!p0 $0x6;
	[sflag:s31] =	ssyncadd.s32 @!p0 $0xFFFFFF80  }
0x16a: {  	_ =	swait.ge @!p0 [sflag:s1], $0x4000  }
0x16b: {  	[sflag:s1] =	ssyncset.done @!p0 $0x0  }
0x16c: {  	s4 =	simm.s32 @!p0 $0x80;
	s5 =	simm.s32 @!p0 $0x200;
	[sflag:s1] =	ssyncadd.s32 @!p0 $0xFFFFC000  }
0x16d: {  	[tilespmem:s5], [sflag:$0x2] =	stream.indirect.gather @!p0 [hbm4b:s6+s4], $0x80, s28, s4, $0xb8;
	[tilespmem:$0x10200] =	vst v63  }
0x16e: {  	_ =	swait.ge [sflag:s18], $0x4000  }
0x16f: {  	s25 =	sld [smem:$0x7FA]  }
0x170: {  	[sflag:s18] =	ssyncset.done $0x0  }
0x171: {  	[sflag:s18] =	ssyncadd.s32 $0xFFFFC000  }
0x172: {  	[hbm4b:s25+s2] =	stream.linear.scatter [tilespmem:s12], [sflag:$0x8], $0x4000, $0x38;
	[tilespmem:$0x10200] =	vst v63  }
0x173: {  	_ =	swait.ge [sflag:s20], $0x4000  }
0x174: {  	s4 =	sld [smem:$0x7FB]  }
0x175: {  	[sflag:s20] =	ssyncset.done $0x0  }
0x176: {  	p1 =	sgt.u32 s3, $0xC;
	s26 =	simm.s32 @!p0 $0x2;
	[sflag:s20] =	ssyncadd.s32 $0xFFFFC000  }
0x177: {  	[hbm4b:s4+s2] =	stream.linear.scatter [tilespmem:s15], [sflag:$0x9], $0x4000, $0x38;
	[tilespmem:$0x10200] =	vst v63  }
0x178: {  	p2 =	sne.s32 @p1 s3, $0xD;
	_ =	swait.ge @!p0 [sflag:s26], $0x4000  }
0x179: {  	p2 =	por p2, !p1;
	s3 =	sld [smem:$0x7FC]  }
0x17a: {  	s5 =	simm.s32 @!p2 $0x200;
	[sflag:s26] =	ssyncset.done @!p0 $0x0  }
0x17b: {  	s25 =	simm.s32 @!p2 $0xA;
	s4 =	simm.s32 @!p2 $0x0;
	[sflag:s26] =	ssyncadd.s32 @!p0 $0xFFFFC000  }
0x17c: {  	[hbm4b:s3+s4] =	stream.linear.scatter @!p2 [tilespmem:s5], [sflag:$0xA], $0x1000, $0x38;
	[tilespmem:$0x10200] =	vst v63  }
0x17d: {  	_ =	swait.ge @!p2 [sflag:s25], $0x1000  }
0x17e: {  	s3 =	sld [smem:$0x7FD]  }
0x17f: {  	[sflag:s25] =	ssyncset.done @!p2 $0x0  }
0x180: {  	s4 =	simm.s32 @!p1 $0x0;
	s5 =	simm.s32 @!p1 $0x200;
	[sflag:s25] =	ssyncadd.s32 @!p2 $0xFFFFF000  }
0x181: {  	[hbm4b:s3+s4] =	stream.linear.scatter @!p1 [tilespmem:s5], [sflag:$0x6], $0x4000, $0x38;
	[tilespmem:$0x10200] =	vst v63  }
0x182: {  	_ =	swait.ge [sflag:s19], $0x4000  }
0x183: {  	[sflag:s19] =	ssyncset.done $0x0  }
0x184: {  	[sflag:s19] =	ssyncadd.s32 $0xFFFFC000  }
0x185: {  	s0 =	ssub.s32 $0x2, s0;
	_ =	swait.ge [sflag:s21], $0x4000  }
0x186: {  	s5 =	sshrl.u32 s0, $0x1;
	[sflag:s21] =	ssyncset.done $0x0  }
0x187: {  	s0 =	ssub.s32 s0, s5;
	[sflag:s21] =	ssyncadd.s32 $0xFFFFC000  }
0x188: {  	s0 =	smax.u32 s0, $0x1;
	_ =	swait.ge [sflag:s22], $0x4000  }
0x189: {  	s3 =	sadd.s32 $0xFFFFFFFF, s0;
	[sflag:s22] =	ssyncset.done $0x0  }
0x18a: {  	s30 =	simm.s32 @!p1 $0x6;
	p4 =	sne.s32 s3, $0x0;
	[sflag:s22] =	ssyncadd.s32 $0xFFFFC000  }
.Ltmp0:
0x18b: {  	_ =	swait.ge @!p1 [sflag:s30], $0x4000;
	(pc) =	sbr.rel @!p4 .LBB2_2-.Ltmp0, $4  }
0x18c: {  	p3 =	slt.u32 s23, $0x7;
	[sflag:s30] =	ssyncset.done @!p1 $0x0  }
0x18d: {  	s0 =	simm.s32 @!p3 $0x6;
	[sflag:s30] =	ssyncadd.s32 @!p1 $0xFFFFC000  }
0x18e: {  	_ =	swait.ge @!p3 [sflag:s0], $0x4000  }
0x18f: {  	[sflag:s0] =	ssyncset.done @!p3 $0x0  }
.LBB2_1:
0x190: {  	s4 =	sld [smem:$0x7E9];
	_ =	sdelay $0x1  }
0x191: {  	[sflag:s0] =	ssyncadd.s32 @!p3 $0xFFFFC000;
	s23 =	simm.s32 $0xA  }
0x192: {  	[tilespmem:s2], [sflag:$0xA] =	stream.linear.gather [hbm4b:s4+s2], $0x80, $0x38;
	[tilespmem:$0x10200] =	vst v63  }
0x193: {  	_ =	swait.ge [sflag:s23], $0x80  }
0x194: {  	[sflag:s23] =	ssyncset.done $0x0  }
0x195: {  	[sflag:s23] =	ssyncadd.s32 $0xFFFFFF80  }
0x196: {  	[tilespmem:s8], [sflag:$0x2] =	stream.indirect.gather [hbm4b:s6+s7], $0x80, s2, s7, $0xb8;
	[tilespmem:$0x10200] =	vst v63  }
0x197: {  	s5 =	rddreg [dreg:$0x3]  }
0x198: {  	[tilespmem:s7], [sflag:$0x1] =	stream.linear.gather [hbm4b:s5+s2], $0x80, $0x38;
	[tilespmem:$0x10200] =	vst v63  }
0x199: {  	_ =	swait.ge [sflag:s9], $0x80  }
0x19a: {  	[sflag:s9] =	ssyncset.done $0x0  }
0x19b: {  	[sflag:s9] =	ssyncadd.s32 $0xFFFFFF80  }
0x19c: {  	[tilespmem:s10], [sflag:$0x3] =	stream.indirect.gather [hbm4b:s6+s7], $0x80, s7, s7, $0xb8;
	[tilespmem:$0x10200] =	vst v63  }
0x19d: {  	s23 =	rddreg [dreg:$0x4]  }
0x19e: {  	[tilespmem:s11], [sflag:$0x1] =	stream.linear.gather [hbm4b:s23+s2], $0x80, $0x38;
	[tilespmem:$0x10200] =	vst v63  }
0x19f: {  	_ =	swait.ge [sflag:s9], $0x80  }
0x1a0: {  	[sflag:s9] =	ssyncset.done $0x0  }
0x1a1: {  	[sflag:s9] =	ssyncadd.s32 $0xFFFFFF80  }
0x1a2: {  	[tilespmem:s12], [sflag:$0x4] =	stream.indirect.gather [hbm4b:s6+s7], $0x80, s11, s7, $0xb8;
	[tilespmem:$0x10200] =	vst v63  }
0x1a3: {  	s5 =	rddreg [dreg:$0x5]  }
0x1a4: {  	[tilespmem:s13], [sflag:$0x1] =	stream.linear.gather [hbm4b:s5+s2], $0x80, $0x38;
	[tilespmem:$0x10200] =	vst v63  }
0x1a5: {  	_ =	swait.ge [sflag:s14], $0x4000  }
0x1a6: {  	s23 =	sld [smem:$0x7F8]  }
0x1a7: {  	[sflag:s14] =	ssyncset.done $0x0  }
0x1a8: {  	[sflag:s14] =	ssyncadd.s32 $0xFFFFC000  }
0x1a9: {  	[hbm4b:s23+s2] =	stream.linear.scatter [tilespmem:s8], [sflag:$0x6], $0x4000, $0x38;
	[tilespmem:$0x10200] =	vst v63  }
0x1aa: {  	_ =	swait.ge [sflag:s9], $0x80  }
0x1ab: {  	[sflag:s9] =	ssyncset.done $0x0  }
0x1ac: {  	[sflag:s9] =	ssyncadd.s32 $0xFFFFFF80  }
0x1ad: {  	[tilespmem:s15], [sflag:$0x5] =	stream.indirect.gather [hbm4b:s6+s7], $0x80, s13, s7, $0xb8;
	[tilespmem:$0x10200] =	vst v63  }
0x1ae: {  	s5 =	rddreg [dreg:$0x6]  }
0x1af: {  	[tilespmem:s2], [sflag:$0x1] =	stream.linear.gather [hbm4b:s5+s2], $0x80, $0x38;
	[tilespmem:$0x10200] =	vst v63  }
0x1b0: {  	_ =	swait.ge [sflag:s16], $0x4000  }
0x1b1: {  	[sflag:s16] =	ssyncset.done $0x0  }
0x1b2: {  	s23 =	rddreg [dreg:$0x7];
	[sflag:s16] =	ssyncadd.s32 $0xFFFFC000  }
0x1b3: {  	[hbm4b:s23+s2] =	stream.linear.scatter [tilespmem:s10], [sflag:$0x7], $0x4000, $0x38;
	[tilespmem:$0x10200] =	vst v63  }
0x1b4: {  	_ =	swait.ge [sflag:s9], $0x80  }
0x1b5: {  	[sflag:s9] =	ssyncset.done $0x0  }
0x1b6: {  	[sflag:s9] =	ssyncadd.s32 $0xFFFFFF80  }
0x1b7: {  	_ =	swait.ge [sflag:s17], $0x4000  }
0x1b8: {  	[sflag:s17] =	ssyncset.done $0x0  }
0x1b9: {  	[sflag:s17] =	ssyncadd.s32 $0xFFFFC000  }
0x1ba: {  	[tilespmem:s8], [sflag:$0x2] =	stream.indirect.gather [hbm4b:s6+s7], $0x80, s2, s7, $0xb8;
	[tilespmem:$0x10200] =	vst v63  }
0x1bb: {  	s5 =	rddreg [dreg:$0x8]  }
0x1bc: {  	[tilespmem:s7], [sflag:$0x1] =	stream.linear.gather [hbm4b:s5+s2], $0x80, $0x38;
	[tilespmem:$0x10200] =	vst v63  }
0x1bd: {  	_ =	swait.ge [sflag:s18], $0x4000  }
0x1be: {  	[sflag:s18] =	ssyncset.done $0x0  }
0x1bf: {  	s23 =	rddreg [dreg:$0x9];
	[sflag:s18] =	ssyncadd.s32 $0xFFFFC000  }
0x1c0: {  	[hbm4b:s23+s2] =	stream.linear.scatter [tilespmem:s12], [sflag:$0x8], $0x4000, $0x38;
	[tilespmem:$0x10200] =	vst v63  }
0x1c1: {  	_ =	swait.ge [sflag:s9], $0x80  }
0x1c2: {  	[sflag:s9] =	ssyncset.done $0x0  }
0x1c3: {  	[sflag:s9] =	ssyncadd.s32 $0xFFFFFF80  }
0x1c4: {  	_ =	swait.ge [sflag:s19], $0x4000  }
0x1c5: {  	[sflag:s19] =	ssyncset.done $0x0  }
0x1c6: {  	[sflag:s19] =	ssyncadd.s32 $0xFFFFC000  }
0x1c7: {  	[tilespmem:s10], [sflag:$0x3] =	stream.indirect.gather [hbm4b:s6+s7], $0x80, s7, s7, $0xb8;
	[tilespmem:$0x10200] =	vst v63  }
0x1c8: {  	s5 =	rddreg [dreg:$0xa]  }
0x1c9: {  	[tilespmem:s11], [sflag:$0x1] =	stream.linear.gather [hbm4b:s5+s2], $0x80, $0x38;
	[tilespmem:$0x10200] =	vst v63  }
0x1ca: {  	_ =	swait.ge [sflag:s20], $0x4000  }
0x1cb: {  	[sflag:s20] =	ssyncset.done $0x0  }
0x1cc: {  	s23 =	rddreg [dreg:$0xb];
	[sflag:s20] =	ssyncadd.s32 $0xFFFFC000  }
0x1cd: {  	[hbm4b:s23+s2] =	stream.linear.scatter [tilespmem:s15], [sflag:$0x9], $0x4000, $0x38;
	[tilespmem:$0x10200] =	vst v63  }
0x1ce: {  	_ =	swait.ge [sflag:s9], $0x80  }
0x1cf: {  	[sflag:s9] =	ssyncset.done $0x0  }
0x1d0: {  	[sflag:s9] =	ssyncadd.s32 $0xFFFFFF80  }
0x1d1: {  	_ =	swait.ge [sflag:s21], $0x4000  }
0x1d2: {  	[sflag:s21] =	ssyncset.done $0x0  }
0x1d3: {  	[sflag:s21] =	ssyncadd.s32 $0xFFFFC000  }
0x1d4: {  	[tilespmem:s12], [sflag:$0x4] =	stream.indirect.gather [hbm4b:s6+s7], $0x80, s11, s7, $0xb8;
	[tilespmem:$0x10200] =	vst v63  }
0x1d5: {  	s5 =	rddreg [dreg:$0xc]  }
0x1d6: {  	[tilespmem:s13], [sflag:$0x1] =	stream.linear.gather [hbm4b:s5+s2], $0x80, $0x38;
	[tilespmem:$0x10200] =	vst v63  }
0x1d7: {  	_ =	swait.ge [sflag:s14], $0x4000  }
0x1d8: {  	[sflag:s14] =	ssyncset.done $0x0  }
0x1d9: {  	s23 =	rddreg [dreg:$0xd];
	[sflag:s14] =	ssyncadd.s32 $0xFFFFC000  }
0x1da: {  	[hbm4b:s23+s2] =	stream.linear.scatter [tilespmem:s8], [sflag:$0x6], $0x4000, $0x38;
	[tilespmem:$0x10200] =	vst v63  }
0x1db: {  	_ =	swait.ge [sflag:s9], $0x80  }
0x1dc: {  	[sflag:s9] =	ssyncset.done $0x0  }
0x1dd: {  	[sflag:s9] =	ssyncadd.s32 $0xFFFFFF80  }
0x1de: {  	_ =	swait.ge [sflag:s22], $0x4000  }
0x1df: {  	[sflag:s22] =	ssyncset.done $0x0  }
0x1e0: {  	[sflag:s22] =	ssyncadd.s32 $0xFFFFC000  }
0x1e1: {  	[tilespmem:s15], [sflag:$0x5] =	stream.indirect.gather [hbm4b:s6+s7], $0x80, s13, s7, $0xb8;
	[tilespmem:$0x10200] =	vst v63  }
0x1e2: {  	s5 =	rddreg [dreg:$0xe]  }
0x1e3: {  	[tilespmem:s2], [sflag:$0x1] =	stream.linear.gather [hbm4b:s5+s2], $0x80, $0x38;
	[tilespmem:$0x10200] =	vst v63  }
0x1e4: {  	_ =	swait.ge [sflag:s16], $0x4000  }
0x1e5: {  	[sflag:s16] =	ssyncset.done $0x0  }
0x1e6: {  	s23 =	rddreg [dreg:$0xf];
	[sflag:s16] =	ssyncadd.s32 $0xFFFFC000  }
0x1e7: {  	[hbm4b:s23+s2] =	stream.linear.scatter [tilespmem:s10], [sflag:$0x7], $0x4000, $0x38;
	[tilespmem:$0x10200] =	vst v63  }
0x1e8: {  	_ =	swait.ge [sflag:s9], $0x80  }
0x1e9: {  	[sflag:s9] =	ssyncset.done $0x0  }
0x1ea: {  	[sflag:s9] =	ssyncadd.s32 $0xFFFFFF80  }
0x1eb: {  	_ =	swait.ge [sflag:s17], $0x4000  }
0x1ec: {  	[sflag:s17] =	ssyncset.done $0x0  }
0x1ed: {  	[sflag:s17] =	ssyncadd.s32 $0xFFFFC000  }
0x1ee: {  	[tilespmem:s8], [sflag:$0x2] =	stream.indirect.gather [hbm4b:s6+s7], $0x80, s2, s7, $0xb8;
	[tilespmem:$0x10200] =	vst v63  }
0x1ef: {  	s5 =	rddreg [dreg:$0x10]  }
0x1f0: {  	[tilespmem:s7], [sflag:$0x1] =	stream.linear.gather [hbm4b:s5+s2], $0x80, $0x38;
	[tilespmem:$0x10200] =	vst v63  }
0x1f1: {  	_ =	swait.ge [sflag:s18], $0x4000  }
0x1f2: {  	[sflag:s18] =	ssyncset.done $0x0  }
0x1f3: {  	s23 =	rddreg [dreg:$0x11];
	[sflag:s18] =	ssyncadd.s32 $0xFFFFC000  }
0x1f4: {  	[hbm4b:s23+s2] =	stream.linear.scatter [tilespmem:s12], [sflag:$0x8], $0x4000, $0x38;
	[tilespmem:$0x10200] =	vst v63  }
0x1f5: {  	_ =	swait.ge [sflag:s9], $0x80  }
0x1f6: {  	[sflag:s9] =	ssyncset.done $0x0  }
0x1f7: {  	[sflag:s9] =	ssyncadd.s32 $0xFFFFFF80  }
0x1f8: {  	_ =	swait.ge [sflag:s19], $0x4000  }
0x1f9: {  	[sflag:s19] =	ssyncset.done $0x0  }
0x1fa: {  	[sflag:s19] =	ssyncadd.s32 $0xFFFFC000  }
0x1fb: {  	[tilespmem:s10], [sflag:$0x3] =	stream.indirect.gather [hbm4b:s6+s7], $0x80, s7, s7, $0xb8;
	[tilespmem:$0x10200] =	vst v63  }
0x1fc: {  	s5 =	rddreg [dreg:$0x12]  }
0x1fd: {  	[tilespmem:s11], [sflag:$0x1] =	stream.linear.gather [hbm4b:s5+s2], $0x80, $0x38;
	[tilespmem:$0x10200] =	vst v63  }
0x1fe: {  	_ =	swait.ge [sflag:s20], $0x4000  }
0x1ff: {  	[sflag:s20] =	ssyncset.done $0x0  }
0x200: {  	s23 =	rddreg [dreg:$0x13];
	[sflag:s20] =	ssyncadd.s32 $0xFFFFC000  }
0x201: {  	[hbm4b:s23+s2] =	stream.linear.scatter [tilespmem:s15], [sflag:$0x9], $0x4000, $0x38;
	[tilespmem:$0x10200] =	vst v63  }
0x202: {  	_ =	swait.ge [sflag:s9], $0x80  }
0x203: {  	[sflag:s9] =	ssyncset.done $0x0  }
0x204: {  	[sflag:s9] =	ssyncadd.s32 $0xFFFFFF80  }
0x205: {  	_ =	swait.ge [sflag:s21], $0x4000  }
0x206: {  	[sflag:s21] =	ssyncset.done $0x0  }
0x207: {  	[sflag:s21] =	ssyncadd.s32 $0xFFFFC000  }
0x208: {  	[tilespmem:s12], [sflag:$0x4] =	stream.indirect.gather [hbm4b:s6+s7], $0x80, s11, s7, $0xb8;
	[tilespmem:$0x10200] =	vst v63  }
0x209: {  	s5 =	rddreg [dreg:$0x14]  }
0x20a: {  	[tilespmem:s13], [sflag:$0x1] =	stream.linear.gather [hbm4b:s5+s2], $0x80, $0x38;
	[tilespmem:$0x10200] =	vst v63  }
0x20b: {  	_ =	swait.ge [sflag:s14], $0x4000  }
0x20c: {  	[sflag:s14] =	ssyncset.done $0x0  }
0x20d: {  	s23 =	rddreg [dreg:$0x15];
	[sflag:s14] =	ssyncadd.s32 $0xFFFFC000  }
0x20e: {  	[hbm4b:s23+s2] =	stream.linear.scatter [tilespmem:s8], [sflag:$0x6], $0x4000, $0x38;
	[tilespmem:$0x10200] =	vst v63  }
0x20f: {  	_ =	swait.ge [sflag:s9], $0x80  }
0x210: {  	[sflag:s9] =	ssyncset.done $0x0  }
0x211: {  	[sflag:s9] =	ssyncadd.s32 $0xFFFFFF80  }
0x212: {  	_ =	swait.ge [sflag:s22], $0x4000  }
0x213: {  	[sflag:s22] =	ssyncset.done $0x0  }
0x214: {  	[sflag:s22] =	ssyncadd.s32 $0xFFFFC000  }
0x215: {  	[tilespmem:s15], [sflag:$0x5] =	stream.indirect.gather [hbm4b:s6+s7], $0x80, s13, s7, $0xb8;
	[tilespmem:$0x10200] =	vst v63  }
0x216: {  	s5 =	rddreg [dreg:$0x16]  }
0x217: {  	[tilespmem:s2], [sflag:$0x1] =	stream.linear.gather [hbm4b:s5+s2], $0x80, $0x38;
	[tilespmem:$0x10200] =	vst v63  }
0x218: {  	_ =	swait.ge [sflag:s16], $0x4000  }
0x219: {  	[sflag:s16] =	ssyncset.done $0x0  }
0x21a: {  	s23 =	rddreg [dreg:$0x17];
	[sflag:s16] =	ssyncadd.s32 $0xFFFFC000  }
0x21b: {  	[hbm4b:s23+s2] =	stream.linear.scatter [tilespmem:s10], [sflag:$0x7], $0x4000, $0x38;
	[tilespmem:$0x10200] =	vst v63  }
0x21c: {  	_ =	swait.ge [sflag:s9], $0x80  }
0x21d: {  	[sflag:s9] =	ssyncset.done $0x0  }
0x21e: {  	[sflag:s9] =	ssyncadd.s32 $0xFFFFFF80  }
0x21f: {  	_ =	swait.ge [sflag:s17], $0x4000  }
0x220: {  	[sflag:s17] =	ssyncset.done $0x0  }
0x221: {  	[sflag:s17] =	ssyncadd.s32 $0xFFFFC000  }
0x222: {  	[tilespmem:s8], [sflag:$0x2] =	stream.indirect.gather [hbm4b:s6+s7], $0x80, s2, s7, $0xb8;
	[tilespmem:$0x10200] =	vst v63  }
0x223: {  	s5 =	rddreg [dreg:$0x18]  }
0x224: {  	[tilespmem:s7], [sflag:$0x1] =	stream.linear.gather [hbm4b:s5+s2], $0x80, $0x38;
	[tilespmem:$0x10200] =	vst v63  }
0x225: {  	_ =	swait.ge [sflag:s18], $0x4000  }
0x226: {  	[sflag:s18] =	ssyncset.done $0x0  }
0x227: {  	s23 =	rddreg [dreg:$0x19];
	[sflag:s18] =	ssyncadd.s32 $0xFFFFC000  }
0x228: {  	[hbm4b:s23+s2] =	stream.linear.scatter [tilespmem:s12], [sflag:$0x8], $0x4000, $0x38;
	[tilespmem:$0x10200] =	vst v63  }
0x229: {  	_ =	swait.ge [sflag:s9], $0x80  }
0x22a: {  	[sflag:s9] =	ssyncset.done $0x0  }
0x22b: {  	[sflag:s9] =	ssyncadd.s32 $0xFFFFFF80  }
0x22c: {  	_ =	swait.ge [sflag:s19], $0x4000  }
0x22d: {  	[sflag:s19] =	ssyncset.done $0x0  }
0x22e: {  	[sflag:s19] =	ssyncadd.s32 $0xFFFFC000  }
0x22f: {  	[tilespmem:s10], [sflag:$0x3] =	stream.indirect.gather [hbm4b:s6+s7], $0x80, s7, s7, $0xb8;
	[tilespmem:$0x10200] =	vst v63  }
0x230: {  	s5 =	rddreg [dreg:$0x1a]  }
0x231: {  	[tilespmem:s11], [sflag:$0x1] =	stream.linear.gather [hbm4b:s5+s2], $0x80, $0x38;
	[tilespmem:$0x10200] =	vst v63  }
0x232: {  	_ =	swait.ge [sflag:s20], $0x4000  }
0x233: {  	[sflag:s20] =	ssyncset.done $0x0  }
0x234: {  	s23 =	rddreg [dreg:$0x1b];
	[sflag:s20] =	ssyncadd.s32 $0xFFFFC000  }
0x235: {  	[hbm4b:s23+s2] =	stream.linear.scatter [tilespmem:s15], [sflag:$0x9], $0x4000, $0x38;
	[tilespmem:$0x10200] =	vst v63  }
0x236: {  	_ =	swait.ge [sflag:s9], $0x80  }
0x237: {  	[sflag:s9] =	ssyncset.done $0x0  }
0x238: {  	[sflag:s9] =	ssyncadd.s32 $0xFFFFFF80  }
0x239: {  	_ =	swait.ge [sflag:s21], $0x4000  }
0x23a: {  	[sflag:s21] =	ssyncset.done $0x0  }
0x23b: {  	[sflag:s21] =	ssyncadd.s32 $0xFFFFC000  }
0x23c: {  	[tilespmem:s12], [sflag:$0x4] =	stream.indirect.gather [hbm4b:s6+s7], $0x80, s11, s7, $0xb8;
	[tilespmem:$0x10200] =	vst v63  }
0x23d: {  	s5 =	rddreg [dreg:$0x1c]  }
0x23e: {  	[tilespmem:s13], [sflag:$0x1] =	stream.linear.gather [hbm4b:s5+s2], $0x80, $0x38;
	[tilespmem:$0x10200] =	vst v63  }
0x23f: {  	_ =	swait.ge [sflag:s14], $0x4000  }
0x240: {  	[sflag:s14] =	ssyncset.done $0x0  }
0x241: {  	s23 =	rddreg [dreg:$0x1d];
	[sflag:s14] =	ssyncadd.s32 $0xFFFFC000  }
0x242: {  	[hbm4b:s23+s2] =	stream.linear.scatter [tilespmem:s8], [sflag:$0x6], $0x4000, $0x38;
	[tilespmem:$0x10200] =	vst v63  }
0x243: {  	_ =	swait.ge [sflag:s9], $0x80  }
0x244: {  	[sflag:s9] =	ssyncset.done $0x0  }
0x245: {  	[sflag:s9] =	ssyncadd.s32 $0xFFFFFF80  }
0x246: {  	_ =	swait.ge [sflag:s22], $0x4000  }
0x247: {  	[sflag:s22] =	ssyncset.done $0x0  }
0x248: {  	[sflag:s22] =	ssyncadd.s32 $0xFFFFC000  }
0x249: {  	[tilespmem:s15], [sflag:$0x5] =	stream.indirect.gather [hbm4b:s6+s7], $0x80, s13, s7, $0xb8;
	[tilespmem:$0x10200] =	vst v63  }
0x24a: {  	s5 =	rddreg [dreg:$0x1e]  }
0x24b: {  	[tilespmem:s2], [sflag:$0x1] =	stream.linear.gather [hbm4b:s5+s2], $0x80, $0x38;
	[tilespmem:$0x10200] =	vst v63  }
0x24c: {  	_ =	swait.ge [sflag:s16], $0x4000  }
0x24d: {  	[sflag:s16] =	ssyncset.done $0x0  }
0x24e: {  	s23 =	rddreg [dreg:$0x1f];
	[sflag:s16] =	ssyncadd.s32 $0xFFFFC000  }
0x24f: {  	[hbm4b:s23+s2] =	stream.linear.scatter [tilespmem:s10], [sflag:$0x7], $0x4000, $0x38;
	[tilespmem:$0x10200] =	vst v63  }
0x250: {  	_ =	swait.ge [sflag:s9], $0x80  }
0x251: {  	[sflag:s9] =	ssyncset.done $0x0  }
0x252: {  	[sflag:s9] =	ssyncadd.s32 $0xFFFFFF80  }
0x253: {  	_ =	swait.ge [sflag:s17], $0x4000  }
0x254: {  	[sflag:s17] =	ssyncset.done $0x0  }
0x255: {  	s5 =	sld [smem:$0x7EA];
	[sflag:s17] =	ssyncadd.s32 $0xFFFFC000  }
0x256: {  	[tilespmem:s8], [sflag:$0x2] =	stream.indirect.gather [hbm4b:s6+s7], $0x80, s2, s7, $0xb8;
	[tilespmem:$0x10200] =	vst v63  }
0x257: {  	_ = 	snop  }
0x258: {  	[tilespmem:s7], [sflag:$0x1] =	stream.linear.gather [hbm4b:s5+s2], $0x80, $0x38;
	[tilespmem:$0x10200] =	vst v63  }
0x259: {  	_ =	swait.ge [sflag:s18], $0x4000  }
0x25a: {  	s23 =	sld [smem:$0x7EB]  }
0x25b: {  	[sflag:s18] =	ssyncset.done $0x0  }
0x25c: {  	[sflag:s18] =	ssyncadd.s32 $0xFFFFC000  }
0x25d: {  	[hbm4b:s23+s2] =	stream.linear.scatter [tilespmem:s12], [sflag:$0x8], $0x4000, $0x38;
	[tilespmem:$0x10200] =	vst v63  }
0x25e: {  	_ =	swait.ge [sflag:s9], $0x80  }
0x25f: {  	[sflag:s9] =	ssyncset.done $0x0  }
0x260: {  	[sflag:s9] =	ssyncadd.s32 $0xFFFFFF80  }
0x261: {  	_ =	swait.ge [sflag:s19], $0x4000  }
0x262: {  	[sflag:s19] =	ssyncset.done $0x0  }
0x263: {  	s5 =	sld [smem:$0x7EC];
	[sflag:s19] =	ssyncadd.s32 $0xFFFFC000  }
0x264: {  	[tilespmem:s10], [sflag:$0x3] =	stream.indirect.gather [hbm4b:s6+s7], $0x80, s7, s7, $0xb8;
	[tilespmem:$0x10200] =	vst v63  }
0x265: {  	_ = 	snop  }
0x266: {  	[tilespmem:s11], [sflag:$0x1] =	stream.linear.gather [hbm4b:s5+s2], $0x80, $0x38;
	[tilespmem:$0x10200] =	vst v63  }
0x267: {  	_ =	swait.ge [sflag:s20], $0x4000  }
0x268: {  	s23 =	sld [smem:$0x7ED]  }
0x269: {  	[sflag:s20] =	ssyncset.done $0x0  }
0x26a: {  	[sflag:s20] =	ssyncadd.s32 $0xFFFFC000  }
0x26b: {  	[hbm4b:s23+s2] =	stream.linear.scatter [tilespmem:s15], [sflag:$0x9], $0x4000, $0x38;
	[tilespmem:$0x10200] =	vst v63  }
0x26c: {  	_ =	swait.ge [sflag:s9], $0x80  }
0x26d: {  	[sflag:s9] =	ssyncset.done $0x0  }
0x26e: {  	[sflag:s9] =	ssyncadd.s32 $0xFFFFFF80  }
0x26f: {  	_ =	swait.ge [sflag:s21], $0x4000  }
0x270: {  	[sflag:s21] =	ssyncset.done $0x0  }
0x271: {  	s5 =	sld [smem:$0x7EE];
	[sflag:s21] =	ssyncadd.s32 $0xFFFFC000  }
0x272: {  	[tilespmem:s12], [sflag:$0x4] =	stream.indirect.gather [hbm4b:s6+s7], $0x80, s11, s7, $0xb8;
	[tilespmem:$0x10200] =	vst v63  }
0x273: {  	_ = 	snop  }
0x274: {  	[tilespmem:s13], [sflag:$0x1] =	stream.linear.gather [hbm4b:s5+s2], $0x80, $0x38;
	[tilespmem:$0x10200] =	vst v63  }
0x275: {  	_ =	swait.ge [sflag:s14], $0x4000  }
0x276: {  	s23 =	sld [smem:$0x7EF]  }
0x277: {  	[sflag:s14] =	ssyncset.done $0x0  }
0x278: {  	[sflag:s14] =	ssyncadd.s32 $0xFFFFC000  }
0x279: {  	[hbm4b:s23+s2] =	stream.linear.scatter [tilespmem:s8], [sflag:$0x6], $0x4000, $0x38;
	[tilespmem:$0x10200] =	vst v63  }
0x27a: {  	_ =	swait.ge [sflag:s9], $0x80  }
0x27b: {  	[sflag:s9] =	ssyncset.done $0x0  }
0x27c: {  	[sflag:s9] =	ssyncadd.s32 $0xFFFFFF80  }
0x27d: {  	_ =	swait.ge [sflag:s22], $0x4000  }
0x27e: {  	[sflag:s22] =	ssyncset.done $0x0  }
0x27f: {  	s5 =	sld [smem:$0x7F0];
	[sflag:s22] =	ssyncadd.s32 $0xFFFFC000  }
0x280: {  	[tilespmem:s15], [sflag:$0x5] =	stream.indirect.gather [hbm4b:s6+s7], $0x80, s13, s7, $0xb8;
	[tilespmem:$0x10200] =	vst v63  }
0x281: {  	_ = 	snop  }
0x282: {  	[tilespmem:s2], [sflag:$0x1] =	stream.linear.gather [hbm4b:s5+s2], $0x80, $0x38;
	[tilespmem:$0x10200] =	vst v63  }
0x283: {  	_ =	swait.ge [sflag:s16], $0x4000  }
0x284: {  	s23 =	sld [smem:$0x7F1]  }
0x285: {  	[sflag:s16] =	ssyncset.done $0x0  }
0x286: {  	[sflag:s16] =	ssyncadd.s32 $0xFFFFC000  }
0x287: {  	[hbm4b:s23+s2] =	stream.linear.scatter [tilespmem:s10], [sflag:$0x7], $0x4000, $0x38;
	[tilespmem:$0x10200] =	vst v63  }
0x288: {  	_ =	swait.ge [sflag:s9], $0x80  }
0x289: {  	[sflag:s9] =	ssyncset.done $0x0  }
0x28a: {  	[sflag:s9] =	ssyncadd.s32 $0xFFFFFF80  }
0x28b: {  	_ =	swait.ge [sflag:s17], $0x4000  }
0x28c: {  	[sflag:s17] =	ssyncset.done $0x0  }
0x28d: {  	s5 =	sld [smem:$0x7F2];
	[sflag:s17] =	ssyncadd.s32 $0xFFFFC000  }
0x28e: {  	[tilespmem:s8], [sflag:$0x2] =	stream.indirect.gather [hbm4b:s6+s7], $0x80, s2, s7, $0xb8;
	[tilespmem:$0x10200] =	vst v63  }
0x28f: {  	_ = 	snop  }
0x290: {  	[tilespmem:s7], [sflag:$0x1] =	stream.linear.gather [hbm4b:s5+s2], $0x80, $0x38;
	[tilespmem:$0x10200] =	vst v63  }
0x291: {  	_ =	swait.ge [sflag:s18], $0x4000  }
0x292: {  	s23 =	sld [smem:$0x7F3]  }
0x293: {  	[sflag:s18] =	ssyncset.done $0x0  }
0x294: {  	[sflag:s18] =	ssyncadd.s32 $0xFFFFC000  }
0x295: {  	[hbm4b:s23+s2] =	stream.linear.scatter [tilespmem:s12], [sflag:$0x8], $0x4000, $0x38;
	[tilespmem:$0x10200] =	vst v63  }
0x296: {  	_ =	swait.ge [sflag:s9], $0x80  }
0x297: {  	[sflag:s9] =	ssyncset.done $0x0  }
0x298: {  	[sflag:s9] =	ssyncadd.s32 $0xFFFFFF80  }
0x299: {  	_ =	swait.ge [sflag:s19], $0x4000  }
0x29a: {  	[sflag:s19] =	ssyncset.done $0x0  }
0x29b: {  	s5 =	sld [smem:$0x7F4];
	[sflag:s19] =	ssyncadd.s32 $0xFFFFC000  }
0x29c: {  	[tilespmem:s10], [sflag:$0x3] =	stream.indirect.gather [hbm4b:s6+s7], $0x80, s7, s7, $0xb8;
	[tilespmem:$0x10200] =	vst v63  }
0x29d: {  	_ = 	snop  }
0x29e: {  	[tilespmem:s11], [sflag:$0x1] =	stream.linear.gather [hbm4b:s5+s2], $0x80, $0x38;
	[tilespmem:$0x10200] =	vst v63  }
0x29f: {  	_ =	swait.ge [sflag:s20], $0x4000  }
0x2a0: {  	s23 =	sld [smem:$0x7F5]  }
0x2a1: {  	[sflag:s20] =	ssyncset.done $0x0  }
0x2a2: {  	[sflag:s20] =	ssyncadd.s32 $0xFFFFC000  }
0x2a3: {  	[hbm4b:s23+s2] =	stream.linear.scatter [tilespmem:s15], [sflag:$0x9], $0x4000, $0x38;
	[tilespmem:$0x10200] =	vst v63  }
0x2a4: {  	_ =	swait.ge [sflag:s9], $0x80  }
0x2a5: {  	[sflag:s9] =	ssyncset.done $0x0  }
0x2a6: {  	[sflag:s9] =	ssyncadd.s32 $0xFFFFFF80  }
0x2a7: {  	_ =	swait.ge [sflag:s21], $0x4000  }
0x2a8: {  	[sflag:s21] =	ssyncset.done $0x0  }
0x2a9: {  	s5 =	sld [smem:$0x7F6];
	[sflag:s21] =	ssyncadd.s32 $0xFFFFC000  }
0x2aa: {  	[tilespmem:s12], [sflag:$0x4] =	stream.indirect.gather [hbm4b:s6+s7], $0x80, s11, s7, $0xb8;
	[tilespmem:$0x10200] =	vst v63  }
0x2ab: {  	_ = 	snop  }
0x2ac: {  	[tilespmem:s13], [sflag:$0x1] =	stream.linear.gather [hbm4b:s5+s2], $0x80, $0x38;
	[tilespmem:$0x10200] =	vst v63  }
0x2ad: {  	_ =	swait.ge [sflag:s14], $0x4000  }
0x2ae: {  	s23 =	sld [smem:$0x7F7]  }
0x2af: {  	[sflag:s14] =	ssyncset.done $0x0  }
0x2b0: {  	[sflag:s14] =	ssyncadd.s32 $0xFFFFC000  }
0x2b1: {  	[hbm4b:s23+s2] =	stream.linear.scatter [tilespmem:s8], [sflag:$0x6], $0x4000, $0x38;
	[tilespmem:$0x10200] =	vst v63  }
0x2b2: {  	_ =	swait.ge [sflag:s9], $0x80  }
0x2b3: {  	[sflag:s9] =	ssyncset.done $0x0  }
0x2b4: {  	[sflag:s9] =	ssyncadd.s32 $0xFFFFFF80  }
0x2b5: {  	_ =	swait.ge [sflag:s22], $0x4000  }
0x2b6: {  	[sflag:s22] =	ssyncset.done $0x0  }
0x2b7: {  	s4 =	simm.s32 @p0 $0x3;
	[sflag:s22] =	ssyncadd.s32 $0xFFFFC000  }
0x2b8: {  	[tilespmem:s15], [sflag:$0x5] =	stream.indirect.gather [hbm4b:s6+s7], $0x80, s13, s7, $0xb8;
	[tilespmem:$0x10200] =	vst v63  }
0x2b9: {  	_ =	swait.ge @p0 [sflag:s4], $0x4000  }
0x2ba: {  	s5 =	simm.s32 @p0 $0x4200;
	[sflag:s4] =	ssyncset.done @p0 $0x0  }
0x2bb: {  	s23 =	simm.s32 @p0 $0x0;
	[sflag:s4] =	ssyncadd.s32 @p0 $0xFFFFC000;
	s4 =	sld [smem:$0x7F9]  }
0x2bc: {  	[hbm4b:s24+s23] =	stream.linear.scatter @p0 [tilespmem:s5], [sflag:$0x7], $0x4000, $0x38;
	[tilespmem:$0x10200] =	vst v63  }
0x2bd: {  	_ = 	snop  }
0x2be: {  	[tilespmem:s28], [sflag:$0x1] =	stream.linear.gather @!p0 [hbm4b:s4+s28], $0x80, $0x38;
	[tilespmem:$0x10200] =	vst v63  }
0x2bf: {  	_ =	swait.ge @!p0 [sflag:s29], $0x4000  }
0x2c0: {  	[sflag:s29] =	ssyncset.done @!p0 $0x0  }
0x2c1: {  	s4 =	simm.s32 @!p0 $0x4200;
	[sflag:s29] =	ssyncadd.s32 @!p0 $0xFFFFC000  }
0x2c2: {  	[hbm4b:s24+s28] =	stream.linear.scatter @!p0 [tilespmem:s4], [sflag:$0x7], $0x4000, $0x38;
	[tilespmem:$0x10200] =	vst v63  }
0x2c3: {  	_ =	swait.ge @!p0 [sflag:s31], $0x80  }
0x2c4: {  	[sflag:s31] =	ssyncset.done @!p0 $0x0  }
0x2c5: {  	[sflag:s31] =	ssyncadd.s32 @!p0 $0xFFFFFF80  }
0x2c6: {  	_ =	swait.ge @!p0 [sflag:s1], $0x4000  }
0x2c7: {  	[sflag:s1] =	ssyncset.done @!p0 $0x0  }
0x2c8: {  	s5 =	simm.s32 @!p0 $0x200;
	s4 =	simm.s32 @!p0 $0x80;
	[sflag:s1] =	ssyncadd.s32 @!p0 $0xFFFFC000  }
0x2c9: {  	[tilespmem:s5], [sflag:$0x2] =	stream.indirect.gather @!p0 [hbm4b:s6+s4], $0x80, s28, s4, $0xb8;
	[tilespmem:$0x10200] =	vst v63  }
0x2ca: {  	_ =	swait.ge [sflag:s18], $0x4000  }
0x2cb: {  	s5 =	sld [smem:$0x7FA]  }
0x2cc: {  	[sflag:s18] =	ssyncset.done $0x0  }
0x2cd: {  	[sflag:s18] =	ssyncadd.s32 $0xFFFFC000  }
0x2ce: {  	[hbm4b:s5+s2] =	stream.linear.scatter [tilespmem:s12], [sflag:$0x8], $0x4000, $0x38;
	[tilespmem:$0x10200] =	vst v63  }
0x2cf: {  	_ =	swait.ge [sflag:s20], $0x4000  }
0x2d0: {  	s23 =	sld [smem:$0x7FB]  }
0x2d1: {  	[sflag:s20] =	ssyncset.done $0x0  }
0x2d2: {  	[sflag:s20] =	ssyncadd.s32 $0xFFFFC000  }
0x2d3: {  	[hbm4b:s23+s2] =	stream.linear.scatter [tilespmem:s15], [sflag:$0x9], $0x4000, $0x38;
	[tilespmem:$0x10200] =	vst v63  }
0x2d4: {  	_ =	swait.ge @!p0 [sflag:s26], $0x4000  }
0x2d5: {  	s4 =	sld [smem:$0x7FC]  }
0x2d6: {  	[sflag:s26] =	ssyncset.done @!p0 $0x0  }
0x2d7: {  	s5 =	simm.s32 @!p2 $0x0;
	s23 =	simm.s32 @!p2 $0x200;
	[sflag:s26] =	ssyncadd.s32 @!p0 $0xFFFFC000  }
0x2d8: {  	[hbm4b:s4+s5] =	stream.linear.scatter @!p2 [tilespmem:s23], [sflag:$0xA], $0x1000, $0x38;
	[tilespmem:$0x10200] =	vst v63  }
0x2d9: {  	_ =	swait.ge @!p2 [sflag:s25], $0x1000  }
0x2da: {  	s4 =	sld [smem:$0x7FD]  }
0x2db: {  	[sflag:s25] =	ssyncset.done @!p2 $0x0  }
0x2dc: {  	s5 =	simm.s32 @!p1 $0x0;
	s23 =	simm.s32 @!p1 $0x200;
	[sflag:s25] =	ssyncadd.s32 @!p2 $0xFFFFF000  }
0x2dd: {  	[hbm4b:s4+s5] =	stream.linear.scatter @!p1 [tilespmem:s23], [sflag:$0x6], $0x4000, $0x38;
	[tilespmem:$0x10200] =	vst v63  }
0x2de: {  	_ =	swait.ge [sflag:s19], $0x4000  }
0x2df: {  	[sflag:s19] =	ssyncset.done $0x0  }
0x2e0: {  	[sflag:s19] =	ssyncadd.s32 $0xFFFFC000  }
0x2e1: {  	_ =	swait.ge [sflag:s21], $0x4000  }
0x2e2: {  	[sflag:s21] =	ssyncset.done $0x0  }
0x2e3: {  	[sflag:s21] =	ssyncadd.s32 $0xFFFFC000  }
0x2e4: {  	_ =	swait.ge [sflag:s22], $0x4000  }
0x2e5: {  	s3 =	sadd.s32 $0xFFFFFFFF, s3;
	[sflag:s22] =	ssyncset.done $0x0  }
0x2e6: {  	p4 =	sne.s32 s3, $0x0;
	[sflag:s22] =	ssyncadd.s32 $0xFFFFC000  }
.Ltmp1:
0x2e7: {  	_ =	swait.ge @!p1 [sflag:s30], $0x4000;
	(pc) =	sbr.rel @p4 .LBB2_1-.Ltmp1, $4  }
0x2e8: {  	[sflag:s30] =	ssyncset.done @!p1 $0x0  }
0x2e9: {  	[sflag:s30] =	ssyncadd.s32 @!p1 $0xFFFFC000  }
0x2ea: {  	_ =	swait.ge @!p3 [sflag:s0], $0x4000  }
0x2eb: {  	[sflag:s0] =	ssyncset.done @!p3 $0x0  }
.LBB2_2:
0x2ec: {  	[sflag:s0] =	ssyncadd.s32 @!p3 $0xFFFFC000  }
0x2ed: {  	_ =	sfence.sel $0x180000  }
0x2ee: {  	[bflag:$0x0] =	sbarrier.arrive $0xFFFF  }
0x2ef: {  	_ =	strace $0x90000047  }
0x2f0: {  	s31 =	stileid.u32;
	[bflag:$0x2] =	sbarrier.arrive $0xFFFF  }
0x2f1: {  	p0 =	sne.s32 s31, $0x0;
	s0 =	rddreg [dreg:$0x2]  }
0x2f2: {  	s0 =	sadd.s32 @!p0 $0x100000, s0  }
0x2f3: {  	[sflag:s0] =	ssyncadd.tile.s32 @!p0 $0x1;
	_ =	shalt  }
.Lfunc_end2:
_tile_overlayer_lowered:
.L_overlay_start_2:
0x2f4: {  	(tag) =	ssettag $0x2  }
0x2f5: {  	s0 =	rddreg [dreg:$0x0];
	s2 =	stileid.u32  }
0x2f6: {  	s1 =	rddreg [dreg:$0x1];
	p0 =	sne.s32 s2, $0x0  }
0x2f7: {  	s3 =	rddreg [dreg:$0x2];
	[bflag:$0x3] =	sbarrier.arrive $0xFFFF;
	s2 =	simm.s32 @!p0 $0x1C0A  }
0x2f8: {  	[timem:s3], [sflag:s2] =	dma.local @!p0 [hbm:s0], s1  }
0x2f9: {  	s0 =	simm.s32 @!p0 $0xA  }
0x2fa: {  	_ =	swait.ge @!p0 [sflag:s0], s1  }
0x2fb: {  	s1 =	ssub.s32 @!p0 $0x0, s1;
	[sflag:s0] =	ssyncset.done @!p0 $0x0  }
0x2fc: {  	[sflag:s0] =	ssyncadd.s32 @!p0 s1  }
0x2fd: {  	[bflag:$0x3] =	sbarrier.arrive $0xFFFF  }
0x2fe: {  	_ =	shalt  }

</sc_bundles>
